<compile_context>
chip_gen: v7x
topology: tpu7x:2x2x1
jax: 0.10.2.dev20260603
libtpu: 0.0.44.dev20260713+nightly
codegen_flags: <defaults>
</compile_context>

<pallas_src>
import functools

import jax
import jax.numpy as jnp
from jax import lax
from jax.experimental import pallas as pl
from jax.experimental.pallas import tpu as pltpu
from jax.experimental.pallas import tpu_sc as plsc

N = 10000
D = 128
E = 320000
NC, NS = 2, 16
DW = D // NC
CHUNK = 128
CPT = 157
EPT = CPT * CHUNK
R = 10240
RPT = R // NS
ZROWS = 32


def _agg_body(with_cnt, src_hbm, dst_hbm, x_hbm, *refs):
  if with_cnt:
    agg_hbm, cnt_hbm = refs[0], refs[1]
    refs = refs[2:]
  else:
    agg_hbm = refs[0]
    refs = refs[1:]
  (src_v, dst_v, rows0_v, rows1_v, rows2_v, zrow_v, ones_v, zcnt_v, acc_sh,
   cnt_sh, sem0, sem1, sem2, ssem0, ssem1, ssem2) = refs
  bufs = (rows0_v, rows1_v, rows2_v)
  sems = (sem0, sem1, sem2)
  ssems = (ssem0, ssem1, ssem2)

  c = lax.axis_index("c")
  s = lax.axis_index("s")
  base = s * RPT

  zero16 = jnp.zeros((16,), jnp.float32)
  zero32b = jnp.zeros((32,), jnp.bfloat16)

  def zfill(i, _):
    for j in range(DW // 32):
      zrow_v[i, pl.ds(j * 32, 32)] = zero32b
    return 0

  lax.fori_loop(0, ZROWS, zfill, 0)

  def zcopy(i, _):
    pltpu.sync_copy(zrow_v, acc_sh.at[pl.ds(base + i * ZROWS, ZROWS)])
    return 0

  lax.fori_loop(0, RPT // ZROWS, zcopy, 0)

  if with_cnt:
    def zcntfill(i, _):
      zcnt_v[pl.ds(i * 16, 16)] = zero16
      return 0

    lax.fori_loop(0, RPT // 16, zcntfill, 0)
    pltpu.sync_copy(zcnt_v, cnt_sh.at[pl.ds(base, RPT)])
    one16 = jnp.ones((16,), jnp.float32)
    for i in range(CHUNK // 16):
      ones_v[pl.ds(i * 16, 16)] = one16

  plsc.subcore_barrier()

  pltpu.sync_copy(src_hbm.at[c, s], src_v)
  pltpu.sync_copy(dst_hbm.at[s], dst_v)

  def gather(j, b):
    pltpu.async_copy(x_hbm.at[src_v.at[j]], bufs[b], sems[b])

  def wait_scat(j, b):
    pltpu.make_async_copy(bufs[b], acc_sh.at[dst_v.at[j]], ssems[b]).wait()

  def step(j, b, prefetch, wait_prev):
    bn = (b + 2) % 3
    if prefetch:
      if wait_prev:
        wait_scat(j - 1, bn)
      gather(j + 2, bn)
    pltpu.make_async_copy(x_hbm.at[src_v.at[j]], bufs[b], sems[b]).wait()
    pltpu.async_copy(bufs[b], acc_sh.at[dst_v.at[j]], ssems[b], add=True)
    if with_cnt:
      pltpu.sync_copy(ones_v, cnt_sh.at[dst_v.at[j]], add=True)

  gather(0, 0)
  gather(1, 1)
  step(0, 0, True, False)
  step(1, 1, True, True)
  step(2, 2, True, True)

  def triple(i, _):
    j = 3 * i
    step(j, 0, True, True)
    step(j + 1, 1, True, True)
    step(j + 2, 2, True, True)
    return 0

  ntrip = (CPT - 4) // 3
  lax.fori_loop(1, ntrip, triple, 0)
  for j in range(3 * ntrip, CPT):
    step(j, j % 3, j + 2 < CPT, j + 2 < CPT)
  for j in range(CPT - 3, CPT):
    wait_scat(j, j % 3)

  plsc.subcore_barrier()

  pltpu.sync_copy(acc_sh.at[pl.ds(base, RPT)], agg_hbm.at[c, pl.ds(base, RPT)])
  if with_cnt:
    pltpu.sync_copy(cnt_sh.at[pl.ds(base, RPT)], cnt_hbm.at[c, pl.ds(base, RPT)])


def _make_agg(with_cnt):
  mesh = plsc.VectorSubcoreMesh(core_axis_name="c", subcore_axis_name="s")
  out_type = [jax.ShapeDtypeStruct((NC, R, DW), jnp.bfloat16)]
  if with_cnt:
    out_type.append(jax.ShapeDtypeStruct((NC, R), jnp.float32))
  scratch = [
      pltpu.VMEM((CPT, CHUNK), jnp.int32),
      pltpu.VMEM((CPT, CHUNK), jnp.int32),
      pltpu.VMEM((CHUNK, DW), jnp.bfloat16),
      pltpu.VMEM((CHUNK, DW), jnp.bfloat16),
      pltpu.VMEM((CHUNK, DW), jnp.bfloat16),
      pltpu.VMEM((ZROWS, DW), jnp.bfloat16),
      pltpu.VMEM((CHUNK,), jnp.float32),
      pltpu.VMEM((RPT,), jnp.float32),
      pltpu.VMEM_SHARED((R, DW), jnp.bfloat16),
      pltpu.VMEM_SHARED((R,), jnp.float32),
      pltpu.SemaphoreType.DMA,
      pltpu.SemaphoreType.DMA,
      pltpu.SemaphoreType.DMA,
      pltpu.SemaphoreType.DMA,
      pltpu.SemaphoreType.DMA,
      pltpu.SemaphoreType.DMA,
  ]
  return pl.kernel(
      functools.partial(_agg_body, with_cnt),
      out_type=tuple(out_type) if with_cnt else out_type[0],
      mesh=mesh,
      scratch_types=scratch,
      compiler_params=pltpu.CompilerParams(use_tc_tiling_on_sc=False),
  )


def _linear_body(relu, split_out, aggp_ref, cntp_ref, xp_ref, wl_ref, wr_ref,
                 b_ref, *o_refs):
  recip = 1.0 / jnp.clip(cntp_ref[0], 1.0, None)
  y = (
      jnp.dot(aggp_ref[0].astype(jnp.float32) * recip, wl_ref[:DW],
              preferred_element_type=jnp.float32)
      + jnp.dot(aggp_ref[1].astype(jnp.float32) * recip, wl_ref[DW:],
                preferred_element_type=jnp.float32)
      + jnp.dot(xp_ref[0], wr_ref[:DW], preferred_element_type=jnp.float32)
      + jnp.dot(xp_ref[1], wr_ref[DW:], preferred_element_type=jnp.float32)
      + b_ref[...]
  )
  if relu:
    y = jnp.maximum(y, 0.0)
  if split_out:
    o_ref, obf_ref = o_refs
    o_ref[0] = y[:, :DW]
    o_ref[1] = y[:, DW:]
    yb = y.astype(jnp.bfloat16)
    obf_ref[0] = yb[:, :DW]
    obf_ref[1] = yb[:, DW:]
  else:
    o_refs[0][...] = y


def _linear(relu, split_out, agg_p, cnt_p, x_p, wl, wr, b):
  br = 1000
  if split_out:
    out_shape = (jax.ShapeDtypeStruct((NC, N, DW), jnp.float32),
                 jax.ShapeDtypeStruct((NC, N, DW), jnp.bfloat16))
    out_spec = (pl.BlockSpec((NC, br, DW), lambda i: (0, i, 0)),
                pl.BlockSpec((NC, br, DW), lambda i: (0, i, 0)))
  else:
    out_shape = jax.ShapeDtypeStruct((N, D), jnp.float32)
    out_spec = pl.BlockSpec((br, D), lambda i: (i, 0))
  grid = (N // br,)
  return pl.pallas_call(
      functools.partial(_linear_body, relu, split_out),
      grid=grid,
      in_specs=[
          pl.BlockSpec((NC, br, DW), lambda i: (0, i, 0)),
          pl.BlockSpec((NC, br, 1), lambda i: (0, i, 0)),
          pl.BlockSpec((NC, br, DW), lambda i: (0, i, 0)),
          pl.BlockSpec((D, D), lambda i: (0, 0)),
          pl.BlockSpec((D, D), lambda i: (0, 0)),
          pl.BlockSpec((1, D), lambda i: (0, 0)),
      ],
      out_specs=out_spec,
      out_shape=out_shape,
  )(agg_p, cnt_p.reshape(NC, R, 1), x_p, wl, wr, b)


_agg_with_cnt = _make_agg(True)
_agg_no_cnt = _make_agg(False)


def kernel(x, edge_index, W1_l, W1_r, b1, W2_l, W2_r, b2):
  src = edge_index[0].astype(jnp.int32)
  dst = edge_index[1].astype(jnp.int32)
  ept_real = E // NS
  pad = EPT - ept_real
  pad_dst = jnp.broadcast_to(N + (jnp.arange(pad) % (R - N)), (NS, pad))
  src_p = jnp.concatenate(
      [src.reshape(NS, ept_real), jnp.zeros((NS, pad), jnp.int32)], axis=1
  ).reshape(NS, CPT, CHUNK)
  src_p = jnp.stack([src_p, src_p + N])
  dst_p = jnp.concatenate(
      [dst.reshape(NS, ept_real), pad_dst.astype(jnp.int32)], axis=1
  ).reshape(NS, CPT, CHUNK)
  x_s = jnp.stack([x[:, :DW], x[:, DW:]])

  agg1, cnt = _agg_with_cnt(
      src_p, dst_p, x_s.astype(jnp.bfloat16).reshape(NC * N, DW))
  h_s, h_bf = _linear(True, True, agg1, cnt, x_s, W1_l, W1_r, b1.reshape(1, D))
  agg2 = _agg_no_cnt(src_p, dst_p, h_bf.reshape(NC * N, DW))
  return _linear(False, False, agg2, cnt, h_s, W2_l, W2_r, b2.reshape(1, D))

# --- scband reference (transcript-rebuilt; emitter-appended) ---
"""Pipeline reference for scband-graph-sage-90288802496549 (READ-ONLY COPY).

The authoritative reference and input builder live on the scoring server;
editing this copy changes nothing except your own understanding.
"""

import jax, jax.numpy as jnp
import numpy as np

N_NODES = 10000
D_IN = 128
D_HID = 128
D_OUT = 128
N_EDGES = 320000


def setup_inputs(seed: int = 0) -> dict:
    key = jax.random.key(seed)
    ks = jax.random.split(key, 8)
    x = jax.random.normal(ks[0], (N_NODES, D_IN), dtype=jnp.float32)
    edge_index = jax.random.randint(ks[1], (2, N_EDGES), 0, N_NODES, dtype=jnp.int64 if jax.config.jax_enable_x64 else jnp.int32)
    s1 = 1.0 / np.sqrt(D_IN)
    s2 = 1.0 / np.sqrt(D_HID)
    W1_l = jax.random.uniform(ks[2], (D_IN, D_HID), jnp.float32, -s1, s1)
    W1_r = jax.random.uniform(ks[3], (D_IN, D_HID), jnp.float32, -s1, s1)
    b1 = jnp.zeros((D_HID,), jnp.float32)
    W2_l = jax.random.uniform(ks[4], (D_HID, D_OUT), jnp.float32, -s2, s2)
    W2_r = jax.random.uniform(ks[5], (D_HID, D_OUT), jnp.float32, -s2, s2)
    b2 = jnp.zeros((D_OUT,), jnp.float32)
    return {"x": x, "edge_index": edge_index, "W1_l": W1_l, "W1_r": W1_r, "b1": b1, "W2_l": W2_l, "W2_r": W2_r, "b2": b2}


def sage_conv(x, edge_index, W_l, W_r, b):
    # PyG SAGEConv with mean aggregation, root_weight=True, bias=True
    src = edge_index[0]
    dst = edge_index[1]
    msgs = jnp.take(x, src, axis=0)                       # gather (SparseCore)
    agg = jax.ops.segment_sum(msgs, dst, num_segments=N_NODES)   # scatter-add
    cnt = jax.ops.segment_sum(jnp.ones((msgs.shape[0],), jnp.float32), dst, num_segments=N_NODES)
    mean = agg / jnp.clip(cnt, 1.0, None)[:, None]
    return mean @ W_l + x @ W_r + b


def reference(x, edge_index, W1_l, W1_r, b1, W2_l, W2_r, b2):
    # forward (eval mode: dropout is identity)
    h = sage_conv(x, edge_index, W1_l, W1_r, b1)
    h = jax.nn.relu(h)
    out = sage_conv(h, edge_index, W2_l, W2_r, b2)
    return out

if __name__ == "__main__":
    import jax
    _d = setup_inputs()
    print(jax.jit(kernel)(*tuple(_d.values())))

</pallas_src>

<mosaic_0001>
#map = affine_map<(d0, d1) -> (0, 0, 0, 0)>
#map1 = affine_map<(d0, d1) -> (0, 0, 0)>
#map2 = affine_map<(d0, d1) -> (0, 0)>
module attributes {stable_mosaic.version = 14 : i64} {
  func.func @_agg_body(%arg0: i32, %arg1: i32, %arg2: memref<2x16x157x128xi32, #tpu.memory_space<hbm>>, %arg3: memref<16x157x128xi32, #tpu.memory_space<hbm>>, %arg4: memref<20000x64xbf16, #tpu.memory_space<hbm>>, %arg5: memref<2x10240x64xbf16, #tpu.memory_space<hbm>>, %arg6: memref<157x128xi32, #tpu.memory_space<vmem>>, %arg7: memref<157x128xi32, #tpu.memory_space<vmem>>, %arg8: memref<128x64xbf16, #tpu.memory_space<vmem>>, %arg9: memref<128x64xbf16, #tpu.memory_space<vmem>>, %arg10: memref<128x64xbf16, #tpu.memory_space<vmem>>, %arg11: memref<32x64xbf16, #tpu.memory_space<vmem>>, %arg12: memref<128xf32, #tpu.memory_space<vmem>>, %arg13: memref<640xf32, #tpu.memory_space<vmem>>, %arg14: memref<10240x64xbf16, #tpu.memory_space<vmem_shared>>, %arg15: memref<10240xf32, #tpu.memory_space<vmem_shared>>, %arg16: memref<!tpu.dma_semaphore, #tpu.memory_space<semaphore_mem>>, %arg17: memref<!tpu.dma_semaphore, #tpu.memory_space<semaphore_mem>>, %arg18: memref<!tpu.dma_semaphore, #tpu.memory_space<semaphore_mem>>, %arg19: memref<!tpu.dma_semaphore, #tpu.memory_space<semaphore_mem>>, %arg20: memref<!tpu.dma_semaphore, #tpu.memory_space<semaphore_mem>>, %arg21: memref<!tpu.dma_semaphore, #tpu.memory_space<semaphore_mem>>) attributes {dimension_semantics = [#tpu.dimension_semantics<core_parallel>, #tpu.dimension_semantics<subcore_parallel>], iteration_bounds = array<i64: 2, 16>, scalar_prefetch = 0 : i64, scratch_operands = 16 : i64, tpu.core_type = #tpu.core_type<sc_vector_subcore>, window_params = [{transform_indices = #map}, {transform_indices = #map1}, {transform_indices = #map2}, {transform_indices = #map1}]} {
    %mul3A = arith.constant 640 : i32
    %mul3A_0 = arith.muli %arg1, %mul3A : i32
    %broadcast_in_dim3A = arith.constant 0.000000e+00 : f32
    %broadcast_in_dim3A_1 = vector.broadcast %broadcast_in_dim3A : f32 to vector<16xf32>
    %broadcast_in_dim3A_2 = arith.constant 0.000000e+00 : bf16
    %broadcast_in_dim3A_3 = vector.broadcast %broadcast_in_dim3A_2 : bf16 to vector<32xbf16>
    %scan3A = arith.constant 0 : i32
    %scan3A_4 = arith.constant 0 : i32
    %scan3A_5 = arith.constant 32 : i32
    %scan3A_6 = arith.addi %scan3A_4, %scan3A_5 : i32
    %scan3A_7 = arith.constant 1 : i32
    %scan3A_8 = scf.for %scan3A_219 = %scan3A_4 to %scan3A_6 step %scan3A_7 iter_args(%scan3A_220 = %scan3A) -> (i32)  : i32 {
      %swap3A = arith.index_cast %scan3A_219 : i32 to index
      %swap3A_221 = arith.constant 0 : index
      %swap3A_222 = tpu.vector_load %arg11[%swap3A, %swap3A_221] {strides = array<i32>} : memref<32x64xbf16, #tpu.memory_space<vmem>>, vector<1x32xbf16>,
      %swap3A_223 = vector.shape_cast %swap3A_222 : vector<1x32xbf16> to vector<32xbf16>
      %swap3A_224 = vector.shape_cast %broadcast_in_dim3A_3 : vector<32xbf16> to vector<1x32xbf16>
      tpu.vector_store %arg11[%swap3A, %swap3A_221], %swap3A_224 {strides = array<i32>} : memref<32x64xbf16, #tpu.memory_space<vmem>>, vector<1x32xbf16>,
      %swap3A_225 = arith.index_cast %scan3A_219 : i32 to index
      %swap3A_226 = arith.constant 32 : index
      %swap3A_227 = tpu.vector_load %arg11[%swap3A_225, %swap3A_226] {strides = array<i32>} : memref<32x64xbf16, #tpu.memory_space<vmem>>, vector<1x32xbf16>,
      %swap3A_228 = vector.shape_cast %swap3A_227 : vector<1x32xbf16> to vector<32xbf16>
      %swap3A_229 = vector.shape_cast %broadcast_in_dim3A_3 : vector<32xbf16> to vector<1x32xbf16>
      tpu.vector_store %arg11[%swap3A_225, %swap3A_226], %swap3A_229 {strides = array<i32>} : memref<32x64xbf16, #tpu.memory_space<vmem>>, vector<1x32xbf16>,
      %scan3A_230 = arith.constant 0 : i32
      scf.yield %scan3A_230 : i32
    }
    %scan3A_9 = arith.constant 32 : i32
    %scan3A_10 = arith.constant 0 : i32
    %scan3A_11 = arith.constant 0 : i32
    %scan3A_12 = arith.constant 20 : i32
    %scan3A_13 = arith.addi %scan3A_11, %scan3A_12 : i32
    %scan3A_14 = arith.constant 1 : i32
    %scan3A_15 = scf.for %scan3A_219 = %scan3A_11 to %scan3A_13 step %scan3A_14 iter_args(%scan3A_220 = %scan3A_10) -> (i32)  : i32 {
      %mul3A_221 = arith.constant 32 : i32
      %mul3A_222 = arith.muli %scan3A_219, %mul3A_221 : i32
      %add3A = arith.addi %mul3A_0, %mul3A_222 : i32
      "tpu.region"() ({
        %run_scoped3A = tpu.sem_alloc : memref<!tpu.dma_semaphore, #tpu.memory_space<semaphore_mem>>
        %dma_start3A_224 = arith.constant 0 : i32
        %dma_start3A_225 = tpu.memref_slice %arg14[%add3A, %dma_start3A_224] : memref<10240x64xbf16, #tpu.memory_space<vmem_shared>> -> memref<32x64xbf16, #tpu.memory_space<vmem_shared>>
        %dma_start3A_226 = arith.constant 0 : i32
        %dma_start3A_227 = tpu.memref_slice %arg14[%add3A, %dma_start3A_226] : memref<10240x64xbf16, #tpu.memory_space<vmem_shared>> -> memref<32x64xbf16, #tpu.memory_space<vmem_shared>>
        tpu.enqueue_dma source(%arg11 : memref<32x64xbf16, #tpu.memory_space<vmem>>) target(%dma_start3A_227 : memref<32x64xbf16, #tpu.memory_space<vmem_shared>>) target_semaphore(%run_scoped3A : memref<!tpu.dma_semaphore, #tpu.memory_space<semaphore_mem>>)
        %dma_wait3A_228 = arith.constant 0 : i32
        %dma_wait3A_229 = tpu.memref_slice %arg14[%add3A, %dma_wait3A_228] : memref<10240x64xbf16, #tpu.memory_space<vmem_shared>> -> memref<32x64xbf16, #tpu.memory_space<vmem_shared>>
        %dma_wait3A_230 = arith.constant 0 : i32
        %dma_wait3A_231 = tpu.memref_slice %arg14[%add3A, %dma_wait3A_230] : memref<10240x64xbf16, #tpu.memory_space<vmem_shared>> -> memref<32x64xbf16, #tpu.memory_space<vmem_shared>>
        tpu.wait_dma2 semaphore(%run_scoped3A : memref<!tpu.dma_semaphore, #tpu.memory_space<semaphore_mem>>) src(%arg11 : memref<32x64xbf16, #tpu.memory_space<vmem>>) dst(%dma_wait3A_231 : memref<32x64xbf16, #tpu.memory_space<vmem_shared>>)
        tpu.yield
      }) : () -> ()
      %scan3A_223 = arith.constant 0 : i32
      scf.yield %scan3A_223 : i32
    }
    %scan3A_16 = arith.constant 20 : i32
    %barrier3A = arith.constant 0 : index
    tpu.barrier barrier_id(%barrier3A)
    "tpu.region"() ({
      %run_scoped3A = tpu.sem_alloc : memref<!tpu.dma_semaphore, #tpu.memory_space<semaphore_mem>>
      %dma_start3A_219 = arith.constant 0 : i32
      %dma_start3A_220 = arith.constant 0 : i32
      %dma_start3A_221 = tpu.memref_slice %arg2[%arg0, %arg1, %dma_start3A_219, %dma_start3A_220] : memref<2x16x157x128xi32, #tpu.memory_space<hbm>> -> memref<1x1x157x128xi32, #tpu.memory_space<hbm>>
      %dma_start3A_222 = tpu.memref_squeeze %dma_start3A_221 : memref<1x1x157x128xi32, #tpu.memory_space<hbm>> -> memref<157x128xi32, #tpu.memory_space<hbm>>
      %dma_start3A_223 = arith.constant 0 : i32
      %dma_start3A_224 = arith.constant 0 : i32
      %dma_start3A_225 = tpu.memref_slice %arg2[%arg0, %arg1, %dma_start3A_223, %dma_start3A_224] : memref<2x16x157x128xi32, #tpu.memory_space<hbm>> -> memref<1x1x157x128xi32, #tpu.memory_space<hbm>>
      %dma_start3A_226 = tpu.memref_squeeze %dma_start3A_225 : memref<1x1x157x128xi32, #tpu.memory_space<hbm>> -> memref<157x128xi32, #tpu.memory_space<hbm>>
      tpu.enqueue_dma source(%dma_start3A_226 : memref<157x128xi32, #tpu.memory_space<hbm>>) target(%arg6 : memref<157x128xi32, #tpu.memory_space<vmem>>) target_semaphore(%run_scoped3A : memref<!tpu.dma_semaphore, #tpu.memory_space<semaphore_mem>>)
      %dma_wait3A_227 = arith.constant 0 : i32
      %dma_wait3A_228 = arith.constant 0 : i32
      %dma_wait3A_229 = tpu.memref_slice %arg2[%arg0, %arg1, %dma_wait3A_227, %dma_wait3A_228] : memref<2x16x157x128xi32, #tpu.memory_space<hbm>> -> memref<1x1x157x128xi32, #tpu.memory_space<hbm>>
      %dma_wait3A_230 = tpu.memref_squeeze %dma_wait3A_229 : memref<1x1x157x128xi32, #tpu.memory_space<hbm>> -> memref<157x128xi32, #tpu.memory_space<hbm>>
      %dma_wait3A_231 = arith.constant 0 : i32
      %dma_wait3A_232 = arith.constant 0 : i32
      %dma_wait3A_233 = tpu.memref_slice %arg2[%arg0, %arg1, %dma_wait3A_231, %dma_wait3A_232] : memref<2x16x157x128xi32, #tpu.memory_space<hbm>> -> memref<1x1x157x128xi32, #tpu.memory_space<hbm>>
      %dma_wait3A_234 = tpu.memref_squeeze %dma_wait3A_233 : memref<1x1x157x128xi32, #tpu.memory_space<hbm>> -> memref<157x128xi32, #tpu.memory_space<hbm>>
      tpu.wait_dma2 semaphore(%run_scoped3A : memref<!tpu.dma_semaphore, #tpu.memory_space<semaphore_mem>>) src(%dma_wait3A_234 : memref<157x128xi32, #tpu.memory_space<hbm>>) dst(%arg6 : memref<157x128xi32, #tpu.memory_space<vmem>>)
      tpu.yield
    }) : () -> ()
    "tpu.region"() ({
      %run_scoped3A = tpu.sem_alloc : memref<!tpu.dma_semaphore, #tpu.memory_space<semaphore_mem>>
      %dma_start3A_219 = arith.constant 0 : i32
      %dma_start3A_220 = arith.constant 0 : i32
      %dma_start3A_221 = tpu.memref_slice %arg3[%arg1, %dma_start3A_219, %dma_start3A_220] : memref<16x157x128xi32, #tpu.memory_space<hbm>> -> memref<1x157x128xi32, #tpu.memory_space<hbm>>
      %dma_start3A_222 = tpu.memref_squeeze %dma_start3A_221 : memref<1x157x128xi32, #tpu.memory_space<hbm>> -> memref<157x128xi32, #tpu.memory_space<hbm>>
      %dma_start3A_223 = arith.constant 0 : i32
      %dma_start3A_224 = arith.constant 0 : i32
      %dma_start3A_225 = tpu.memref_slice %arg3[%arg1, %dma_start3A_223, %dma_start3A_224] : memref<16x157x128xi32, #tpu.memory_space<hbm>> -> memref<1x157x128xi32, #tpu.memory_space<hbm>>
      %dma_start3A_226 = tpu.memref_squeeze %dma_start3A_225 : memref<1x157x128xi32, #tpu.memory_space<hbm>> -> memref<157x128xi32, #tpu.memory_space<hbm>>
      tpu.enqueue_dma source(%dma_start3A_226 : memref<157x128xi32, #tpu.memory_space<hbm>>) target(%arg7 : memref<157x128xi32, #tpu.memory_space<vmem>>) target_semaphore(%run_scoped3A : memref<!tpu.dma_semaphore, #tpu.memory_space<semaphore_mem>>)
      %dma_wait3A_227 = arith.constant 0 : i32
      %dma_wait3A_228 = arith.constant 0 : i32
      %dma_wait3A_229 = tpu.memref_slice %arg3[%arg1, %dma_wait3A_227, %dma_wait3A_228] : memref<16x157x128xi32, #tpu.memory_space<hbm>> -> memref<1x157x128xi32, #tpu.memory_space<hbm>>
      %dma_wait3A_230 = tpu.memref_squeeze %dma_wait3A_229 : memref<1x157x128xi32, #tpu.memory_space<hbm>> -> memref<157x128xi32, #tpu.memory_space<hbm>>
      %dma_wait3A_231 = arith.constant 0 : i32
      %dma_wait3A_232 = arith.constant 0 : i32
      %dma_wait3A_233 = tpu.memref_slice %arg3[%arg1, %dma_wait3A_231, %dma_wait3A_232] : memref<16x157x128xi32, #tpu.memory_space<hbm>> -> memref<1x157x128xi32, #tpu.memory_space<hbm>>
      %dma_wait3A_234 = tpu.memref_squeeze %dma_wait3A_233 : memref<1x157x128xi32, #tpu.memory_space<hbm>> -> memref<157x128xi32, #tpu.memory_space<hbm>>
      tpu.wait_dma2 semaphore(%run_scoped3A : memref<!tpu.dma_semaphore, #tpu.memory_space<semaphore_mem>>) src(%dma_wait3A_234 : memref<157x128xi32, #tpu.memory_space<hbm>>) dst(%arg7 : memref<157x128xi32, #tpu.memory_space<vmem>>)
      tpu.yield
    }) : () -> ()
    %dma_start3A = arith.constant 0 : i32
    %dma_start3A_17 = arith.constant 0 : i32
    %dma_start3A_18 = tpu.memref_slice %arg6[%dma_start3A, %dma_start3A_17] : memref<157x128xi32, #tpu.memory_space<vmem>> -> memref<1x128xi32, #tpu.memory_space<vmem>>
    %dma_start3A_19 = tpu.memref_squeeze %dma_start3A_18 : memref<1x128xi32, #tpu.memory_space<vmem>> -> memref<128xi32, #tpu.memory_space<vmem>>
    %dma_start3A_20 = arith.constant 0 : i32
    %dma_start3A_21 = arith.constant 0 : i32
    %dma_start3A_22 = tpu.memref_slice %arg4[%dma_start3A_20, %dma_start3A_21] : memref<20000x64xbf16, #tpu.memory_space<hbm>> -> memref<20000x64xbf16, #tpu.memory_space<hbm>>
    tpu.enqueue_indirect_dma source(%dma_start3A_22 : memref<20000x64xbf16, #tpu.memory_space<hbm>>) target(%arg8 : memref<128x64xbf16, #tpu.memory_space<vmem>>) offsets(%dma_start3A_19 : memref<128xi32, #tpu.memory_space<vmem>>) semaphore(%arg16 : memref<!tpu.dma_semaphore, #tpu.memory_space<semaphore_mem>>)
    %dma_start3A_23 = arith.constant 1 : i32
    %dma_start3A_24 = arith.constant 0 : i32
    %dma_start3A_25 = tpu.memref_slice %arg6[%dma_start3A_23, %dma_start3A_24] : memref<157x128xi32, #tpu.memory_space<vmem>> -> memref<1x128xi32, #tpu.memory_space<vmem>>
    %dma_start3A_26 = tpu.memref_squeeze %dma_start3A_25 : memref<1x128xi32, #tpu.memory_space<vmem>> -> memref<128xi32, #tpu.memory_space<vmem>>
    %dma_start3A_27 = arith.constant 0 : i32
    %dma_start3A_28 = arith.constant 0 : i32
    %dma_start3A_29 = tpu.memref_slice %arg4[%dma_start3A_27, %dma_start3A_28] : memref<20000x64xbf16, #tpu.memory_space<hbm>> -> memref<20000x64xbf16, #tpu.memory_space<hbm>>
    tpu.enqueue_indirect_dma source(%dma_start3A_29 : memref<20000x64xbf16, #tpu.memory_space<hbm>>) target(%arg9 : memref<128x64xbf16, #tpu.memory_space<vmem>>) offsets(%dma_start3A_26 : memref<128xi32, #tpu.memory_space<vmem>>) semaphore(%arg17 : memref<!tpu.dma_semaphore, #tpu.memory_space<semaphore_mem>>)
    %dma_start3A_30 = arith.constant 2 : i32
    %dma_start3A_31 = arith.constant 0 : i32
    %dma_start3A_32 = tpu.memref_slice %arg6[%dma_start3A_30, %dma_start3A_31] : memref<157x128xi32, #tpu.memory_space<vmem>> -> memref<1x128xi32, #tpu.memory_space<vmem>>
    %dma_start3A_33 = tpu.memref_squeeze %dma_start3A_32 : memref<1x128xi32, #tpu.memory_space<vmem>> -> memref<128xi32, #tpu.memory_space<vmem>>
    %dma_start3A_34 = arith.constant 0 : i32
    %dma_start3A_35 = arith.constant 0 : i32
    %dma_start3A_36 = tpu.memref_slice %arg4[%dma_start3A_34, %dma_start3A_35] : memref<20000x64xbf16, #tpu.memory_space<hbm>> -> memref<20000x64xbf16, #tpu.memory_space<hbm>>
    tpu.enqueue_indirect_dma source(%dma_start3A_36 : memref<20000x64xbf16, #tpu.memory_space<hbm>>) target(%arg10 : memref<128x64xbf16, #tpu.memory_space<vmem>>) offsets(%dma_start3A_33 : memref<128xi32, #tpu.memory_space<vmem>>) semaphore(%arg18 : memref<!tpu.dma_semaphore, #tpu.memory_space<semaphore_mem>>)
    %dma_wait3A = arith.constant 0 : i32
    %dma_wait3A_37 = arith.constant 0 : i32
    %dma_wait3A_38 = tpu.memref_slice %arg6[%dma_wait3A, %dma_wait3A_37] : memref<157x128xi32, #tpu.memory_space<vmem>> -> memref<1x128xi32, #tpu.memory_space<vmem>>
    %dma_wait3A_39 = tpu.memref_squeeze %dma_wait3A_38 : memref<1x128xi32, #tpu.memory_space<vmem>> -> memref<128xi32, #tpu.memory_space<vmem>>
    %dma_wait3A_40 = arith.constant 0 : i32
    %dma_wait3A_41 = arith.constant 0 : i32
    %dma_wait3A_42 = tpu.memref_slice %arg4[%dma_wait3A_40, %dma_wait3A_41] : memref<20000x64xbf16, #tpu.memory_space<hbm>> -> memref<20000x64xbf16, #tpu.memory_space<hbm>>
    tpu.wait_indirect_dma semaphore(%arg16 : memref<!tpu.dma_semaphore, #tpu.memory_space<semaphore_mem>>) src(%dma_wait3A_42 : memref<20000x64xbf16, #tpu.memory_space<hbm>>) dst(%arg8 : memref<128x64xbf16, #tpu.memory_space<vmem>>)
    %dma_start3A_43 = arith.constant 0 : i32
    %dma_start3A_44 = arith.constant 0 : i32
    %dma_start3A_45 = tpu.memref_slice %arg7[%dma_start3A_43, %dma_start3A_44] : memref<157x128xi32, #tpu.memory_space<vmem>> -> memref<1x128xi32, #tpu.memory_space<vmem>>
    %dma_start3A_46 = tpu.memref_squeeze %dma_start3A_45 : memref<1x128xi32, #tpu.memory_space<vmem>> -> memref<128xi32, #tpu.memory_space<vmem>>
    %dma_start3A_47 = arith.constant 0 : i32
    %dma_start3A_48 = arith.constant 0 : i32
    %dma_start3A_49 = tpu.memref_slice %arg14[%dma_start3A_47, %dma_start3A_48] : memref<10240x64xbf16, #tpu.memory_space<vmem_shared>> -> memref<10240x64xbf16, #tpu.memory_space<vmem_shared>>
    tpu.enqueue_indirect_dma source(%arg8 : memref<128x64xbf16, #tpu.memory_space<vmem>>) target(%dma_start3A_49 : memref<10240x64xbf16, #tpu.memory_space<vmem_shared>>) offsets(%dma_start3A_46 : memref<128xi32, #tpu.memory_space<vmem>>) semaphore(%arg19 : memref<!tpu.dma_semaphore, #tpu.memory_space<semaphore_mem>>) {add = true}
    %dma_wait3A_50 = arith.constant 0 : i32
    %dma_wait3A_51 = arith.constant 0 : i32
    %dma_wait3A_52 = tpu.memref_slice %arg7[%dma_wait3A_50, %dma_wait3A_51] : memref<157x128xi32, #tpu.memory_space<vmem>> -> memref<1x128xi32, #tpu.memory_space<vmem>>
    %dma_wait3A_53 = tpu.memref_squeeze %dma_wait3A_52 : memref<1x128xi32, #tpu.memory_space<vmem>> -> memref<128xi32, #tpu.memory_space<vmem>>
    %dma_wait3A_54 = arith.constant 0 : i32
    %dma_wait3A_55 = arith.constant 0 : i32
    %dma_wait3A_56 = tpu.memref_slice %arg14[%dma_wait3A_54, %dma_wait3A_55] : memref<10240x64xbf16, #tpu.memory_space<vmem_shared>> -> memref<10240x64xbf16, #tpu.memory_space<vmem_shared>>
    tpu.wait_indirect_dma semaphore(%arg19 : memref<!tpu.dma_semaphore, #tpu.memory_space<semaphore_mem>>) src(%arg8 : memref<128x64xbf16, #tpu.memory_space<vmem>>) dst(%dma_wait3A_56 : memref<10240x64xbf16, #tpu.memory_space<vmem_shared>>)
    %dma_start3A_57 = arith.constant 3 : i32
    %dma_start3A_58 = arith.constant 0 : i32
    %dma_start3A_59 = tpu.memref_slice %arg6[%dma_start3A_57, %dma_start3A_58] : memref<157x128xi32, #tpu.memory_space<vmem>> -> memref<1x128xi32, #tpu.memory_space<vmem>>
    %dma_start3A_60 = tpu.memref_squeeze %dma_start3A_59 : memref<1x128xi32, #tpu.memory_space<vmem>> -> memref<128xi32, #tpu.memory_space<vmem>>
    %dma_start3A_61 = arith.constant 0 : i32
    %dma_start3A_62 = arith.constant 0 : i32
    %dma_start3A_63 = tpu.memref_slice %arg4[%dma_start3A_61, %dma_start3A_62] : memref<20000x64xbf16, #tpu.memory_space<hbm>> -> memref<20000x64xbf16, #tpu.memory_space<hbm>>
    tpu.enqueue_indirect_dma source(%dma_start3A_63 : memref<20000x64xbf16, #tpu.memory_space<hbm>>) target(%arg8 : memref<128x64xbf16, #tpu.memory_space<vmem>>) offsets(%dma_start3A_60 : memref<128xi32, #tpu.memory_space<vmem>>) semaphore(%arg16 : memref<!tpu.dma_semaphore, #tpu.memory_space<semaphore_mem>>)
    %dma_wait3A_64 = arith.constant 1 : i32
    %dma_wait3A_65 = arith.constant 0 : i32
    %dma_wait3A_66 = tpu.memref_slice %arg6[%dma_wait3A_64, %dma_wait3A_65] : memref<157x128xi32, #tpu.memory_space<vmem>> -> memref<1x128xi32, #tpu.memory_space<vmem>>
    %dma_wait3A_67 = tpu.memref_squeeze %dma_wait3A_66 : memref<1x128xi32, #tpu.memory_space<vmem>> -> memref<128xi32, #tpu.memory_space<vmem>>
    %dma_wait3A_68 = arith.constant 0 : i32
    %dma_wait3A_69 = arith.constant 0 : i32
    %dma_wait3A_70 = tpu.memref_slice %arg4[%dma_wait3A_68, %dma_wait3A_69] : memref<20000x64xbf16, #tpu.memory_space<hbm>> -> memref<20000x64xbf16, #tpu.memory_space<hbm>>
    tpu.wait_indirect_dma semaphore(%arg17 : memref<!tpu.dma_semaphore, #tpu.memory_space<semaphore_mem>>) src(%dma_wait3A_70 : memref<20000x64xbf16, #tpu.memory_space<hbm>>) dst(%arg9 : memref<128x64xbf16, #tpu.memory_space<vmem>>)
    %dma_start3A_71 = arith.constant 1 : i32
    %dma_start3A_72 = arith.constant 0 : i32
    %dma_start3A_73 = tpu.memref_slice %arg7[%dma_start3A_71, %dma_start3A_72] : memref<157x128xi32, #tpu.memory_space<vmem>> -> memref<1x128xi32, #tpu.memory_space<vmem>>
    %dma_start3A_74 = tpu.memref_squeeze %dma_start3A_73 : memref<1x128xi32, #tpu.memory_space<vmem>> -> memref<128xi32, #tpu.memory_space<vmem>>
    %dma_start3A_75 = arith.constant 0 : i32
    %dma_start3A_76 = arith.constant 0 : i32
    %dma_start3A_77 = tpu.memref_slice %arg14[%dma_start3A_75, %dma_start3A_76] : memref<10240x64xbf16, #tpu.memory_space<vmem_shared>> -> memref<10240x64xbf16, #tpu.memory_space<vmem_shared>>
    tpu.enqueue_indirect_dma source(%arg9 : memref<128x64xbf16, #tpu.memory_space<vmem>>) target(%dma_start3A_77 : memref<10240x64xbf16, #tpu.memory_space<vmem_shared>>) offsets(%dma_start3A_74 : memref<128xi32, #tpu.memory_space<vmem>>) semaphore(%arg20 : memref<!tpu.dma_semaphore, #tpu.memory_space<semaphore_mem>>) {add = true}
    %dma_wait3A_78 = arith.constant 1 : i32
    %dma_wait3A_79 = arith.constant 0 : i32
    %dma_wait3A_80 = tpu.memref_slice %arg7[%dma_wait3A_78, %dma_wait3A_79] : memref<157x128xi32, #tpu.memory_space<vmem>> -> memref<1x128xi32, #tpu.memory_space<vmem>>
    %dma_wait3A_81 = tpu.memref_squeeze %dma_wait3A_80 : memref<1x128xi32, #tpu.memory_space<vmem>> -> memref<128xi32, #tpu.memory_space<vmem>>
    %dma_wait3A_82 = arith.constant 0 : i32
    %dma_wait3A_83 = arith.constant 0 : i32
    %dma_wait3A_84 = tpu.memref_slice %arg14[%dma_wait3A_82, %dma_wait3A_83] : memref<10240x64xbf16, #tpu.memory_space<vmem_shared>> -> memref<10240x64xbf16, #tpu.memory_space<vmem_shared>>
    tpu.wait_indirect_dma semaphore(%arg20 : memref<!tpu.dma_semaphore, #tpu.memory_space<semaphore_mem>>) src(%arg9 : memref<128x64xbf16, #tpu.memory_space<vmem>>) dst(%dma_wait3A_84 : memref<10240x64xbf16, #tpu.memory_space<vmem_shared>>)
    %dma_start3A_85 = arith.constant 4 : i32
    %dma_start3A_86 = arith.constant 0 : i32
    %dma_start3A_87 = tpu.memref_slice %arg6[%dma_start3A_85, %dma_start3A_86] : memref<157x128xi32, #tpu.memory_space<vmem>> -> memref<1x128xi32, #tpu.memory_space<vmem>>
    %dma_start3A_88 = tpu.memref_squeeze %dma_start3A_87 : memref<1x128xi32, #tpu.memory_space<vmem>> -> memref<128xi32, #tpu.memory_space<vmem>>
    %dma_start3A_89 = arith.constant 0 : i32
    %dma_start3A_90 = arith.constant 0 : i32
    %dma_start3A_91 = tpu.memref_slice %arg4[%dma_start3A_89, %dma_start3A_90] : memref<20000x64xbf16, #tpu.memory_space<hbm>> -> memref<20000x64xbf16, #tpu.memory_space<hbm>>
    tpu.enqueue_indirect_dma source(%dma_start3A_91 : memref<20000x64xbf16, #tpu.memory_space<hbm>>) target(%arg9 : memref<128x64xbf16, #tpu.memory_space<vmem>>) offsets(%dma_start3A_88 : memref<128xi32, #tpu.memory_space<vmem>>) semaphore(%arg17 : memref<!tpu.dma_semaphore, #tpu.memory_space<semaphore_mem>>)
    %dma_wait3A_92 = arith.constant 2 : i32
    %dma_wait3A_93 = arith.constant 0 : i32
    %dma_wait3A_94 = tpu.memref_slice %arg6[%dma_wait3A_92, %dma_wait3A_93] : memref<157x128xi32, #tpu.memory_space<vmem>> -> memref<1x128xi32, #tpu.memory_space<vmem>>
    %dma_wait3A_95 = tpu.memref_squeeze %dma_wait3A_94 : memref<1x128xi32, #tpu.memory_space<vmem>> -> memref<128xi32, #tpu.memory_space<vmem>>
    %dma_wait3A_96 = arith.constant 0 : i32
    %dma_wait3A_97 = arith.constant 0 : i32
    %dma_wait3A_98 = tpu.memref_slice %arg4[%dma_wait3A_96, %dma_wait3A_97] : memref<20000x64xbf16, #tpu.memory_space<hbm>> -> memref<20000x64xbf16, #tpu.memory_space<hbm>>
    tpu.wait_indirect_dma semaphore(%arg18 : memref<!tpu.dma_semaphore, #tpu.memory_space<semaphore_mem>>) src(%dma_wait3A_98 : memref<20000x64xbf16, #tpu.memory_space<hbm>>) dst(%arg10 : memref<128x64xbf16, #tpu.memory_space<vmem>>)
    %dma_start3A_99 = arith.constant 2 : i32
    %dma_start3A_100 = arith.constant 0 : i32
    %dma_start3A_101 = tpu.memref_slice %arg7[%dma_start3A_99, %dma_start3A_100] : memref<157x128xi32, #tpu.memory_space<vmem>> -> memref<1x128xi32, #tpu.memory_space<vmem>>
    %dma_start3A_102 = tpu.memref_squeeze %dma_start3A_101 : memref<1x128xi32, #tpu.memory_space<vmem>> -> memref<128xi32, #tpu.memory_space<vmem>>
    %dma_start3A_103 = arith.constant 0 : i32
    %dma_start3A_104 = arith.constant 0 : i32
    %dma_start3A_105 = tpu.memref_slice %arg14[%dma_start3A_103, %dma_start3A_104] : memref<10240x64xbf16, #tpu.memory_space<vmem_shared>> -> memref<10240x64xbf16, #tpu.memory_space<vmem_shared>>
    tpu.enqueue_indirect_dma source(%arg10 : memref<128x64xbf16, #tpu.memory_space<vmem>>) target(%dma_start3A_105 : memref<10240x64xbf16, #tpu.memory_space<vmem_shared>>) offsets(%dma_start3A_102 : memref<128xi32, #tpu.memory_space<vmem>>) semaphore(%arg21 : memref<!tpu.dma_semaphore, #tpu.memory_space<semaphore_mem>>) {add = true}
    %scan3A_106 = arith.constant 0 : i32
    %scan3A_107 = arith.constant 1 : i32
    %scan3A_108 = arith.constant 50 : i32
    %scan3A_109 = arith.addi %scan3A_107, %scan3A_108 : i32
    %scan3A_110 = arith.constant 1 : i32
    %scan3A_111 = scf.for %scan3A_219 = %scan3A_107 to %scan3A_109 step %scan3A_110 iter_args(%scan3A_220 = %scan3A_106) -> (i32)  : i32 {
      %mul3A_221 = arith.constant 3 : i32
      %mul3A_222 = arith.muli %mul3A_221, %scan3A_219 : i32
      %sub3A = arith.constant 1 : i32
      %sub3A_223 = arith.subi %mul3A_222, %sub3A : i32
      %dma_wait3A_224 = arith.constant 0 : i32
      %dma_wait3A_225 = tpu.memref_slice %arg7[%sub3A_223, %dma_wait3A_224] : memref<157x128xi32, #tpu.memory_space<vmem>> -> memref<1x128xi32, #tpu.memory_space<vmem>>
      %dma_wait3A_226 = tpu.memref_squeeze %dma_wait3A_225 : memref<1x128xi32, #tpu.memory_space<vmem>> -> memref<128xi32, #tpu.memory_space<vmem>>
      %dma_wait3A_227 = arith.constant 0 : i32
      %dma_wait3A_228 = arith.constant 0 : i32
      %dma_wait3A_229 = tpu.memref_slice %arg14[%dma_wait3A_227, %dma_wait3A_228] : memref<10240x64xbf16, #tpu.memory_space<vmem_shared>> -> memref<10240x64xbf16, #tpu.memory_space<vmem_shared>>
      tpu.wait_indirect_dma semaphore(%arg21 : memref<!tpu.dma_semaphore, #tpu.memory_space<semaphore_mem>>) src(%arg10 : memref<128x64xbf16, #tpu.memory_space<vmem>>) dst(%dma_wait3A_229 : memref<10240x64xbf16, #tpu.memory_space<vmem_shared>>)
      %add3A = arith.constant 2 : i32
      %add3A_230 = arith.addi %mul3A_222, %add3A : i32
      %dma_start3A_231 = arith.constant 0 : i32
      %dma_start3A_232 = tpu.memref_slice %arg6[%add3A_230, %dma_start3A_231] : memref<157x128xi32, #tpu.memory_space<vmem>> -> memref<1x128xi32, #tpu.memory_space<vmem>>
      %dma_start3A_233 = tpu.memref_squeeze %dma_start3A_232 : memref<1x128xi32, #tpu.memory_space<vmem>> -> memref<128xi32, #tpu.memory_space<vmem>>
      %dma_start3A_234 = arith.constant 0 : i32
      %dma_start3A_235 = arith.constant 0 : i32
      %dma_start3A_236 = tpu.memref_slice %arg4[%dma_start3A_234, %dma_start3A_235] : memref<20000x64xbf16, #tpu.memory_space<hbm>> -> memref<20000x64xbf16, #tpu.memory_space<hbm>>
      tpu.enqueue_indirect_dma source(%dma_start3A_236 : memref<20000x64xbf16, #tpu.memory_space<hbm>>) target(%arg10 : memref<128x64xbf16, #tpu.memory_space<vmem>>) offsets(%dma_start3A_233 : memref<128xi32, #tpu.memory_space<vmem>>) semaphore(%arg18 : memref<!tpu.dma_semaphore, #tpu.memory_space<semaphore_mem>>)
      %dma_wait3A_237 = arith.constant 0 : i32
      %dma_wait3A_238 = tpu.memref_slice %arg6[%mul3A_222, %dma_wait3A_237] : memref<157x128xi32, #tpu.memory_space<vmem>> -> memref<1x128xi32, #tpu.memory_space<vmem>>
      %dma_wait3A_239 = tpu.memref_squeeze %dma_wait3A_238 : memref<1x128xi32, #tpu.memory_space<vmem>> -> memref<128xi32, #tpu.memory_space<vmem>>
      %dma_wait3A_240 = arith.constant 0 : i32
      %dma_wait3A_241 = arith.constant 0 : i32
      %dma_wait3A_242 = tpu.memref_slice %arg4[%dma_wait3A_240, %dma_wait3A_241] : memref<20000x64xbf16, #tpu.memory_space<hbm>> -> memref<20000x64xbf16, #tpu.memory_space<hbm>>
      tpu.wait_indirect_dma semaphore(%arg16 : memref<!tpu.dma_semaphore, #tpu.memory_space<semaphore_mem>>) src(%dma_wait3A_242 : memref<20000x64xbf16, #tpu.memory_space<hbm>>) dst(%arg8 : memref<128x64xbf16, #tpu.memory_space<vmem>>)
      %dma_start3A_243 = arith.constant 0 : i32
      %dma_start3A_244 = tpu.memref_slice %arg7[%mul3A_222, %dma_start3A_243] : memref<157x128xi32, #tpu.memory_space<vmem>> -> memref<1x128xi32, #tpu.memory_space<vmem>>
      %dma_start3A_245 = tpu.memref_squeeze %dma_start3A_244 : memref<1x128xi32, #tpu.memory_space<vmem>> -> memref<128xi32, #tpu.memory_space<vmem>>
      %dma_start3A_246 = arith.constant 0 : i32
      %dma_start3A_247 = arith.constant 0 : i32
      %dma_start3A_248 = tpu.memref_slice %arg14[%dma_start3A_246, %dma_start3A_247] : memref<10240x64xbf16, #tpu.memory_space<vmem_shared>> -> memref<10240x64xbf16, #tpu.memory_space<vmem_shared>>
      tpu.enqueue_indirect_dma source(%arg8 : memref<128x64xbf16, #tpu.memory_space<vmem>>) target(%dma_start3A_248 : memref<10240x64xbf16, #tpu.memory_space<vmem_shared>>) offsets(%dma_start3A_245 : memref<128xi32, #tpu.memory_space<vmem>>) semaphore(%arg19 : memref<!tpu.dma_semaphore, #tpu.memory_space<semaphore_mem>>) {add = true}
      %add3A_249 = arith.constant 1 : i32
      %add3A_250 = arith.addi %mul3A_222, %add3A_249 : i32
      %sub3A_251 = arith.constant 1 : i32
      %sub3A_252 = arith.subi %add3A_250, %sub3A_251 : i32
      %dma_wait3A_253 = arith.constant 0 : i32
      %dma_wait3A_254 = tpu.memref_slice %arg7[%sub3A_252, %dma_wait3A_253] : memref<157x128xi32, #tpu.memory_space<vmem>> -> memref<1x128xi32, #tpu.memory_space<vmem>>
      %dma_wait3A_255 = tpu.memref_squeeze %dma_wait3A_254 : memref<1x128xi32, #tpu.memory_space<vmem>> -> memref<128xi32, #tpu.memory_space<vmem>>
      %dma_wait3A_256 = arith.constant 0 : i32
      %dma_wait3A_257 = arith.constant 0 : i32
      %dma_wait3A_258 = tpu.memref_slice %arg14[%dma_wait3A_256, %dma_wait3A_257] : memref<10240x64xbf16, #tpu.memory_space<vmem_shared>> -> memref<10240x64xbf16, #tpu.memory_space<vmem_shared>>
      tpu.wait_indirect_dma semaphore(%arg19 : memref<!tpu.dma_semaphore, #tpu.memory_space<semaphore_mem>>) src(%arg8 : memref<128x64xbf16, #tpu.memory_space<vmem>>) dst(%dma_wait3A_258 : memref<10240x64xbf16, #tpu.memory_space<vmem_shared>>)
      %add3A_259 = arith.constant 2 : i32
      %add3A_260 = arith.addi %add3A_250, %add3A_259 : i32
      %dma_start3A_261 = arith.constant 0 : i32
      %dma_start3A_262 = tpu.memref_slice %arg6[%add3A_260, %dma_start3A_261] : memref<157x128xi32, #tpu.memory_space<vmem>> -> memref<1x128xi32, #tpu.memory_space<vmem>>
      %dma_start3A_263 = tpu.memref_squeeze %dma_start3A_262 : memref<1x128xi32, #tpu.memory_space<vmem>> -> memref<128xi32, #tpu.memory_space<vmem>>
      %dma_start3A_264 = arith.constant 0 : i32
      %dma_start3A_265 = arith.constant 0 : i32
      %dma_start3A_266 = tpu.memref_slice %arg4[%dma_start3A_264, %dma_start3A_265] : memref<20000x64xbf16, #tpu.memory_space<hbm>> -> memref<20000x64xbf16, #tpu.memory_space<hbm>>
      tpu.enqueue_indirect_dma source(%dma_start3A_266 : memref<20000x64xbf16, #tpu.memory_space<hbm>>) target(%arg8 : memref<128x64xbf16, #tpu.memory_space<vmem>>) offsets(%dma_start3A_263 : memref<128xi32, #tpu.memory_space<vmem>>) semaphore(%arg16 : memref<!tpu.dma_semaphore, #tpu.memory_space<semaphore_mem>>)
      %dma_wait3A_267 = arith.constant 0 : i32
      %dma_wait3A_268 = tpu.memref_slice %arg6[%add3A_250, %dma_wait3A_267] : memref<157x128xi32, #tpu.memory_space<vmem>> -> memref<1x128xi32, #tpu.memory_space<vmem>>
      %dma_wait3A_269 = tpu.memref_squeeze %dma_wait3A_268 : memref<1x128xi32, #tpu.memory_space<vmem>> -> memref<128xi32, #tpu.memory_space<vmem>>
      %dma_wait3A_270 = arith.constant 0 : i32
      %dma_wait3A_271 = arith.constant 0 : i32
      %dma_wait3A_272 = tpu.memref_slice %arg4[%dma_wait3A_270, %dma_wait3A_271] : memref<20000x64xbf16, #tpu.memory_space<hbm>> -> memref<20000x64xbf16, #tpu.memory_space<hbm>>
      tpu.wait_indirect_dma semaphore(%arg17 : memref<!tpu.dma_semaphore, #tpu.memory_space<semaphore_mem>>) src(%dma_wait3A_272 : memref<20000x64xbf16, #tpu.memory_space<hbm>>) dst(%arg9 : memref<128x64xbf16, #tpu.memory_space<vmem>>)
      %dma_start3A_273 = arith.constant 0 : i32
      %dma_start3A_274 = tpu.memref_slice %arg7[%add3A_250, %dma_start3A_273] : memref<157x128xi32, #tpu.memory_space<vmem>> -> memref<1x128xi32, #tpu.memory_space<vmem>>
      %dma_start3A_275 = tpu.memref_squeeze %dma_start3A_274 : memref<1x128xi32, #tpu.memory_space<vmem>> -> memref<128xi32, #tpu.memory_space<vmem>>
      %dma_start3A_276 = arith.constant 0 : i32
      %dma_start3A_277 = arith.constant 0 : i32
      %dma_start3A_278 = tpu.memref_slice %arg14[%dma_start3A_276, %dma_start3A_277] : memref<10240x64xbf16, #tpu.memory_space<vmem_shared>> -> memref<10240x64xbf16, #tpu.memory_space<vmem_shared>>
      tpu.enqueue_indirect_dma source(%arg9 : memref<128x64xbf16, #tpu.memory_space<vmem>>) target(%dma_start3A_278 : memref<10240x64xbf16, #tpu.memory_space<vmem_shared>>) offsets(%dma_start3A_275 : memref<128xi32, #tpu.memory_space<vmem>>) semaphore(%arg20 : memref<!tpu.dma_semaphore, #tpu.memory_space<semaphore_mem>>) {add = true}
      %add3A_279 = arith.constant 2 : i32
      %add3A_280 = arith.addi %mul3A_222, %add3A_279 : i32
      %sub3A_281 = arith.constant 1 : i32
      %sub3A_282 = arith.subi %add3A_280, %sub3A_281 : i32
      %dma_wait3A_283 = arith.constant 0 : i32
      %dma_wait3A_284 = tpu.memref_slice %arg7[%sub3A_282, %dma_wait3A_283] : memref<157x128xi32, #tpu.memory_space<vmem>> -> memref<1x128xi32, #tpu.memory_space<vmem>>
      %dma_wait3A_285 = tpu.memref_squeeze %dma_wait3A_284 : memref<1x128xi32, #tpu.memory_space<vmem>> -> memref<128xi32, #tpu.memory_space<vmem>>
      %dma_wait3A_286 = arith.constant 0 : i32
      %dma_wait3A_287 = arith.constant 0 : i32
      %dma_wait3A_288 = tpu.memref_slice %arg14[%dma_wait3A_286, %dma_wait3A_287] : memref<10240x64xbf16, #tpu.memory_space<vmem_shared>> -> memref<10240x64xbf16, #tpu.memory_space<vmem_shared>>
      tpu.wait_indirect_dma semaphore(%arg20 : memref<!tpu.dma_semaphore, #tpu.memory_space<semaphore_mem>>) src(%arg9 : memref<128x64xbf16, #tpu.memory_space<vmem>>) dst(%dma_wait3A_288 : memref<10240x64xbf16, #tpu.memory_space<vmem_shared>>)
      %add3A_289 = arith.constant 2 : i32
      %add3A_290 = arith.addi %add3A_280, %add3A_289 : i32
      %dma_start3A_291 = arith.constant 0 : i32
      %dma_start3A_292 = tpu.memref_slice %arg6[%add3A_290, %dma_start3A_291] : memref<157x128xi32, #tpu.memory_space<vmem>> -> memref<1x128xi32, #tpu.memory_space<vmem>>
      %dma_start3A_293 = tpu.memref_squeeze %dma_start3A_292 : memref<1x128xi32, #tpu.memory_space<vmem>> -> memref<128xi32, #tpu.memory_space<vmem>>
      %dma_start3A_294 = arith.constant 0 : i32
      %dma_start3A_295 = arith.constant 0 : i32
      %dma_start3A_296 = tpu.memref_slice %arg4[%dma_start3A_294, %dma_start3A_295] : memref<20000x64xbf16, #tpu.memory_space<hbm>> -> memref<20000x64xbf16, #tpu.memory_space<hbm>>
      tpu.enqueue_indirect_dma source(%dma_start3A_296 : memref<20000x64xbf16, #tpu.memory_space<hbm>>) target(%arg9 : memref<128x64xbf16, #tpu.memory_space<vmem>>) offsets(%dma_start3A_293 : memref<128xi32, #tpu.memory_space<vmem>>) semaphore(%arg17 : memref<!tpu.dma_semaphore, #tpu.memory_space<semaphore_mem>>)
      %dma_wait3A_297 = arith.constant 0 : i32
      %dma_wait3A_298 = tpu.memref_slice %arg6[%add3A_280, %dma_wait3A_297] : memref<157x128xi32, #tpu.memory_space<vmem>> -> memref<1x128xi32, #tpu.memory_space<vmem>>
      %dma_wait3A_299 = tpu.memref_squeeze %dma_wait3A_298 : memref<1x128xi32, #tpu.memory_space<vmem>> -> memref<128xi32, #tpu.memory_space<vmem>>
      %dma_wait3A_300 = arith.constant 0 : i32
      %dma_wait3A_301 = arith.constant 0 : i32
      %dma_wait3A_302 = tpu.memref_slice %arg4[%dma_wait3A_300, %dma_wait3A_301] : memref<20000x64xbf16, #tpu.memory_space<hbm>> -> memref<20000x64xbf16, #tpu.memory_space<hbm>>
      tpu.wait_indirect_dma semaphore(%arg18 : memref<!tpu.dma_semaphore, #tpu.memory_space<semaphore_mem>>) src(%dma_wait3A_302 : memref<20000x64xbf16, #tpu.memory_space<hbm>>) dst(%arg10 : memref<128x64xbf16, #tpu.memory_space<vmem>>)
      %dma_start3A_303 = arith.constant 0 : i32
      %dma_start3A_304 = tpu.memref_slice %arg7[%add3A_280, %dma_start3A_303] : memref<157x128xi32, #tpu.memory_space<vmem>> -> memref<1x128xi32, #tpu.memory_space<vmem>>
      %dma_start3A_305 = tpu.memref_squeeze %dma_start3A_304 : memref<1x128xi32, #tpu.memory_space<vmem>> -> memref<128xi32, #tpu.memory_space<vmem>>
      %dma_start3A_306 = arith.constant 0 : i32
      %dma_start3A_307 = arith.constant 0 : i32
      %dma_start3A_308 = tpu.memref_slice %arg14[%dma_start3A_306, %dma_start3A_307] : memref<10240x64xbf16, #tpu.memory_space<vmem_shared>> -> memref<10240x64xbf16, #tpu.memory_space<vmem_shared>>
      tpu.enqueue_indirect_dma source(%arg10 : memref<128x64xbf16, #tpu.memory_space<vmem>>) target(%dma_start3A_308 : memref<10240x64xbf16, #tpu.memory_space<vmem_shared>>) offsets(%dma_start3A_305 : memref<128xi32, #tpu.memory_space<vmem>>) semaphore(%arg21 : memref<!tpu.dma_semaphore, #tpu.memory_space<semaphore_mem>>) {add = true}
      %scan3A_309 = arith.constant 0 : i32
      scf.yield %scan3A_309 : i32
    }
    %scan3A_112 = arith.constant 50 : i32
    %dma_wait3A_113 = arith.constant 152 : i32
    %dma_wait3A_114 = arith.constant 0 : i32
    %dma_wait3A_115 = tpu.memref_slice %arg7[%dma_wait3A_113, %dma_wait3A_114] : memref<157x128xi32, #tpu.memory_space<vmem>> -> memref<1x128xi32, #tpu.memory_space<vmem>>
    %dma_wait3A_116 = tpu.memref_squeeze %dma_wait3A_115 : memref<1x128xi32, #tpu.memory_space<vmem>> -> memref<128xi32, #tpu.memory_space<vmem>>
    %dma_wait3A_117 = arith.constant 0 : i32
    %dma_wait3A_118 = arith.constant 0 : i32
    %dma_wait3A_119 = tpu.memref_slice %arg14[%dma_wait3A_117, %dma_wait3A_118] : memref<10240x64xbf16, #tpu.memory_space<vmem_shared>> -> memref<10240x64xbf16, #tpu.memory_space<vmem_shared>>
    tpu.wait_indirect_dma semaphore(%arg21 : memref<!tpu.dma_semaphore, #tpu.memory_space<semaphore_mem>>) src(%arg10 : memref<128x64xbf16, #tpu.memory_space<vmem>>) dst(%dma_wait3A_119 : memref<10240x64xbf16, #tpu.memory_space<vmem_shared>>)
    %dma_start3A_120 = arith.constant 155 : i32
    %dma_start3A_121 = arith.constant 0 : i32
    %dma_start3A_122 = tpu.memref_slice %arg6[%dma_start3A_120, %dma_start3A_121] : memref<157x128xi32, #tpu.memory_space<vmem>> -> memref<1x128xi32, #tpu.memory_space<vmem>>
    %dma_start3A_123 = tpu.memref_squeeze %dma_start3A_122 : memref<1x128xi32, #tpu.memory_space<vmem>> -> memref<128xi32, #tpu.memory_space<vmem>>
    %dma_start3A_124 = arith.constant 0 : i32
    %dma_start3A_125 = arith.constant 0 : i32
    %dma_start3A_126 = tpu.memref_slice %arg4[%dma_start3A_124, %dma_start3A_125] : memref<20000x64xbf16, #tpu.memory_space<hbm>> -> memref<20000x64xbf16, #tpu.memory_space<hbm>>
    tpu.enqueue_indirect_dma source(%dma_start3A_126 : memref<20000x64xbf16, #tpu.memory_space<hbm>>) target(%arg10 : memref<128x64xbf16, #tpu.memory_space<vmem>>) offsets(%dma_start3A_123 : memref<128xi32, #tpu.memory_space<vmem>>) semaphore(%arg18 : memref<!tpu.dma_semaphore, #tpu.memory_space<semaphore_mem>>)
    %dma_wait3A_127 = arith.constant 153 : i32
    %dma_wait3A_128 = arith.constant 0 : i32
    %dma_wait3A_129 = tpu.memref_slice %arg6[%dma_wait3A_127, %dma_wait3A_128] : memref<157x128xi32, #tpu.memory_space<vmem>> -> memref<1x128xi32, #tpu.memory_space<vmem>>
    %dma_wait3A_130 = tpu.memref_squeeze %dma_wait3A_129 : memref<1x128xi32, #tpu.memory_space<vmem>> -> memref<128xi32, #tpu.memory_space<vmem>>
    %dma_wait3A_131 = arith.constant 0 : i32
    %dma_wait3A_132 = arith.constant 0 : i32
    %dma_wait3A_133 = tpu.memref_slice %arg4[%dma_wait3A_131, %dma_wait3A_132] : memref<20000x64xbf16, #tpu.memory_space<hbm>> -> memref<20000x64xbf16, #tpu.memory_space<hbm>>
    tpu.wait_indirect_dma semaphore(%arg16 : memref<!tpu.dma_semaphore, #tpu.memory_space<semaphore_mem>>) src(%dma_wait3A_133 : memref<20000x64xbf16, #tpu.memory_space<hbm>>) dst(%arg8 : memref<128x64xbf16, #tpu.memory_space<vmem>>)
    %dma_start3A_134 = arith.constant 153 : i32
    %dma_start3A_135 = arith.constant 0 : i32
    %dma_start3A_136 = tpu.memref_slice %arg7[%dma_start3A_134, %dma_start3A_135] : memref<157x128xi32, #tpu.memory_space<vmem>> -> memref<1x128xi32, #tpu.memory_space<vmem>>
    %dma_start3A_137 = tpu.memref_squeeze %dma_start3A_136 : memref<1x128xi32, #tpu.memory_space<vmem>> -> memref<128xi32, #tpu.memory_space<vmem>>
    %dma_start3A_138 = arith.constant 0 : i32
    %dma_start3A_139 = arith.constant 0 : i32
    %dma_start3A_140 = tpu.memref_slice %arg14[%dma_start3A_138, %dma_start3A_139] : memref<10240x64xbf16, #tpu.memory_space<vmem_shared>> -> memref<10240x64xbf16, #tpu.memory_space<vmem_shared>>
    tpu.enqueue_indirect_dma source(%arg8 : memref<128x64xbf16, #tpu.memory_space<vmem>>) target(%dma_start3A_140 : memref<10240x64xbf16, #tpu.memory_space<vmem_shared>>) offsets(%dma_start3A_137 : memref<128xi32, #tpu.memory_space<vmem>>) semaphore(%arg19 : memref<!tpu.dma_semaphore, #tpu.memory_space<semaphore_mem>>) {add = true}
    %dma_wait3A_141 = arith.constant 153 : i32
    %dma_wait3A_142 = arith.constant 0 : i32
    %dma_wait3A_143 = tpu.memref_slice %arg7[%dma_wait3A_141, %dma_wait3A_142] : memref<157x128xi32, #tpu.memory_space<vmem>> -> memref<1x128xi32, #tpu.memory_space<vmem>>
    %dma_wait3A_144 = tpu.memref_squeeze %dma_wait3A_143 : memref<1x128xi32, #tpu.memory_space<vmem>> -> memref<128xi32, #tpu.memory_space<vmem>>
    %dma_wait3A_145 = arith.constant 0 : i32
    %dma_wait3A_146 = arith.constant 0 : i32
    %dma_wait3A_147 = tpu.memref_slice %arg14[%dma_wait3A_145, %dma_wait3A_146] : memref<10240x64xbf16, #tpu.memory_space<vmem_shared>> -> memref<10240x64xbf16, #tpu.memory_space<vmem_shared>>
    tpu.wait_indirect_dma semaphore(%arg19 : memref<!tpu.dma_semaphore, #tpu.memory_space<semaphore_mem>>) src(%arg8 : memref<128x64xbf16, #tpu.memory_space<vmem>>) dst(%dma_wait3A_147 : memref<10240x64xbf16, #tpu.memory_space<vmem_shared>>)
    %dma_start3A_148 = arith.constant 156 : i32
    %dma_start3A_149 = arith.constant 0 : i32
    %dma_start3A_150 = tpu.memref_slice %arg6[%dma_start3A_148, %dma_start3A_149] : memref<157x128xi32, #tpu.memory_space<vmem>> -> memref<1x128xi32, #tpu.memory_space<vmem>>
    %dma_start3A_151 = tpu.memref_squeeze %dma_start3A_150 : memref<1x128xi32, #tpu.memory_space<vmem>> -> memref<128xi32, #tpu.memory_space<vmem>>
    %dma_start3A_152 = arith.constant 0 : i32
    %dma_start3A_153 = arith.constant 0 : i32
    %dma_start3A_154 = tpu.memref_slice %arg4[%dma_start3A_152, %dma_start3A_153] : memref<20000x64xbf16, #tpu.memory_space<hbm>> -> memref<20000x64xbf16, #tpu.memory_space<hbm>>
    tpu.enqueue_indirect_dma source(%dma_start3A_154 : memref<20000x64xbf16, #tpu.memory_space<hbm>>) target(%arg8 : memref<128x64xbf16, #tpu.memory_space<vmem>>) offsets(%dma_start3A_151 : memref<128xi32, #tpu.memory_space<vmem>>) semaphore(%arg16 : memref<!tpu.dma_semaphore, #tpu.memory_space<semaphore_mem>>)
    %dma_wait3A_155 = arith.constant 154 : i32
    %dma_wait3A_156 = arith.constant 0 : i32
    %dma_wait3A_157 = tpu.memref_slice %arg6[%dma_wait3A_155, %dma_wait3A_156] : memref<157x128xi32, #tpu.memory_space<vmem>> -> memref<1x128xi32, #tpu.memory_space<vmem>>
    %dma_wait3A_158 = tpu.memref_squeeze %dma_wait3A_157 : memref<1x128xi32, #tpu.memory_space<vmem>> -> memref<128xi32, #tpu.memory_space<vmem>>
    %dma_wait3A_159 = arith.constant 0 : i32
    %dma_wait3A_160 = arith.constant 0 : i32
    %dma_wait3A_161 = tpu.memref_slice %arg4[%dma_wait3A_159, %dma_wait3A_160] : memref<20000x64xbf16, #tpu.memory_space<hbm>> -> memref<20000x64xbf16, #tpu.memory_space<hbm>>
    tpu.wait_indirect_dma semaphore(%arg17 : memref<!tpu.dma_semaphore, #tpu.memory_space<semaphore_mem>>) src(%dma_wait3A_161 : memref<20000x64xbf16, #tpu.memory_space<hbm>>) dst(%arg9 : memref<128x64xbf16, #tpu.memory_space<vmem>>)
    %dma_start3A_162 = arith.constant 154 : i32
    %dma_start3A_163 = arith.constant 0 : i32
    %dma_start3A_164 = tpu.memref_slice %arg7[%dma_start3A_162, %dma_start3A_163] : memref<157x128xi32, #tpu.memory_space<vmem>> -> memref<1x128xi32, #tpu.memory_space<vmem>>
    %dma_start3A_165 = tpu.memref_squeeze %dma_start3A_164 : memref<1x128xi32, #tpu.memory_space<vmem>> -> memref<128xi32, #tpu.memory_space<vmem>>
    %dma_start3A_166 = arith.constant 0 : i32
    %dma_start3A_167 = arith.constant 0 : i32
    %dma_start3A_168 = tpu.memref_slice %arg14[%dma_start3A_166, %dma_start3A_167] : memref<10240x64xbf16, #tpu.memory_space<vmem_shared>> -> memref<10240x64xbf16, #tpu.memory_space<vmem_shared>>
    tpu.enqueue_indirect_dma source(%arg9 : memref<128x64xbf16, #tpu.memory_space<vmem>>) target(%dma_start3A_168 : memref<10240x64xbf16, #tpu.memory_space<vmem_shared>>) offsets(%dma_start3A_165 : memref<128xi32, #tpu.memory_space<vmem>>) semaphore(%arg20 : memref<!tpu.dma_semaphore, #tpu.memory_space<semaphore_mem>>) {add = true}
    %dma_wait3A_169 = arith.constant 155 : i32
    %dma_wait3A_170 = arith.constant 0 : i32
    %dma_wait3A_171 = tpu.memref_slice %arg6[%dma_wait3A_169, %dma_wait3A_170] : memref<157x128xi32, #tpu.memory_space<vmem>> -> memref<1x128xi32, #tpu.memory_space<vmem>>
    %dma_wait3A_172 = tpu.memref_squeeze %dma_wait3A_171 : memref<1x128xi32, #tpu.memory_space<vmem>> -> memref<128xi32, #tpu.memory_space<vmem>>
    %dma_wait3A_173 = arith.constant 0 : i32
    %dma_wait3A_174 = arith.constant 0 : i32
    %dma_wait3A_175 = tpu.memref_slice %arg4[%dma_wait3A_173, %dma_wait3A_174] : memref<20000x64xbf16, #tpu.memory_space<hbm>> -> memref<20000x64xbf16, #tpu.memory_space<hbm>>
    tpu.wait_indirect_dma semaphore(%arg18 : memref<!tpu.dma_semaphore, #tpu.memory_space<semaphore_mem>>) src(%dma_wait3A_175 : memref<20000x64xbf16, #tpu.memory_space<hbm>>) dst(%arg10 : memref<128x64xbf16, #tpu.memory_space<vmem>>)
    %dma_start3A_176 = arith.constant 155 : i32
    %dma_start3A_177 = arith.constant 0 : i32
    %dma_start3A_178 = tpu.memref_slice %arg7[%dma_start3A_176, %dma_start3A_177] : memref<157x128xi32, #tpu.memory_space<vmem>> -> memref<1x128xi32, #tpu.memory_space<vmem>>
    %dma_start3A_179 = tpu.memref_squeeze %dma_start3A_178 : memref<1x128xi32, #tpu.memory_space<vmem>> -> memref<128xi32, #tpu.memory_space<vmem>>
    %dma_start3A_180 = arith.constant 0 : i32
    %dma_start3A_181 = arith.constant 0 : i32
    %dma_start3A_182 = tpu.memref_slice %arg14[%dma_start3A_180, %dma_start3A_181] : memref<10240x64xbf16, #tpu.memory_space<vmem_shared>> -> memref<10240x64xbf16, #tpu.memory_space<vmem_shared>>
    tpu.enqueue_indirect_dma source(%arg10 : memref<128x64xbf16, #tpu.memory_space<vmem>>) target(%dma_start3A_182 : memref<10240x64xbf16, #tpu.memory_space<vmem_shared>>) offsets(%dma_start3A_179 : memref<128xi32, #tpu.memory_space<vmem>>) semaphore(%arg21 : memref<!tpu.dma_semaphore, #tpu.memory_space<semaphore_mem>>) {add = true}
    %dma_wait3A_183 = arith.constant 156 : i32
    %dma_wait3A_184 = arith.constant 0 : i32
    %dma_wait3A_185 = tpu.memref_slice %arg6[%dma_wait3A_183, %dma_wait3A_184] : memref<157x128xi32, #tpu.memory_space<vmem>> -> memref<1x128xi32, #tpu.memory_space<vmem>>
    %dma_wait3A_186 = tpu.memref_squeeze %dma_wait3A_185 : memref<1x128xi32, #tpu.memory_space<vmem>> -> memref<128xi32, #tpu.memory_space<vmem>>
    %dma_wait3A_187 = arith.constant 0 : i32
    %dma_wait3A_188 = arith.constant 0 : i32
    %dma_wait3A_189 = tpu.memref_slice %arg4[%dma_wait3A_187, %dma_wait3A_188] : memref<20000x64xbf16, #tpu.memory_space<hbm>> -> memref<20000x64xbf16, #tpu.memory_space<hbm>>
    tpu.wait_indirect_dma semaphore(%arg16 : memref<!tpu.dma_semaphore, #tpu.memory_space<semaphore_mem>>) src(%dma_wait3A_189 : memref<20000x64xbf16, #tpu.memory_space<hbm>>) dst(%arg8 : memref<128x64xbf16, #tpu.memory_space<vmem>>)
    %dma_start3A_190 = arith.constant 156 : i32
    %dma_start3A_191 = arith.constant 0 : i32
    %dma_start3A_192 = tpu.memref_slice %arg7[%dma_start3A_190, %dma_start3A_191] : memref<157x128xi32, #tpu.memory_space<vmem>> -> memref<1x128xi32, #tpu.memory_space<vmem>>
    %dma_start3A_193 = tpu.memref_squeeze %dma_start3A_192 : memref<1x128xi32, #tpu.memory_space<vmem>> -> memref<128xi32, #tpu.memory_space<vmem>>
    %dma_start3A_194 = arith.constant 0 : i32
    %dma_start3A_195 = arith.constant 0 : i32
    %dma_start3A_196 = tpu.memref_slice %arg14[%dma_start3A_194, %dma_start3A_195] : memref<10240x64xbf16, #tpu.memory_space<vmem_shared>> -> memref<10240x64xbf16, #tpu.memory_space<vmem_shared>>
    tpu.enqueue_indirect_dma source(%arg8 : memref<128x64xbf16, #tpu.memory_space<vmem>>) target(%dma_start3A_196 : memref<10240x64xbf16, #tpu.memory_space<vmem_shared>>) offsets(%dma_start3A_193 : memref<128xi32, #tpu.memory_space<vmem>>) semaphore(%arg19 : memref<!tpu.dma_semaphore, #tpu.memory_space<semaphore_mem>>) {add = true}
    %dma_wait3A_197 = arith.constant 154 : i32
    %dma_wait3A_198 = arith.constant 0 : i32
    %dma_wait3A_199 = tpu.memref_slice %arg7[%dma_wait3A_197, %dma_wait3A_198] : memref<157x128xi32, #tpu.memory_space<vmem>> -> memref<1x128xi32, #tpu.memory_space<vmem>>
    %dma_wait3A_200 = tpu.memref_squeeze %dma_wait3A_199 : memref<1x128xi32, #tpu.memory_space<vmem>> -> memref<128xi32, #tpu.memory_space<vmem>>
    %dma_wait3A_201 = arith.constant 0 : i32
    %dma_wait3A_202 = arith.constant 0 : i32
    %dma_wait3A_203 = tpu.memref_slice %arg14[%dma_wait3A_201, %dma_wait3A_202] : memref<10240x64xbf16, #tpu.memory_space<vmem_shared>> -> memref<10240x64xbf16, #tpu.memory_space<vmem_shared>>
    tpu.wait_indirect_dma semaphore(%arg20 : memref<!tpu.dma_semaphore, #tpu.memory_space<semaphore_mem>>) src(%arg9 : memref<128x64xbf16, #tpu.memory_space<vmem>>) dst(%dma_wait3A_203 : memref<10240x64xbf16, #tpu.memory_space<vmem_shared>>)
    %dma_wait3A_204 = arith.constant 155 : i32
    %dma_wait3A_205 = arith.constant 0 : i32
    %dma_wait3A_206 = tpu.memref_slice %arg7[%dma_wait3A_204, %dma_wait3A_205] : memref<157x128xi32, #tpu.memory_space<vmem>> -> memref<1x128xi32, #tpu.memory_space<vmem>>
    %dma_wait3A_207 = tpu.memref_squeeze %dma_wait3A_206 : memref<1x128xi32, #tpu.memory_space<vmem>> -> memref<128xi32, #tpu.memory_space<vmem>>
    %dma_wait3A_208 = arith.constant 0 : i32
    %dma_wait3A_209 = arith.constant 0 : i32
    %dma_wait3A_210 = tpu.memref_slice %arg14[%dma_wait3A_208, %dma_wait3A_209] : memref<10240x64xbf16, #tpu.memory_space<vmem_shared>> -> memref<10240x64xbf16, #tpu.memory_space<vmem_shared>>
    tpu.wait_indirect_dma semaphore(%arg21 : memref<!tpu.dma_semaphore, #tpu.memory_space<semaphore_mem>>) src(%arg10 : memref<128x64xbf16, #tpu.memory_space<vmem>>) dst(%dma_wait3A_210 : memref<10240x64xbf16, #tpu.memory_space<vmem_shared>>)
    %dma_wait3A_211 = arith.constant 156 : i32
    %dma_wait3A_212 = arith.constant 0 : i32
    %dma_wait3A_213 = tpu.memref_slice %arg7[%dma_wait3A_211, %dma_wait3A_212] : memref<157x128xi32, #tpu.memory_space<vmem>> -> memref<1x128xi32, #tpu.memory_space<vmem>>
    %dma_wait3A_214 = tpu.memref_squeeze %dma_wait3A_213 : memref<1x128xi32, #tpu.memory_space<vmem>> -> memref<128xi32, #tpu.memory_space<vmem>>
    %dma_wait3A_215 = arith.constant 0 : i32
    %dma_wait3A_216 = arith.constant 0 : i32
    %dma_wait3A_217 = tpu.memref_slice %arg14[%dma_wait3A_215, %dma_wait3A_216] : memref<10240x64xbf16, #tpu.memory_space<vmem_shared>> -> memref<10240x64xbf16, #tpu.memory_space<vmem_shared>>
    tpu.wait_indirect_dma semaphore(%arg19 : memref<!tpu.dma_semaphore, #tpu.memory_space<semaphore_mem>>) src(%arg8 : memref<128x64xbf16, #tpu.memory_space<vmem>>) dst(%dma_wait3A_217 : memref<10240x64xbf16, #tpu.memory_space<vmem_shared>>)
    %barrier3A_218 = arith.constant 0 : index
    tpu.barrier barrier_id(%barrier3A_218)
    "tpu.region"() ({
      %run_scoped3A = tpu.sem_alloc : memref<!tpu.dma_semaphore, #tpu.memory_space<semaphore_mem>>
      %dma_start3A_219 = arith.constant 0 : i32
      %dma_start3A_220 = tpu.memref_slice %arg5[%arg0, %mul3A_0, %dma_start3A_219] : memref<2x10240x64xbf16, #tpu.memory_space<hbm>> -> memref<1x640x64xbf16, #tpu.memory_space<hbm>>
      %dma_start3A_221 = tpu.memref_squeeze %dma_start3A_220 : memref<1x640x64xbf16, #tpu.memory_space<hbm>> -> memref<640x64xbf16, #tpu.memory_space<hbm>>
      %dma_start3A_222 = arith.constant 0 : i32
      %dma_start3A_223 = tpu.memref_slice %arg14[%mul3A_0, %dma_start3A_222] : memref<10240x64xbf16, #tpu.memory_space<vmem_shared>> -> memref<640x64xbf16, #tpu.memory_space<vmem_shared>>
      tpu.enqueue_dma source(%dma_start3A_223 : memref<640x64xbf16, #tpu.memory_space<vmem_shared>>) target(%dma_start3A_221 : memref<640x64xbf16, #tpu.memory_space<hbm>>) target_semaphore(%run_scoped3A : memref<!tpu.dma_semaphore, #tpu.memory_space<semaphore_mem>>)
      %dma_wait3A_224 = arith.constant 0 : i32
      %dma_wait3A_225 = tpu.memref_slice %arg5[%arg0, %mul3A_0, %dma_wait3A_224] : memref<2x10240x64xbf16, #tpu.memory_space<hbm>> -> memref<1x640x64xbf16, #tpu.memory_space<hbm>>
      %dma_wait3A_226 = tpu.memref_squeeze %dma_wait3A_225 : memref<1x640x64xbf16, #tpu.memory_space<hbm>> -> memref<640x64xbf16, #tpu.memory_space<hbm>>
      %dma_wait3A_227 = arith.constant 0 : i32
      %dma_wait3A_228 = tpu.memref_slice %arg14[%mul3A_0, %dma_wait3A_227] : memref<10240x64xbf16, #tpu.memory_space<vmem_shared>> -> memref<640x64xbf16, #tpu.memory_space<vmem_shared>>
      tpu.wait_dma2 semaphore(%run_scoped3A : memref<!tpu.dma_semaphore, #tpu.memory_space<semaphore_mem>>) src(%dma_wait3A_228 : memref<640x64xbf16, #tpu.memory_space<vmem_shared>>) dst(%dma_wait3A_226 : memref<640x64xbf16, #tpu.memory_space<hbm>>)
      tpu.yield
    }) : () -> ()
    return
  }
}

#map = affine_map<(d0, d1) -> (0, 0, 0, 0)>
#map1 = affine_map<(d0, d1) -> (0, 0, 0)>
#map2 = affine_map<(d0, d1) -> (0, 0)>
module attributes {stable_mosaic.version = 14 : i64} {
  func.func @_agg_body(%arg0: i32, %arg1: i32, %arg2: memref<2x16x157x128xi32, #tpu.memory_space<hbm>>, %arg3: memref<16x157x128xi32, #tpu.memory_space<hbm>>, %arg4: memref<20000x64xbf16, #tpu.memory_space<hbm>>, %arg5: memref<2x10240x64xbf16, #tpu.memory_space<hbm>>, %arg6: memref<2x10240xf32, #tpu.memory_space<hbm>>, %arg7: memref<157x128xi32, #tpu.memory_space<vmem>>, %arg8: memref<157x128xi32, #tpu.memory_space<vmem>>, %arg9: memref<128x64xbf16, #tpu.memory_space<vmem>>, %arg10: memref<128x64xbf16, #tpu.memory_space<vmem>>, %arg11: memref<128x64xbf16, #tpu.memory_space<vmem>>, %arg12: memref<32x64xbf16, #tpu.memory_space<vmem>>, %arg13: memref<128xf32, #tpu.memory_space<vmem>>, %arg14: memref<640xf32, #tpu.memory_space<vmem>>, %arg15: memref<10240x64xbf16, #tpu.memory_space<vmem_shared>>, %arg16: memref<10240xf32, #tpu.memory_space<vmem_shared>>, %arg17: memref<!tpu.dma_semaphore, #tpu.memory_space<semaphore_mem>>, %arg18: memref<!tpu.dma_semaphore, #tpu.memory_space<semaphore_mem>>, %arg19: memref<!tpu.dma_semaphore, #tpu.memory_space<semaphore_mem>>, %arg20: memref<!tpu.dma_semaphore, #tpu.memory_space<semaphore_mem>>, %arg21: memref<!tpu.dma_semaphore, #tpu.memory_space<semaphore_mem>>, %arg22: memref<!tpu.dma_semaphore, #tpu.memory_space<semaphore_mem>>) attributes {dimension_semantics = [#tpu.dimension_semantics<core_parallel>, #tpu.dimension_semantics<subcore_parallel>], iteration_bounds = array<i64: 2, 16>, scalar_prefetch = 0 : i64, scratch_operands = 16 : i64, tpu.core_type = #tpu.core_type<sc_vector_subcore>, window_params = [{transform_indices = #map}, {transform_indices = #map1}, {transform_indices = #map2}, {transform_indices = #map1}, {transform_indices = #map2}]} {
    %mul3A = arith.constant 640 : i32
    %mul3A_0 = arith.muli %arg1, %mul3A : i32
    %broadcast_in_dim3A = arith.constant 0.000000e+00 : f32
    %broadcast_in_dim3A_1 = vector.broadcast %broadcast_in_dim3A : f32 to vector<16xf32>
    %broadcast_in_dim3A_2 = arith.constant 0.000000e+00 : bf16
    %broadcast_in_dim3A_3 = vector.broadcast %broadcast_in_dim3A_2 : bf16 to vector<32xbf16>
    %scan3A = arith.constant 0 : i32
    %scan3A_4 = arith.constant 0 : i32
    %scan3A_5 = arith.constant 32 : i32
    %scan3A_6 = arith.addi %scan3A_4, %scan3A_5 : i32
    %scan3A_7 = arith.constant 1 : i32
    %scan3A_8 = scf.for %scan3A_265 = %scan3A_4 to %scan3A_6 step %scan3A_7 iter_args(%scan3A_266 = %scan3A) -> (i32)  : i32 {
      %swap3A_267 = arith.index_cast %scan3A_265 : i32 to index
      %swap3A_268 = arith.constant 0 : index
      %swap3A_269 = tpu.vector_load %arg12[%swap3A_267, %swap3A_268] {strides = array<i32>} : memref<32x64xbf16, #tpu.memory_space<vmem>>, vector<1x32xbf16>,
      %swap3A_270 = vector.shape_cast %swap3A_269 : vector<1x32xbf16> to vector<32xbf16>
      %swap3A_271 = vector.shape_cast %broadcast_in_dim3A_3 : vector<32xbf16> to vector<1x32xbf16>
      tpu.vector_store %arg12[%swap3A_267, %swap3A_268], %swap3A_271 {strides = array<i32>} : memref<32x64xbf16, #tpu.memory_space<vmem>>, vector<1x32xbf16>,
      %swap3A_272 = arith.index_cast %scan3A_265 : i32 to index
      %swap3A_273 = arith.constant 32 : index
      %swap3A_274 = tpu.vector_load %arg12[%swap3A_272, %swap3A_273] {strides = array<i32>} : memref<32x64xbf16, #tpu.memory_space<vmem>>, vector<1x32xbf16>,
      %swap3A_275 = vector.shape_cast %swap3A_274 : vector<1x32xbf16> to vector<32xbf16>
      %swap3A_276 = vector.shape_cast %broadcast_in_dim3A_3 : vector<32xbf16> to vector<1x32xbf16>
      tpu.vector_store %arg12[%swap3A_272, %swap3A_273], %swap3A_276 {strides = array<i32>} : memref<32x64xbf16, #tpu.memory_space<vmem>>, vector<1x32xbf16>,
      %scan3A_277 = arith.constant 0 : i32
      scf.yield %scan3A_277 : i32
    }
    %scan3A_9 = arith.constant 32 : i32
    %scan3A_10 = arith.constant 0 : i32
    %scan3A_11 = arith.constant 0 : i32
    %scan3A_12 = arith.constant 20 : i32
    %scan3A_13 = arith.addi %scan3A_11, %scan3A_12 : i32
    %scan3A_14 = arith.constant 1 : i32
    %scan3A_15 = scf.for %scan3A_265 = %scan3A_11 to %scan3A_13 step %scan3A_14 iter_args(%scan3A_266 = %scan3A_10) -> (i32)  : i32 {
      %mul3A_267 = arith.constant 32 : i32
      %mul3A_268 = arith.muli %scan3A_265, %mul3A_267 : i32
      %add3A = arith.addi %mul3A_0, %mul3A_268 : i32
      "tpu.region"() ({
        %run_scoped3A_270 = tpu.sem_alloc : memref<!tpu.dma_semaphore, #tpu.memory_space<semaphore_mem>>
        %dma_start3A_271 = arith.constant 0 : i32
        %dma_start3A_272 = tpu.memref_slice %arg15[%add3A, %dma_start3A_271] : memref<10240x64xbf16, #tpu.memory_space<vmem_shared>> -> memref<32x64xbf16, #tpu.memory_space<vmem_shared>>
        %dma_start3A_273 = arith.constant 0 : i32
        %dma_start3A_274 = tpu.memref_slice %arg15[%add3A, %dma_start3A_273] : memref<10240x64xbf16, #tpu.memory_space<vmem_shared>> -> memref<32x64xbf16, #tpu.memory_space<vmem_shared>>
        tpu.enqueue_dma source(%arg12 : memref<32x64xbf16, #tpu.memory_space<vmem>>) target(%dma_start3A_274 : memref<32x64xbf16, #tpu.memory_space<vmem_shared>>) target_semaphore(%run_scoped3A_270 : memref<!tpu.dma_semaphore, #tpu.memory_space<semaphore_mem>>)
        %dma_wait3A_275 = arith.constant 0 : i32
        %dma_wait3A_276 = tpu.memref_slice %arg15[%add3A, %dma_wait3A_275] : memref<10240x64xbf16, #tpu.memory_space<vmem_shared>> -> memref<32x64xbf16, #tpu.memory_space<vmem_shared>>
        %dma_wait3A_277 = arith.constant 0 : i32
        %dma_wait3A_278 = tpu.memref_slice %arg15[%add3A, %dma_wait3A_277] : memref<10240x64xbf16, #tpu.memory_space<vmem_shared>> -> memref<32x64xbf16, #tpu.memory_space<vmem_shared>>
        tpu.wait_dma2 semaphore(%run_scoped3A_270 : memref<!tpu.dma_semaphore, #tpu.memory_space<semaphore_mem>>) src(%arg12 : memref<32x64xbf16, #tpu.memory_space<vmem>>) dst(%dma_wait3A_278 : memref<32x64xbf16, #tpu.memory_space<vmem_shared>>)
        tpu.yield
      }) : () -> ()
      %scan3A_269 = arith.constant 0 : i32
      scf.yield %scan3A_269 : i32
    }
    %scan3A_16 = arith.constant 20 : i32
    %scan3A_17 = arith.constant 0 : i32
    %scan3A_18 = arith.constant 0 : i32
    %scan3A_19 = arith.constant 40 : i32
    %scan3A_20 = arith.addi %scan3A_18, %scan3A_19 : i32
    %scan3A_21 = arith.constant 1 : i32
    %scan3A_22 = scf.for %scan3A_265 = %scan3A_18 to %scan3A_20 step %scan3A_21 iter_args(%scan3A_266 = %scan3A_17) -> (i32)  : i32 {
      %mul3A_267 = arith.constant 16 : i32
      %mul3A_268 = arith.muli %scan3A_265, %mul3A_267 : i32
      %swap3A_269 = arith.index_cast %mul3A_268 : i32 to index
      %swap3A_270 = tpu.vector_load %arg14[%swap3A_269] {strides = array<i32>} : memref<640xf32, #tpu.memory_space<vmem>>, vector<16xf32>,
      %swap3A_271 = vector.shape_cast %swap3A_270 : vector<16xf32> to vector<16xf32>
      %swap3A_272 = vector.shape_cast %broadcast_in_dim3A_1 : vector<16xf32> to vector<16xf32>
      tpu.vector_store %arg14[%swap3A_269], %swap3A_272 {strides = array<i32>} : memref<640xf32, #tpu.memory_space<vmem>>, vector<16xf32>,
      %scan3A_273 = arith.constant 0 : i32
      scf.yield %scan3A_273 : i32
    }
    %scan3A_23 = arith.constant 40 : i32
    "tpu.region"() ({
      %run_scoped3A_265 = tpu.sem_alloc : memref<!tpu.dma_semaphore, #tpu.memory_space<semaphore_mem>>
      %dma_start3A_266 = tpu.memref_slice %arg16[%mul3A_0] : memref<10240xf32, #tpu.memory_space<vmem_shared>> -> memref<640xf32, #tpu.memory_space<vmem_shared>>
      %dma_start3A_267 = tpu.memref_slice %arg16[%mul3A_0] : memref<10240xf32, #tpu.memory_space<vmem_shared>> -> memref<640xf32, #tpu.memory_space<vmem_shared>>
      tpu.enqueue_dma source(%arg14 : memref<640xf32, #tpu.memory_space<vmem>>) target(%dma_start3A_267 : memref<640xf32, #tpu.memory_space<vmem_shared>>) target_semaphore(%run_scoped3A_265 : memref<!tpu.dma_semaphore, #tpu.memory_space<semaphore_mem>>)
      %dma_wait3A_268 = tpu.memref_slice %arg16[%mul3A_0] : memref<10240xf32, #tpu.memory_space<vmem_shared>> -> memref<640xf32, #tpu.memory_space<vmem_shared>>
      %dma_wait3A_269 = tpu.memref_slice %arg16[%mul3A_0] : memref<10240xf32, #tpu.memory_space<vmem_shared>> -> memref<640xf32, #tpu.memory_space<vmem_shared>>
      tpu.wait_dma2 semaphore(%run_scoped3A_265 : memref<!tpu.dma_semaphore, #tpu.memory_space<semaphore_mem>>) src(%arg14 : memref<640xf32, #tpu.memory_space<vmem>>) dst(%dma_wait3A_269 : memref<640xf32, #tpu.memory_space<vmem_shared>>)
      tpu.yield
    }) : () -> ()
    %broadcast_in_dim3A_24 = arith.constant 1.000000e+00 : f32
    %broadcast_in_dim3A_25 = vector.broadcast %broadcast_in_dim3A_24 : f32 to vector<16xf32>
    %swap3A = arith.constant 0 : index
    %swap3A_26 = tpu.vector_load %arg13[%swap3A] {strides = array<i32>} : memref<128xf32, #tpu.memory_space<vmem>>, vector<16xf32>,
    %swap3A_27 = vector.shape_cast %swap3A_26 : vector<16xf32> to vector<16xf32>
    %swap3A_28 = vector.shape_cast %broadcast_in_dim3A_25 : vector<16xf32> to vector<16xf32>
    tpu.vector_store %arg13[%swap3A], %swap3A_28 {strides = array<i32>} : memref<128xf32, #tpu.memory_space<vmem>>, vector<16xf32>,
    %swap3A_29 = arith.constant 16 : index
    %swap3A_30 = tpu.vector_load %arg13[%swap3A_29] {strides = array<i32>} : memref<128xf32, #tpu.memory_space<vmem>>, vector<16xf32>,
    %swap3A_31 = vector.shape_cast %swap3A_30 : vector<16xf32> to vector<16xf32>
    %swap3A_32 = vector.shape_cast %broadcast_in_dim3A_25 : vector<16xf32> to vector<16xf32>
    tpu.vector_store %arg13[%swap3A_29], %swap3A_32 {strides = array<i32>} : memref<128xf32, #tpu.memory_space<vmem>>, vector<16xf32>,
    %swap3A_33 = arith.constant 32 : index
    %swap3A_34 = tpu.vector_load %arg13[%swap3A_33] {strides = array<i32>} : memref<128xf32, #tpu.memory_space<vmem>>, vector<16xf32>,
    %swap3A_35 = vector.shape_cast %swap3A_34 : vector<16xf32> to vector<16xf32>
    %swap3A_36 = vector.shape_cast %broadcast_in_dim3A_25 : vector<16xf32> to vector<16xf32>
    tpu.vector_store %arg13[%swap3A_33], %swap3A_36 {strides = array<i32>} : memref<128xf32, #tpu.memory_space<vmem>>, vector<16xf32>,
    %swap3A_37 = arith.constant 48 : index
    %swap3A_38 = tpu.vector_load %arg13[%swap3A_37] {strides = array<i32>} : memref<128xf32, #tpu.memory_space<vmem>>, vector<16xf32>,
    %swap3A_39 = vector.shape_cast %swap3A_38 : vector<16xf32> to vector<16xf32>
    %swap3A_40 = vector.shape_cast %broadcast_in_dim3A_25 : vector<16xf32> to vector<16xf32>
    tpu.vector_store %arg13[%swap3A_37], %swap3A_40 {strides = array<i32>} : memref<128xf32, #tpu.memory_space<vmem>>, vector<16xf32>,
    %swap3A_41 = arith.constant 64 : index
    %swap3A_42 = tpu.vector_load %arg13[%swap3A_41] {strides = array<i32>} : memref<128xf32, #tpu.memory_space<vmem>>, vector<16xf32>,
    %swap3A_43 = vector.shape_cast %swap3A_42 : vector<16xf32> to vector<16xf32>
    %swap3A_44 = vector.shape_cast %broadcast_in_dim3A_25 : vector<16xf32> to vector<16xf32>
    tpu.vector_store %arg13[%swap3A_41], %swap3A_44 {strides = array<i32>} : memref<128xf32, #tpu.memory_space<vmem>>, vector<16xf32>,
    %swap3A_45 = arith.constant 80 : index
    %swap3A_46 = tpu.vector_load %arg13[%swap3A_45] {strides = array<i32>} : memref<128xf32, #tpu.memory_space<vmem>>, vector<16xf32>,
    %swap3A_47 = vector.shape_cast %swap3A_46 : vector<16xf32> to vector<16xf32>
    %swap3A_48 = vector.shape_cast %broadcast_in_dim3A_25 : vector<16xf32> to vector<16xf32>
    tpu.vector_store %arg13[%swap3A_45], %swap3A_48 {strides = array<i32>} : memref<128xf32, #tpu.memory_space<vmem>>, vector<16xf32>,
    %swap3A_49 = arith.constant 96 : index
    %swap3A_50 = tpu.vector_load %arg13[%swap3A_49] {strides = array<i32>} : memref<128xf32, #tpu.memory_space<vmem>>, vector<16xf32>,
    %swap3A_51 = vector.shape_cast %swap3A_50 : vector<16xf32> to vector<16xf32>
    %swap3A_52 = vector.shape_cast %broadcast_in_dim3A_25 : vector<16xf32> to vector<16xf32>
    tpu.vector_store %arg13[%swap3A_49], %swap3A_52 {strides = array<i32>} : memref<128xf32, #tpu.memory_space<vmem>>, vector<16xf32>,
    %swap3A_53 = arith.constant 112 : index
    %swap3A_54 = tpu.vector_load %arg13[%swap3A_53] {strides = array<i32>} : memref<128xf32, #tpu.memory_space<vmem>>, vector<16xf32>,
    %swap3A_55 = vector.shape_cast %swap3A_54 : vector<16xf32> to vector<16xf32>
    %swap3A_56 = vector.shape_cast %broadcast_in_dim3A_25 : vector<16xf32> to vector<16xf32>
    tpu.vector_store %arg13[%swap3A_53], %swap3A_56 {strides = array<i32>} : memref<128xf32, #tpu.memory_space<vmem>>, vector<16xf32>,
    %barrier3A = arith.constant 0 : index
    tpu.barrier barrier_id(%barrier3A)
    "tpu.region"() ({
      %run_scoped3A_265 = tpu.sem_alloc : memref<!tpu.dma_semaphore, #tpu.memory_space<semaphore_mem>>
      %dma_start3A_266 = arith.constant 0 : i32
      %dma_start3A_267 = arith.constant 0 : i32
      %dma_start3A_268 = tpu.memref_slice %arg2[%arg0, %arg1, %dma_start3A_266, %dma_start3A_267] : memref<2x16x157x128xi32, #tpu.memory_space<hbm>> -> memref<1x1x157x128xi32, #tpu.memory_space<hbm>>
      %dma_start3A_269 = tpu.memref_squeeze %dma_start3A_268 : memref<1x1x157x128xi32, #tpu.memory_space<hbm>> -> memref<157x128xi32, #tpu.memory_space<hbm>>
      %dma_start3A_270 = arith.constant 0 : i32
      %dma_start3A_271 = arith.constant 0 : i32
      %dma_start3A_272 = tpu.memref_slice %arg2[%arg0, %arg1, %dma_start3A_270, %dma_start3A_271] : memref<2x16x157x128xi32, #tpu.memory_space<hbm>> -> memref<1x1x157x128xi32, #tpu.memory_space<hbm>>
      %dma_start3A_273 = tpu.memref_squeeze %dma_start3A_272 : memref<1x1x157x128xi32, #tpu.memory_space<hbm>> -> memref<157x128xi32, #tpu.memory_space<hbm>>
      tpu.enqueue_dma source(%dma_start3A_273 : memref<157x128xi32, #tpu.memory_space<hbm>>) target(%arg7 : memref<157x128xi32, #tpu.memory_space<vmem>>) target_semaphore(%run_scoped3A_265 : memref<!tpu.dma_semaphore, #tpu.memory_space<semaphore_mem>>)
      %dma_wait3A_274 = arith.constant 0 : i32
      %dma_wait3A_275 = arith.constant 0 : i32
      %dma_wait3A_276 = tpu.memref_slice %arg2[%arg0, %arg1, %dma_wait3A_274, %dma_wait3A_275] : memref<2x16x157x128xi32, #tpu.memory_space<hbm>> -> memref<1x1x157x128xi32, #tpu.memory_space<hbm>>
      %dma_wait3A_277 = tpu.memref_squeeze %dma_wait3A_276 : memref<1x1x157x128xi32, #tpu.memory_space<hbm>> -> memref<157x128xi32, #tpu.memory_space<hbm>>
      %dma_wait3A_278 = arith.constant 0 : i32
      %dma_wait3A_279 = arith.constant 0 : i32
      %dma_wait3A_280 = tpu.memref_slice %arg2[%arg0, %arg1, %dma_wait3A_278, %dma_wait3A_279] : memref<2x16x157x128xi32, #tpu.memory_space<hbm>> -> memref<1x1x157x128xi32, #tpu.memory_space<hbm>>
      %dma_wait3A_281 = tpu.memref_squeeze %dma_wait3A_280 : memref<1x1x157x128xi32, #tpu.memory_space<hbm>> -> memref<157x128xi32, #tpu.memory_space<hbm>>
      tpu.wait_dma2 semaphore(%run_scoped3A_265 : memref<!tpu.dma_semaphore, #tpu.memory_space<semaphore_mem>>) src(%dma_wait3A_281 : memref<157x128xi32, #tpu.memory_space<hbm>>) dst(%arg7 : memref<157x128xi32, #tpu.memory_space<vmem>>)
      tpu.yield
    }) : () -> ()
    "tpu.region"() ({
      %run_scoped3A_265 = tpu.sem_alloc : memref<!tpu.dma_semaphore, #tpu.memory_space<semaphore_mem>>
      %dma_start3A_266 = arith.constant 0 : i32
      %dma_start3A_267 = arith.constant 0 : i32
      %dma_start3A_268 = tpu.memref_slice %arg3[%arg1, %dma_start3A_266, %dma_start3A_267] : memref<16x157x128xi32, #tpu.memory_space<hbm>> -> memref<1x157x128xi32, #tpu.memory_space<hbm>>
      %dma_start3A_269 = tpu.memref_squeeze %dma_start3A_268 : memref<1x157x128xi32, #tpu.memory_space<hbm>> -> memref<157x128xi32, #tpu.memory_space<hbm>>
      %dma_start3A_270 = arith.constant 0 : i32
      %dma_start3A_271 = arith.constant 0 : i32
      %dma_start3A_272 = tpu.memref_slice %arg3[%arg1, %dma_start3A_270, %dma_start3A_271] : memref<16x157x128xi32, #tpu.memory_space<hbm>> -> memref<1x157x128xi32, #tpu.memory_space<hbm>>
      %dma_start3A_273 = tpu.memref_squeeze %dma_start3A_272 : memref<1x157x128xi32, #tpu.memory_space<hbm>> -> memref<157x128xi32, #tpu.memory_space<hbm>>
      tpu.enqueue_dma source(%dma_start3A_273 : memref<157x128xi32, #tpu.memory_space<hbm>>) target(%arg8 : memref<157x128xi32, #tpu.memory_space<vmem>>) target_semaphore(%run_scoped3A_265 : memref<!tpu.dma_semaphore, #tpu.memory_space<semaphore_mem>>)
      %dma_wait3A_274 = arith.constant 0 : i32
      %dma_wait3A_275 = arith.constant 0 : i32
      %dma_wait3A_276 = tpu.memref_slice %arg3[%arg1, %dma_wait3A_274, %dma_wait3A_275] : memref<16x157x128xi32, #tpu.memory_space<hbm>> -> memref<1x157x128xi32, #tpu.memory_space<hbm>>
      %dma_wait3A_277 = tpu.memref_squeeze %dma_wait3A_276 : memref<1x157x128xi32, #tpu.memory_space<hbm>> -> memref<157x128xi32, #tpu.memory_space<hbm>>
      %dma_wait3A_278 = arith.constant 0 : i32
      %dma_wait3A_279 = arith.constant 0 : i32
      %dma_wait3A_280 = tpu.memref_slice %arg3[%arg1, %dma_wait3A_278, %dma_wait3A_279] : memref<16x157x128xi32, #tpu.memory_space<hbm>> -> memref<1x157x128xi32, #tpu.memory_space<hbm>>
      %dma_wait3A_281 = tpu.memref_squeeze %dma_wait3A_280 : memref<1x157x128xi32, #tpu.memory_space<hbm>> -> memref<157x128xi32, #tpu.memory_space<hbm>>
      tpu.wait_dma2 semaphore(%run_scoped3A_265 : memref<!tpu.dma_semaphore, #tpu.memory_space<semaphore_mem>>) src(%dma_wait3A_281 : memref<157x128xi32, #tpu.memory_space<hbm>>) dst(%arg8 : memref<157x128xi32, #tpu.memory_space<vmem>>)
      tpu.yield
    }) : () -> ()
    %dma_start3A = arith.constant 0 : i32
    %dma_start3A_57 = arith.constant 0 : i32
    %dma_start3A_58 = tpu.memref_slice %arg7[%dma_start3A, %dma_start3A_57] : memref<157x128xi32, #tpu.memory_space<vmem>> -> memref<1x128xi32, #tpu.memory_space<vmem>>
    %dma_start3A_59 = tpu.memref_squeeze %dma_start3A_58 : memref<1x128xi32, #tpu.memory_space<vmem>> -> memref<128xi32, #tpu.memory_space<vmem>>
    %dma_start3A_60 = arith.constant 0 : i32
    %dma_start3A_61 = arith.constant 0 : i32
    %dma_start3A_62 = tpu.memref_slice %arg4[%dma_start3A_60, %dma_start3A_61] : memref<20000x64xbf16, #tpu.memory_space<hbm>> -> memref<20000x64xbf16, #tpu.memory_space<hbm>>
    tpu.enqueue_indirect_dma source(%dma_start3A_62 : memref<20000x64xbf16, #tpu.memory_space<hbm>>) target(%arg9 : memref<128x64xbf16, #tpu.memory_space<vmem>>) offsets(%dma_start3A_59 : memref<128xi32, #tpu.memory_space<vmem>>) semaphore(%arg17 : memref<!tpu.dma_semaphore, #tpu.memory_space<semaphore_mem>>)
    %dma_start3A_63 = arith.constant 1 : i32
    %dma_start3A_64 = arith.constant 0 : i32
    %dma_start3A_65 = tpu.memref_slice %arg7[%dma_start3A_63, %dma_start3A_64] : memref<157x128xi32, #tpu.memory_space<vmem>> -> memref<1x128xi32, #tpu.memory_space<vmem>>
    %dma_start3A_66 = tpu.memref_squeeze %dma_start3A_65 : memref<1x128xi32, #tpu.memory_space<vmem>> -> memref<128xi32, #tpu.memory_space<vmem>>
    %dma_start3A_67 = arith.constant 0 : i32
    %dma_start3A_68 = arith.constant 0 : i32
    %dma_start3A_69 = tpu.memref_slice %arg4[%dma_start3A_67, %dma_start3A_68] : memref<20000x64xbf16, #tpu.memory_space<hbm>> -> memref<20000x64xbf16, #tpu.memory_space<hbm>>
    tpu.enqueue_indirect_dma source(%dma_start3A_69 : memref<20000x64xbf16, #tpu.memory_space<hbm>>) target(%arg10 : memref<128x64xbf16, #tpu.memory_space<vmem>>) offsets(%dma_start3A_66 : memref<128xi32, #tpu.memory_space<vmem>>) semaphore(%arg18 : memref<!tpu.dma_semaphore, #tpu.memory_space<semaphore_mem>>)
    %dma_start3A_70 = arith.constant 2 : i32
    %dma_start3A_71 = arith.constant 0 : i32
    %dma_start3A_72 = tpu.memref_slice %arg7[%dma_start3A_70, %dma_start3A_71] : memref<157x128xi32, #tpu.memory_space<vmem>> -> memref<1x128xi32, #tpu.memory_space<vmem>>
    %dma_start3A_73 = tpu.memref_squeeze %dma_start3A_72 : memref<1x128xi32, #tpu.memory_space<vmem>> -> memref<128xi32, #tpu.memory_space<vmem>>
    %dma_start3A_74 = arith.constant 0 : i32
    %dma_start3A_75 = arith.constant 0 : i32
    %dma_start3A_76 = tpu.memref_slice %arg4[%dma_start3A_74, %dma_start3A_75] : memref<20000x64xbf16, #tpu.memory_space<hbm>> -> memref<20000x64xbf16, #tpu.memory_space<hbm>>
    tpu.enqueue_indirect_dma source(%dma_start3A_76 : memref<20000x64xbf16, #tpu.memory_space<hbm>>) target(%arg11 : memref<128x64xbf16, #tpu.memory_space<vmem>>) offsets(%dma_start3A_73 : memref<128xi32, #tpu.memory_space<vmem>>) semaphore(%arg19 : memref<!tpu.dma_semaphore, #tpu.memory_space<semaphore_mem>>)
    %dma_wait3A = arith.constant 0 : i32
    %dma_wait3A_77 = arith.constant 0 : i32
    %dma_wait3A_78 = tpu.memref_slice %arg7[%dma_wait3A, %dma_wait3A_77] : memref<157x128xi32, #tpu.memory_space<vmem>> -> memref<1x128xi32, #tpu.memory_space<vmem>>
    %dma_wait3A_79 = tpu.memref_squeeze %dma_wait3A_78 : memref<1x128xi32, #tpu.memory_space<vmem>> -> memref<128xi32, #tpu.memory_space<vmem>>
    %dma_wait3A_80 = arith.constant 0 : i32
    %dma_wait3A_81 = arith.constant 0 : i32
    %dma_wait3A_82 = tpu.memref_slice %arg4[%dma_wait3A_80, %dma_wait3A_81] : memref<20000x64xbf16, #tpu.memory_space<hbm>> -> memref<20000x64xbf16, #tpu.memory_space<hbm>>
    tpu.wait_indirect_dma semaphore(%arg17 : memref<!tpu.dma_semaphore, #tpu.memory_space<semaphore_mem>>) src(%dma_wait3A_82 : memref<20000x64xbf16, #tpu.memory_space<hbm>>) dst(%arg9 : memref<128x64xbf16, #tpu.memory_space<vmem>>)
    %dma_start3A_83 = arith.constant 0 : i32
    %dma_start3A_84 = arith.constant 0 : i32
    %dma_start3A_85 = tpu.memref_slice %arg8[%dma_start3A_83, %dma_start3A_84] : memref<157x128xi32, #tpu.memory_space<vmem>> -> memref<1x128xi32, #tpu.memory_space<vmem>>
    %dma_start3A_86 = tpu.memref_squeeze %dma_start3A_85 : memref<1x128xi32, #tpu.memory_space<vmem>> -> memref<128xi32, #tpu.memory_space<vmem>>
    %dma_start3A_87 = arith.constant 0 : i32
    %dma_start3A_88 = arith.constant 0 : i32
    %dma_start3A_89 = tpu.memref_slice %arg15[%dma_start3A_87, %dma_start3A_88] : memref<10240x64xbf16, #tpu.memory_space<vmem_shared>> -> memref<10240x64xbf16, #tpu.memory_space<vmem_shared>>
    tpu.enqueue_indirect_dma source(%arg9 : memref<128x64xbf16, #tpu.memory_space<vmem>>) target(%dma_start3A_89 : memref<10240x64xbf16, #tpu.memory_space<vmem_shared>>) offsets(%dma_start3A_86 : memref<128xi32, #tpu.memory_space<vmem>>) semaphore(%arg20 : memref<!tpu.dma_semaphore, #tpu.memory_space<semaphore_mem>>) {add = true}
    %run_scoped3A = arith.constant 0 : i32
    "tpu.region"() ({
      %run_scoped3A_265 = tpu.sem_alloc : memref<!tpu.dma_semaphore, #tpu.memory_space<semaphore_mem>>
      %dma_start3A_266 = arith.constant 0 : i32
      %dma_start3A_267 = tpu.memref_slice %arg8[%run_scoped3A, %dma_start3A_266] : memref<157x128xi32, #tpu.memory_space<vmem>> -> memref<1x128xi32, #tpu.memory_space<vmem>>
      %dma_start3A_268 = tpu.memref_squeeze %dma_start3A_267 : memref<1x128xi32, #tpu.memory_space<vmem>> -> memref<128xi32, #tpu.memory_space<vmem>>
      %dma_start3A_269 = arith.constant 0 : i32
      %dma_start3A_270 = tpu.memref_slice %arg16[%dma_start3A_269] : memref<10240xf32, #tpu.memory_space<vmem_shared>> -> memref<10240xf32, #tpu.memory_space<vmem_shared>>
      tpu.enqueue_indirect_dma source(%arg13 : memref<128xf32, #tpu.memory_space<vmem>>) target(%dma_start3A_270 : memref<10240xf32, #tpu.memory_space<vmem_shared>>) offsets(%dma_start3A_268 : memref<128xi32, #tpu.memory_space<vmem>>) semaphore(%run_scoped3A_265 : memref<!tpu.dma_semaphore, #tpu.memory_space<semaphore_mem>>) {add = true}
      %dma_wait3A_271 = arith.constant 0 : i32
      %dma_wait3A_272 = tpu.memref_slice %arg8[%run_scoped3A, %dma_wait3A_271] : memref<157x128xi32, #tpu.memory_space<vmem>> -> memref<1x128xi32, #tpu.memory_space<vmem>>
      %dma_wait3A_273 = tpu.memref_squeeze %dma_wait3A_272 : memref<1x128xi32, #tpu.memory_space<vmem>> -> memref<128xi32, #tpu.memory_space<vmem>>
      %dma_wait3A_274 = arith.constant 0 : i32
      %dma_wait3A_275 = tpu.memref_slice %arg16[%dma_wait3A_274] : memref<10240xf32, #tpu.memory_space<vmem_shared>> -> memref<10240xf32, #tpu.memory_space<vmem_shared>>
      tpu.wait_indirect_dma semaphore(%run_scoped3A_265 : memref<!tpu.dma_semaphore, #tpu.memory_space<semaphore_mem>>) src(%arg13 : memref<128xf32, #tpu.memory_space<vmem>>) dst(%dma_wait3A_275 : memref<10240xf32, #tpu.memory_space<vmem_shared>>)
      tpu.yield
    }) : () -> ()
    %dma_wait3A_90 = arith.constant 0 : i32
    %dma_wait3A_91 = arith.constant 0 : i32
    %dma_wait3A_92 = tpu.memref_slice %arg8[%dma_wait3A_90, %dma_wait3A_91] : memref<157x128xi32, #tpu.memory_space<vmem>> -> memref<1x128xi32, #tpu.memory_space<vmem>>
    %dma_wait3A_93 = tpu.memref_squeeze %dma_wait3A_92 : memref<1x128xi32, #tpu.memory_space<vmem>> -> memref<128xi32, #tpu.memory_space<vmem>>
    %dma_wait3A_94 = arith.constant 0 : i32
    %dma_wait3A_95 = arith.constant 0 : i32
    %dma_wait3A_96 = tpu.memref_slice %arg15[%dma_wait3A_94, %dma_wait3A_95] : memref<10240x64xbf16, #tpu.memory_space<vmem_shared>> -> memref<10240x64xbf16, #tpu.memory_space<vmem_shared>>
    tpu.wait_indirect_dma semaphore(%arg20 : memref<!tpu.dma_semaphore, #tpu.memory_space<semaphore_mem>>) src(%arg9 : memref<128x64xbf16, #tpu.memory_space<vmem>>) dst(%dma_wait3A_96 : memref<10240x64xbf16, #tpu.memory_space<vmem_shared>>)
    %dma_start3A_97 = arith.constant 3 : i32
    %dma_start3A_98 = arith.constant 0 : i32
    %dma_start3A_99 = tpu.memref_slice %arg7[%dma_start3A_97, %dma_start3A_98] : memref<157x128xi32, #tpu.memory_space<vmem>> -> memref<1x128xi32, #tpu.memory_space<vmem>>
    %dma_start3A_100 = tpu.memref_squeeze %dma_start3A_99 : memref<1x128xi32, #tpu.memory_space<vmem>> -> memref<128xi32, #tpu.memory_space<vmem>>
    %dma_start3A_101 = arith.constant 0 : i32
    %dma_start3A_102 = arith.constant 0 : i32
    %dma_start3A_103 = tpu.memref_slice %arg4[%dma_start3A_101, %dma_start3A_102] : memref<20000x64xbf16, #tpu.memory_space<hbm>> -> memref<20000x64xbf16, #tpu.memory_space<hbm>>
    tpu.enqueue_indirect_dma source(%dma_start3A_103 : memref<20000x64xbf16, #tpu.memory_space<hbm>>) target(%arg9 : memref<128x64xbf16, #tpu.memory_space<vmem>>) offsets(%dma_start3A_100 : memref<128xi32, #tpu.memory_space<vmem>>) semaphore(%arg17 : memref<!tpu.dma_semaphore, #tpu.memory_space<semaphore_mem>>)
    %dma_wait3A_104 = arith.constant 1 : i32
    %dma_wait3A_105 = arith.constant 0 : i32
    %dma_wait3A_106 = tpu.memref_slice %arg7[%dma_wait3A_104, %dma_wait3A_105] : memref<157x128xi32, #tpu.memory_space<vmem>> -> memref<1x128xi32, #tpu.memory_space<vmem>>
    %dma_wait3A_107 = tpu.memref_squeeze %dma_wait3A_106 : memref<1x128xi32, #tpu.memory_space<vmem>> -> memref<128xi32, #tpu.memory_space<vmem>>
    %dma_wait3A_108 = arith.constant 0 : i32
    %dma_wait3A_109 = arith.constant 0 : i32
    %dma_wait3A_110 = tpu.memref_slice %arg4[%dma_wait3A_108, %dma_wait3A_109] : memref<20000x64xbf16, #tpu.memory_space<hbm>> -> memref<20000x64xbf16, #tpu.memory_space<hbm>>
    tpu.wait_indirect_dma semaphore(%arg18 : memref<!tpu.dma_semaphore, #tpu.memory_space<semaphore_mem>>) src(%dma_wait3A_110 : memref<20000x64xbf16, #tpu.memory_space<hbm>>) dst(%arg10 : memref<128x64xbf16, #tpu.memory_space<vmem>>)
    %dma_start3A_111 = arith.constant 1 : i32
    %dma_start3A_112 = arith.constant 0 : i32
    %dma_start3A_113 = tpu.memref_slice %arg8[%dma_start3A_111, %dma_start3A_112] : memref<157x128xi32, #tpu.memory_space<vmem>> -> memref<1x128xi32, #tpu.memory_space<vmem>>
    %dma_start3A_114 = tpu.memref_squeeze %dma_start3A_113 : memref<1x128xi32, #tpu.memory_space<vmem>> -> memref<128xi32, #tpu.memory_space<vmem>>
    %dma_start3A_115 = arith.constant 0 : i32
    %dma_start3A_116 = arith.constant 0 : i32
    %dma_start3A_117 = tpu.memref_slice %arg15[%dma_start3A_115, %dma_start3A_116] : memref<10240x64xbf16, #tpu.memory_space<vmem_shared>> -> memref<10240x64xbf16, #tpu.memory_space<vmem_shared>>
    tpu.enqueue_indirect_dma source(%arg10 : memref<128x64xbf16, #tpu.memory_space<vmem>>) target(%dma_start3A_117 : memref<10240x64xbf16, #tpu.memory_space<vmem_shared>>) offsets(%dma_start3A_114 : memref<128xi32, #tpu.memory_space<vmem>>) semaphore(%arg21 : memref<!tpu.dma_semaphore, #tpu.memory_space<semaphore_mem>>) {add = true}
    %run_scoped3A_118 = arith.constant 1 : i32
    "tpu.region"() ({
      %run_scoped3A_265 = tpu.sem_alloc : memref<!tpu.dma_semaphore, #tpu.memory_space<semaphore_mem>>
      %dma_start3A_266 = arith.constant 0 : i32
      %dma_start3A_267 = tpu.memref_slice %arg8[%run_scoped3A_118, %dma_start3A_266] : memref<157x128xi32, #tpu.memory_space<vmem>> -> memref<1x128xi32, #tpu.memory_space<vmem>>
      %dma_start3A_268 = tpu.memref_squeeze %dma_start3A_267 : memref<1x128xi32, #tpu.memory_space<vmem>> -> memref<128xi32, #tpu.memory_space<vmem>>
      %dma_start3A_269 = arith.constant 0 : i32
      %dma_start3A_270 = tpu.memref_slice %arg16[%dma_start3A_269] : memref<10240xf32, #tpu.memory_space<vmem_shared>> -> memref<10240xf32, #tpu.memory_space<vmem_shared>>
      tpu.enqueue_indirect_dma source(%arg13 : memref<128xf32, #tpu.memory_space<vmem>>) target(%dma_start3A_270 : memref<10240xf32, #tpu.memory_space<vmem_shared>>) offsets(%dma_start3A_268 : memref<128xi32, #tpu.memory_space<vmem>>) semaphore(%run_scoped3A_265 : memref<!tpu.dma_semaphore, #tpu.memory_space<semaphore_mem>>) {add = true}
      %dma_wait3A_271 = arith.constant 0 : i32
      %dma_wait3A_272 = tpu.memref_slice %arg8[%run_scoped3A_118, %dma_wait3A_271] : memref<157x128xi32, #tpu.memory_space<vmem>> -> memref<1x128xi32, #tpu.memory_space<vmem>>
      %dma_wait3A_273 = tpu.memref_squeeze %dma_wait3A_272 : memref<1x128xi32, #tpu.memory_space<vmem>> -> memref<128xi32, #tpu.memory_space<vmem>>
      %dma_wait3A_274 = arith.constant 0 : i32
      %dma_wait3A_275 = tpu.memref_slice %arg16[%dma_wait3A_274] : memref<10240xf32, #tpu.memory_space<vmem_shared>> -> memref<10240xf32, #tpu.memory_space<vmem_shared>>
      tpu.wait_indirect_dma semaphore(%run_scoped3A_265 : memref<!tpu.dma_semaphore, #tpu.memory_space<semaphore_mem>>) src(%arg13 : memref<128xf32, #tpu.memory_space<vmem>>) dst(%dma_wait3A_275 : memref<10240xf32, #tpu.memory_space<vmem_shared>>)
      tpu.yield
    }) : () -> ()
    %dma_wait3A_119 = arith.constant 1 : i32
    %dma_wait3A_120 = arith.constant 0 : i32
    %dma_wait3A_121 = tpu.memref_slice %arg8[%dma_wait3A_119, %dma_wait3A_120] : memref<157x128xi32, #tpu.memory_space<vmem>> -> memref<1x128xi32, #tpu.memory_space<vmem>>
    %dma_wait3A_122 = tpu.memref_squeeze %dma_wait3A_121 : memref<1x128xi32, #tpu.memory_space<vmem>> -> memref<128xi32, #tpu.memory_space<vmem>>
    %dma_wait3A_123 = arith.constant 0 : i32
    %dma_wait3A_124 = arith.constant 0 : i32
    %dma_wait3A_125 = tpu.memref_slice %arg15[%dma_wait3A_123, %dma_wait3A_124] : memref<10240x64xbf16, #tpu.memory_space<vmem_shared>> -> memref<10240x64xbf16, #tpu.memory_space<vmem_shared>>
    tpu.wait_indirect_dma semaphore(%arg21 : memref<!tpu.dma_semaphore, #tpu.memory_space<semaphore_mem>>) src(%arg10 : memref<128x64xbf16, #tpu.memory_space<vmem>>) dst(%dma_wait3A_125 : memref<10240x64xbf16, #tpu.memory_space<vmem_shared>>)
    %dma_start3A_126 = arith.constant 4 : i32
    %dma_start3A_127 = arith.constant 0 : i32
    %dma_start3A_128 = tpu.memref_slice %arg7[%dma_start3A_126, %dma_start3A_127] : memref<157x128xi32, #tpu.memory_space<vmem>> -> memref<1x128xi32, #tpu.memory_space<vmem>>
    %dma_start3A_129 = tpu.memref_squeeze %dma_start3A_128 : memref<1x128xi32, #tpu.memory_space<vmem>> -> memref<128xi32, #tpu.memory_space<vmem>>
    %dma_start3A_130 = arith.constant 0 : i32
    %dma_start3A_131 = arith.constant 0 : i32
    %dma_start3A_132 = tpu.memref_slice %arg4[%dma_start3A_130, %dma_start3A_131] : memref<20000x64xbf16, #tpu.memory_space<hbm>> -> memref<20000x64xbf16, #tpu.memory_space<hbm>>
    tpu.enqueue_indirect_dma source(%dma_start3A_132 : memref<20000x64xbf16, #tpu.memory_space<hbm>>) target(%arg10 : memref<128x64xbf16, #tpu.memory_space<vmem>>) offsets(%dma_start3A_129 : memref<128xi32, #tpu.memory_space<vmem>>) semaphore(%arg18 : memref<!tpu.dma_semaphore, #tpu.memory_space<semaphore_mem>>)
    %dma_wait3A_133 = arith.constant 2 : i32
    %dma_wait3A_134 = arith.constant 0 : i32
    %dma_wait3A_135 = tpu.memref_slice %arg7[%dma_wait3A_133, %dma_wait3A_134] : memref<157x128xi32, #tpu.memory_space<vmem>> -> memref<1x128xi32, #tpu.memory_space<vmem>>
    %dma_wait3A_136 = tpu.memref_squeeze %dma_wait3A_135 : memref<1x128xi32, #tpu.memory_space<vmem>> -> memref<128xi32, #tpu.memory_space<vmem>>
    %dma_wait3A_137 = arith.constant 0 : i32
    %dma_wait3A_138 = arith.constant 0 : i32
    %dma_wait3A_139 = tpu.memref_slice %arg4[%dma_wait3A_137, %dma_wait3A_138] : memref<20000x64xbf16, #tpu.memory_space<hbm>> -> memref<20000x64xbf16, #tpu.memory_space<hbm>>
    tpu.wait_indirect_dma semaphore(%arg19 : memref<!tpu.dma_semaphore, #tpu.memory_space<semaphore_mem>>) src(%dma_wait3A_139 : memref<20000x64xbf16, #tpu.memory_space<hbm>>) dst(%arg11 : memref<128x64xbf16, #tpu.memory_space<vmem>>)
    %dma_start3A_140 = arith.constant 2 : i32
    %dma_start3A_141 = arith.constant 0 : i32
    %dma_start3A_142 = tpu.memref_slice %arg8[%dma_start3A_140, %dma_start3A_141] : memref<157x128xi32, #tpu.memory_space<vmem>> -> memref<1x128xi32, #tpu.memory_space<vmem>>
    %dma_start3A_143 = tpu.memref_squeeze %dma_start3A_142 : memref<1x128xi32, #tpu.memory_space<vmem>> -> memref<128xi32, #tpu.memory_space<vmem>>
    %dma_start3A_144 = arith.constant 0 : i32
    %dma_start3A_145 = arith.constant 0 : i32
    %dma_start3A_146 = tpu.memref_slice %arg15[%dma_start3A_144, %dma_start3A_145] : memref<10240x64xbf16, #tpu.memory_space<vmem_shared>> -> memref<10240x64xbf16, #tpu.memory_space<vmem_shared>>
    tpu.enqueue_indirect_dma source(%arg11 : memref<128x64xbf16, #tpu.memory_space<vmem>>) target(%dma_start3A_146 : memref<10240x64xbf16, #tpu.memory_space<vmem_shared>>) offsets(%dma_start3A_143 : memref<128xi32, #tpu.memory_space<vmem>>) semaphore(%arg22 : memref<!tpu.dma_semaphore, #tpu.memory_space<semaphore_mem>>) {add = true}
    %run_scoped3A_147 = arith.constant 2 : i32
    "tpu.region"() ({
      %run_scoped3A_265 = tpu.sem_alloc : memref<!tpu.dma_semaphore, #tpu.memory_space<semaphore_mem>>
      %dma_start3A_266 = arith.constant 0 : i32
      %dma_start3A_267 = tpu.memref_slice %arg8[%run_scoped3A_147, %dma_start3A_266] : memref<157x128xi32, #tpu.memory_space<vmem>> -> memref<1x128xi32, #tpu.memory_space<vmem>>
      %dma_start3A_268 = tpu.memref_squeeze %dma_start3A_267 : memref<1x128xi32, #tpu.memory_space<vmem>> -> memref<128xi32, #tpu.memory_space<vmem>>
      %dma_start3A_269 = arith.constant 0 : i32
      %dma_start3A_270 = tpu.memref_slice %arg16[%dma_start3A_269] : memref<10240xf32, #tpu.memory_space<vmem_shared>> -> memref<10240xf32, #tpu.memory_space<vmem_shared>>
      tpu.enqueue_indirect_dma source(%arg13 : memref<128xf32, #tpu.memory_space<vmem>>) target(%dma_start3A_270 : memref<10240xf32, #tpu.memory_space<vmem_shared>>) offsets(%dma_start3A_268 : memref<128xi32, #tpu.memory_space<vmem>>) semaphore(%run_scoped3A_265 : memref<!tpu.dma_semaphore, #tpu.memory_space<semaphore_mem>>) {add = true}
      %dma_wait3A_271 = arith.constant 0 : i32
      %dma_wait3A_272 = tpu.memref_slice %arg8[%run_scoped3A_147, %dma_wait3A_271] : memref<157x128xi32, #tpu.memory_space<vmem>> -> memref<1x128xi32, #tpu.memory_space<vmem>>
      %dma_wait3A_273 = tpu.memref_squeeze %dma_wait3A_272 : memref<1x128xi32, #tpu.memory_space<vmem>> -> memref<128xi32, #tpu.memory_space<vmem>>
      %dma_wait3A_274 = arith.constant 0 : i32
      %dma_wait3A_275 = tpu.memref_slice %arg16[%dma_wait3A_274] : memref<10240xf32, #tpu.memory_space<vmem_shared>> -> memref<10240xf32, #tpu.memory_space<vmem_shared>>
      tpu.wait_indirect_dma semaphore(%run_scoped3A_265 : memref<!tpu.dma_semaphore, #tpu.memory_space<semaphore_mem>>) src(%arg13 : memref<128xf32, #tpu.memory_space<vmem>>) dst(%dma_wait3A_275 : memref<10240xf32, #tpu.memory_space<vmem_shared>>)
      tpu.yield
    }) : () -> ()
    %scan3A_148 = arith.constant 0 : i32
    %scan3A_149 = arith.constant 1 : i32
    %scan3A_150 = arith.constant 50 : i32
    %scan3A_151 = arith.addi %scan3A_149, %scan3A_150 : i32
    %scan3A_152 = arith.constant 1 : i32
    %scan3A_153 = scf.for %scan3A_265 = %scan3A_149 to %scan3A_151 step %scan3A_152 iter_args(%scan3A_266 = %scan3A_148) -> (i32)  : i32 {
      %mul3A_267 = arith.constant 3 : i32
      %mul3A_268 = arith.muli %mul3A_267, %scan3A_265 : i32
      %sub3A = arith.constant 1 : i32
      %sub3A_269 = arith.subi %mul3A_268, %sub3A : i32
      %dma_wait3A_270 = arith.constant 0 : i32
      %dma_wait3A_271 = tpu.memref_slice %arg8[%sub3A_269, %dma_wait3A_270] : memref<157x128xi32, #tpu.memory_space<vmem>> -> memref<1x128xi32, #tpu.memory_space<vmem>>
      %dma_wait3A_272 = tpu.memref_squeeze %dma_wait3A_271 : memref<1x128xi32, #tpu.memory_space<vmem>> -> memref<128xi32, #tpu.memory_space<vmem>>
      %dma_wait3A_273 = arith.constant 0 : i32
      %dma_wait3A_274 = arith.constant 0 : i32
      %dma_wait3A_275 = tpu.memref_slice %arg15[%dma_wait3A_273, %dma_wait3A_274] : memref<10240x64xbf16, #tpu.memory_space<vmem_shared>> -> memref<10240x64xbf16, #tpu.memory_space<vmem_shared>>
      tpu.wait_indirect_dma semaphore(%arg22 : memref<!tpu.dma_semaphore, #tpu.memory_space<semaphore_mem>>) src(%arg11 : memref<128x64xbf16, #tpu.memory_space<vmem>>) dst(%dma_wait3A_275 : memref<10240x64xbf16, #tpu.memory_space<vmem_shared>>)
      %add3A = arith.constant 2 : i32
      %add3A_276 = arith.addi %mul3A_268, %add3A : i32
      %dma_start3A_277 = arith.constant 0 : i32
      %dma_start3A_278 = tpu.memref_slice %arg7[%add3A_276, %dma_start3A_277] : memref<157x128xi32, #tpu.memory_space<vmem>> -> memref<1x128xi32, #tpu.memory_space<vmem>>
      %dma_start3A_279 = tpu.memref_squeeze %dma_start3A_278 : memref<1x128xi32, #tpu.memory_space<vmem>> -> memref<128xi32, #tpu.memory_space<vmem>>
      %dma_start3A_280 = arith.constant 0 : i32
      %dma_start3A_281 = arith.constant 0 : i32
      %dma_start3A_282 = tpu.memref_slice %arg4[%dma_start3A_280, %dma_start3A_281] : memref<20000x64xbf16, #tpu.memory_space<hbm>> -> memref<20000x64xbf16, #tpu.memory_space<hbm>>
      tpu.enqueue_indirect_dma source(%dma_start3A_282 : memref<20000x64xbf16, #tpu.memory_space<hbm>>) target(%arg11 : memref<128x64xbf16, #tpu.memory_space<vmem>>) offsets(%dma_start3A_279 : memref<128xi32, #tpu.memory_space<vmem>>) semaphore(%arg19 : memref<!tpu.dma_semaphore, #tpu.memory_space<semaphore_mem>>)
      %dma_wait3A_283 = arith.constant 0 : i32
      %dma_wait3A_284 = tpu.memref_slice %arg7[%mul3A_268, %dma_wait3A_283] : memref<157x128xi32, #tpu.memory_space<vmem>> -> memref<1x128xi32, #tpu.memory_space<vmem>>
      %dma_wait3A_285 = tpu.memref_squeeze %dma_wait3A_284 : memref<1x128xi32, #tpu.memory_space<vmem>> -> memref<128xi32, #tpu.memory_space<vmem>>
      %dma_wait3A_286 = arith.constant 0 : i32
      %dma_wait3A_287 = arith.constant 0 : i32
      %dma_wait3A_288 = tpu.memref_slice %arg4[%dma_wait3A_286, %dma_wait3A_287] : memref<20000x64xbf16, #tpu.memory_space<hbm>> -> memref<20000x64xbf16, #tpu.memory_space<hbm>>
      tpu.wait_indirect_dma semaphore(%arg17 : memref<!tpu.dma_semaphore, #tpu.memory_space<semaphore_mem>>) src(%dma_wait3A_288 : memref<20000x64xbf16, #tpu.memory_space<hbm>>) dst(%arg9 : memref<128x64xbf16, #tpu.memory_space<vmem>>)
      %dma_start3A_289 = arith.constant 0 : i32
      %dma_start3A_290 = tpu.memref_slice %arg8[%mul3A_268, %dma_start3A_289] : memref<157x128xi32, #tpu.memory_space<vmem>> -> memref<1x128xi32, #tpu.memory_space<vmem>>
      %dma_start3A_291 = tpu.memref_squeeze %dma_start3A_290 : memref<1x128xi32, #tpu.memory_space<vmem>> -> memref<128xi32, #tpu.memory_space<vmem>>
      %dma_start3A_292 = arith.constant 0 : i32
      %dma_start3A_293 = arith.constant 0 : i32
      %dma_start3A_294 = tpu.memref_slice %arg15[%dma_start3A_292, %dma_start3A_293] : memref<10240x64xbf16, #tpu.memory_space<vmem_shared>> -> memref<10240x64xbf16, #tpu.memory_space<vmem_shared>>
      tpu.enqueue_indirect_dma source(%arg9 : memref<128x64xbf16, #tpu.memory_space<vmem>>) target(%dma_start3A_294 : memref<10240x64xbf16, #tpu.memory_space<vmem_shared>>) offsets(%dma_start3A_291 : memref<128xi32, #tpu.memory_space<vmem>>) semaphore(%arg20 : memref<!tpu.dma_semaphore, #tpu.memory_space<semaphore_mem>>) {add = true}
      "tpu.region"() ({
        %run_scoped3A_356 = tpu.sem_alloc : memref<!tpu.dma_semaphore, #tpu.memory_space<semaphore_mem>>
        %dma_start3A_357 = arith.constant 0 : i32
        %dma_start3A_358 = tpu.memref_slice %arg8[%mul3A_268, %dma_start3A_357] : memref<157x128xi32, #tpu.memory_space<vmem>> -> memref<1x128xi32, #tpu.memory_space<vmem>>
        %dma_start3A_359 = tpu.memref_squeeze %dma_start3A_358 : memref<1x128xi32, #tpu.memory_space<vmem>> -> memref<128xi32, #tpu.memory_space<vmem>>
        %dma_start3A_360 = arith.constant 0 : i32
        %dma_start3A_361 = tpu.memref_slice %arg16[%dma_start3A_360] : memref<10240xf32, #tpu.memory_space<vmem_shared>> -> memref<10240xf32, #tpu.memory_space<vmem_shared>>
        tpu.enqueue_indirect_dma source(%arg13 : memref<128xf32, #tpu.memory_space<vmem>>) target(%dma_start3A_361 : memref<10240xf32, #tpu.memory_space<vmem_shared>>) offsets(%dma_start3A_359 : memref<128xi32, #tpu.memory_space<vmem>>) semaphore(%run_scoped3A_356 : memref<!tpu.dma_semaphore, #tpu.memory_space<semaphore_mem>>) {add = true}
        %dma_wait3A_362 = arith.constant 0 : i32
        %dma_wait3A_363 = tpu.memref_slice %arg8[%mul3A_268, %dma_wait3A_362] : memref<157x128xi32, #tpu.memory_space<vmem>> -> memref<1x128xi32, #tpu.memory_space<vmem>>
        %dma_wait3A_364 = tpu.memref_squeeze %dma_wait3A_363 : memref<1x128xi32, #tpu.memory_space<vmem>> -> memref<128xi32, #tpu.memory_space<vmem>>
        %dma_wait3A_365 = arith.constant 0 : i32
        %dma_wait3A_366 = tpu.memref_slice %arg16[%dma_wait3A_365] : memref<10240xf32, #tpu.memory_space<vmem_shared>> -> memref<10240xf32, #tpu.memory_space<vmem_shared>>
        tpu.wait_indirect_dma semaphore(%run_scoped3A_356 : memref<!tpu.dma_semaphore, #tpu.memory_space<semaphore_mem>>) src(%arg13 : memref<128xf32, #tpu.memory_space<vmem>>) dst(%dma_wait3A_366 : memref<10240xf32, #tpu.memory_space<vmem_shared>>)
        tpu.yield
      }) : () -> ()
      %add3A_295 = arith.constant 1 : i32
      %add3A_296 = arith.addi %mul3A_268, %add3A_295 : i32
      %sub3A_297 = arith.constant 1 : i32
      %sub3A_298 = arith.subi %add3A_296, %sub3A_297 : i32
      %dma_wait3A_299 = arith.constant 0 : i32
      %dma_wait3A_300 = tpu.memref_slice %arg8[%sub3A_298, %dma_wait3A_299] : memref<157x128xi32, #tpu.memory_space<vmem>> -> memref<1x128xi32, #tpu.memory_space<vmem>>
      %dma_wait3A_301 = tpu.memref_squeeze %dma_wait3A_300 : memref<1x128xi32, #tpu.memory_space<vmem>> -> memref<128xi32, #tpu.memory_space<vmem>>
      %dma_wait3A_302 = arith.constant 0 : i32
      %dma_wait3A_303 = arith.constant 0 : i32
      %dma_wait3A_304 = tpu.memref_slice %arg15[%dma_wait3A_302, %dma_wait3A_303] : memref<10240x64xbf16, #tpu.memory_space<vmem_shared>> -> memref<10240x64xbf16, #tpu.memory_space<vmem_shared>>
      tpu.wait_indirect_dma semaphore(%arg20 : memref<!tpu.dma_semaphore, #tpu.memory_space<semaphore_mem>>) src(%arg9 : memref<128x64xbf16, #tpu.memory_space<vmem>>) dst(%dma_wait3A_304 : memref<10240x64xbf16, #tpu.memory_space<vmem_shared>>)
      %add3A_305 = arith.constant 2 : i32
      %add3A_306 = arith.addi %add3A_296, %add3A_305 : i32
      %dma_start3A_307 = arith.constant 0 : i32
      %dma_start3A_308 = tpu.memref_slice %arg7[%add3A_306, %dma_start3A_307] : memref<157x128xi32, #tpu.memory_space<vmem>> -> memref<1x128xi32, #tpu.memory_space<vmem>>
      %dma_start3A_309 = tpu.memref_squeeze %dma_start3A_308 : memref<1x128xi32, #tpu.memory_space<vmem>> -> memref<128xi32, #tpu.memory_space<vmem>>
      %dma_start3A_310 = arith.constant 0 : i32
      %dma_start3A_311 = arith.constant 0 : i32
      %dma_start3A_312 = tpu.memref_slice %arg4[%dma_start3A_310, %dma_start3A_311] : memref<20000x64xbf16, #tpu.memory_space<hbm>> -> memref<20000x64xbf16, #tpu.memory_space<hbm>>
      tpu.enqueue_indirect_dma source(%dma_start3A_312 : memref<20000x64xbf16, #tpu.memory_space<hbm>>) target(%arg9 : memref<128x64xbf16, #tpu.memory_space<vmem>>) offsets(%dma_start3A_309 : memref<128xi32, #tpu.memory_space<vmem>>) semaphore(%arg17 : memref<!tpu.dma_semaphore, #tpu.memory_space<semaphore_mem>>)
      %dma_wait3A_313 = arith.constant 0 : i32
      %dma_wait3A_314 = tpu.memref_slice %arg7[%add3A_296, %dma_wait3A_313] : memref<157x128xi32, #tpu.memory_space<vmem>> -> memref<1x128xi32, #tpu.memory_space<vmem>>
      %dma_wait3A_315 = tpu.memref_squeeze %dma_wait3A_314 : memref<1x128xi32, #tpu.memory_space<vmem>> -> memref<128xi32, #tpu.memory_space<vmem>>
      %dma_wait3A_316 = arith.constant 0 : i32
      %dma_wait3A_317 = arith.constant 0 : i32
      %dma_wait3A_318 = tpu.memref_slice %arg4[%dma_wait3A_316, %dma_wait3A_317] : memref<20000x64xbf16, #tpu.memory_space<hbm>> -> memref<20000x64xbf16, #tpu.memory_space<hbm>>
      tpu.wait_indirect_dma semaphore(%arg18 : memref<!tpu.dma_semaphore, #tpu.memory_space<semaphore_mem>>) src(%dma_wait3A_318 : memref<20000x64xbf16, #tpu.memory_space<hbm>>) dst(%arg10 : memref<128x64xbf16, #tpu.memory_space<vmem>>)
      %dma_start3A_319 = arith.constant 0 : i32
      %dma_start3A_320 = tpu.memref_slice %arg8[%add3A_296, %dma_start3A_319] : memref<157x128xi32, #tpu.memory_space<vmem>> -> memref<1x128xi32, #tpu.memory_space<vmem>>
      %dma_start3A_321 = tpu.memref_squeeze %dma_start3A_320 : memref<1x128xi32, #tpu.memory_space<vmem>> -> memref<128xi32, #tpu.memory_space<vmem>>
      %dma_start3A_322 = arith.constant 0 : i32
      %dma_start3A_323 = arith.constant 0 : i32
      %dma_start3A_324 = tpu.memref_slice %arg15[%dma_start3A_322, %dma_start3A_323] : memref<10240x64xbf16, #tpu.memory_space<vmem_shared>> -> memref<10240x64xbf16, #tpu.memory_space<vmem_shared>>
      tpu.enqueue_indirect_dma source(%arg10 : memref<128x64xbf16, #tpu.memory_space<vmem>>) target(%dma_start3A_324 : memref<10240x64xbf16, #tpu.memory_space<vmem_shared>>) offsets(%dma_start3A_321 : memref<128xi32, #tpu.memory_space<vmem>>) semaphore(%arg21 : memref<!tpu.dma_semaphore, #tpu.memory_space<semaphore_mem>>) {add = true}
      "tpu.region"() ({
        %run_scoped3A_356 = tpu.sem_alloc : memref<!tpu.dma_semaphore, #tpu.memory_space<semaphore_mem>>
        %dma_start3A_357 = arith.constant 0 : i32
        %dma_start3A_358 = tpu.memref_slice %arg8[%add3A_296, %dma_start3A_357] : memref<157x128xi32, #tpu.memory_space<vmem>> -> memref<1x128xi32, #tpu.memory_space<vmem>>
        %dma_start3A_359 = tpu.memref_squeeze %dma_start3A_358 : memref<1x128xi32, #tpu.memory_space<vmem>> -> memref<128xi32, #tpu.memory_space<vmem>>
        %dma_start3A_360 = arith.constant 0 : i32
        %dma_start3A_361 = tpu.memref_slice %arg16[%dma_start3A_360] : memref<10240xf32, #tpu.memory_space<vmem_shared>> -> memref<10240xf32, #tpu.memory_space<vmem_shared>>
        tpu.enqueue_indirect_dma source(%arg13 : memref<128xf32, #tpu.memory_space<vmem>>) target(%dma_start3A_361 : memref<10240xf32, #tpu.memory_space<vmem_shared>>) offsets(%dma_start3A_359 : memref<128xi32, #tpu.memory_space<vmem>>) semaphore(%run_scoped3A_356 : memref<!tpu.dma_semaphore, #tpu.memory_space<semaphore_mem>>) {add = true}
        %dma_wait3A_362 = arith.constant 0 : i32
        %dma_wait3A_363 = tpu.memref_slice %arg8[%add3A_296, %dma_wait3A_362] : memref<157x128xi32, #tpu.memory_space<vmem>> -> memref<1x128xi32, #tpu.memory_space<vmem>>
        %dma_wait3A_364 = tpu.memref_squeeze %dma_wait3A_363 : memref<1x128xi32, #tpu.memory_space<vmem>> -> memref<128xi32, #tpu.memory_space<vmem>>
        %dma_wait3A_365 = arith.constant 0 : i32
        %dma_wait3A_366 = tpu.memref_slice %arg16[%dma_wait3A_365] : memref<10240xf32, #tpu.memory_space<vmem_shared>> -> memref<10240xf32, #tpu.memory_space<vmem_shared>>
        tpu.wait_indirect_dma semaphore(%run_scoped3A_356 : memref<!tpu.dma_semaphore, #tpu.memory_space<semaphore_mem>>) src(%arg13 : memref<128xf32, #tpu.memory_space<vmem>>) dst(%dma_wait3A_366 : memref<10240xf32, #tpu.memory_space<vmem_shared>>)
        tpu.yield
      }) : () -> ()
      %add3A_325 = arith.constant 2 : i32
      %add3A_326 = arith.addi %mul3A_268, %add3A_325 : i32
      %sub3A_327 = arith.constant 1 : i32
      %sub3A_328 = arith.subi %add3A_326, %sub3A_327 : i32
      %dma_wait3A_329 = arith.constant 0 : i32
      %dma_wait3A_330 = tpu.memref_slice %arg8[%sub3A_328, %dma_wait3A_329] : memref<157x128xi32, #tpu.memory_space<vmem>> -> memref<1x128xi32, #tpu.memory_space<vmem>>
      %dma_wait3A_331 = tpu.memref_squeeze %dma_wait3A_330 : memref<1x128xi32, #tpu.memory_space<vmem>> -> memref<128xi32, #tpu.memory_space<vmem>>
      %dma_wait3A_332 = arith.constant 0 : i32
      %dma_wait3A_333 = arith.constant 0 : i32
      %dma_wait3A_334 = tpu.memref_slice %arg15[%dma_wait3A_332, %dma_wait3A_333] : memref<10240x64xbf16, #tpu.memory_space<vmem_shared>> -> memref<10240x64xbf16, #tpu.memory_space<vmem_shared>>
      tpu.wait_indirect_dma semaphore(%arg21 : memref<!tpu.dma_semaphore, #tpu.memory_space<semaphore_mem>>) src(%arg10 : memref<128x64xbf16, #tpu.memory_space<vmem>>) dst(%dma_wait3A_334 : memref<10240x64xbf16, #tpu.memory_space<vmem_shared>>)
      %add3A_335 = arith.constant 2 : i32
      %add3A_336 = arith.addi %add3A_326, %add3A_335 : i32
      %dma_start3A_337 = arith.constant 0 : i32
      %dma_start3A_338 = tpu.memref_slice %arg7[%add3A_336, %dma_start3A_337] : memref<157x128xi32, #tpu.memory_space<vmem>> -> memref<1x128xi32, #tpu.memory_space<vmem>>
      %dma_start3A_339 = tpu.memref_squeeze %dma_start3A_338 : memref<1x128xi32, #tpu.memory_space<vmem>> -> memref<128xi32, #tpu.memory_space<vmem>>
      %dma_start3A_340 = arith.constant 0 : i32
      %dma_start3A_341 = arith.constant 0 : i32
      %dma_start3A_342 = tpu.memref_slice %arg4[%dma_start3A_340, %dma_start3A_341] : memref<20000x64xbf16, #tpu.memory_space<hbm>> -> memref<20000x64xbf16, #tpu.memory_space<hbm>>
      tpu.enqueue_indirect_dma source(%dma_start3A_342 : memref<20000x64xbf16, #tpu.memory_space<hbm>>) target(%arg10 : memref<128x64xbf16, #tpu.memory_space<vmem>>) offsets(%dma_start3A_339 : memref<128xi32, #tpu.memory_space<vmem>>) semaphore(%arg18 : memref<!tpu.dma_semaphore, #tpu.memory_space<semaphore_mem>>)
      %dma_wait3A_343 = arith.constant 0 : i32
      %dma_wait3A_344 = tpu.memref_slice %arg7[%add3A_326, %dma_wait3A_343] : memref<157x128xi32, #tpu.memory_space<vmem>> -> memref<1x128xi32, #tpu.memory_space<vmem>>
      %dma_wait3A_345 = tpu.memref_squeeze %dma_wait3A_344 : memref<1x128xi32, #tpu.memory_space<vmem>> -> memref<128xi32, #tpu.memory_space<vmem>>
      %dma_wait3A_346 = arith.constant 0 : i32
      %dma_wait3A_347 = arith.constant 0 : i32
      %dma_wait3A_348 = tpu.memref_slice %arg4[%dma_wait3A_346, %dma_wait3A_347] : memref<20000x64xbf16, #tpu.memory_space<hbm>> -> memref<20000x64xbf16, #tpu.memory_space<hbm>>
      tpu.wait_indirect_dma semaphore(%arg19 : memref<!tpu.dma_semaphore, #tpu.memory_space<semaphore_mem>>) src(%dma_wait3A_348 : memref<20000x64xbf16, #tpu.memory_space<hbm>>) dst(%arg11 : memref<128x64xbf16, #tpu.memory_space<vmem>>)
      %dma_start3A_349 = arith.constant 0 : i32
      %dma_start3A_350 = tpu.memref_slice %arg8[%add3A_326, %dma_start3A_349] : memref<157x128xi32, #tpu.memory_space<vmem>> -> memref<1x128xi32, #tpu.memory_space<vmem>>
      %dma_start3A_351 = tpu.memref_squeeze %dma_start3A_350 : memref<1x128xi32, #tpu.memory_space<vmem>> -> memref<128xi32, #tpu.memory_space<vmem>>
      %dma_start3A_352 = arith.constant 0 : i32
      %dma_start3A_353 = arith.constant 0 : i32
      %dma_start3A_354 = tpu.memref_slice %arg15[%dma_start3A_352, %dma_start3A_353] : memref<10240x64xbf16, #tpu.memory_space<vmem_shared>> -> memref<10240x64xbf16, #tpu.memory_space<vmem_shared>>
      tpu.enqueue_indirect_dma source(%arg11 : memref<128x64xbf16, #tpu.memory_space<vmem>>) target(%dma_start3A_354 : memref<10240x64xbf16, #tpu.memory_space<vmem_shared>>) offsets(%dma_start3A_351 : memref<128xi32, #tpu.memory_space<vmem>>) semaphore(%arg22 : memref<!tpu.dma_semaphore, #tpu.memory_space<semaphore_mem>>) {add = true}
      "tpu.region"() ({
        %run_scoped3A_356 = tpu.sem_alloc : memref<!tpu.dma_semaphore, #tpu.memory_space<semaphore_mem>>
        %dma_start3A_357 = arith.constant 0 : i32
        %dma_start3A_358 = tpu.memref_slice %arg8[%add3A_326, %dma_start3A_357] : memref<157x128xi32, #tpu.memory_space<vmem>> -> memref<1x128xi32, #tpu.memory_space<vmem>>
        %dma_start3A_359 = tpu.memref_squeeze %dma_start3A_358 : memref<1x128xi32, #tpu.memory_space<vmem>> -> memref<128xi32, #tpu.memory_space<vmem>>
        %dma_start3A_360 = arith.constant 0 : i32
        %dma_start3A_361 = tpu.memref_slice %arg16[%dma_start3A_360] : memref<10240xf32, #tpu.memory_space<vmem_shared>> -> memref<10240xf32, #tpu.memory_space<vmem_shared>>
        tpu.enqueue_indirect_dma source(%arg13 : memref<128xf32, #tpu.memory_space<vmem>>) target(%dma_start3A_361 : memref<10240xf32, #tpu.memory_space<vmem_shared>>) offsets(%dma_start3A_359 : memref<128xi32, #tpu.memory_space<vmem>>) semaphore(%run_scoped3A_356 : memref<!tpu.dma_semaphore, #tpu.memory_space<semaphore_mem>>) {add = true}
        %dma_wait3A_362 = arith.constant 0 : i32
        %dma_wait3A_363 = tpu.memref_slice %arg8[%add3A_326, %dma_wait3A_362] : memref<157x128xi32, #tpu.memory_space<vmem>> -> memref<1x128xi32, #tpu.memory_space<vmem>>
        %dma_wait3A_364 = tpu.memref_squeeze %dma_wait3A_363 : memref<1x128xi32, #tpu.memory_space<vmem>> -> memref<128xi32, #tpu.memory_space<vmem>>
        %dma_wait3A_365 = arith.constant 0 : i32
        %dma_wait3A_366 = tpu.memref_slice %arg16[%dma_wait3A_365] : memref<10240xf32, #tpu.memory_space<vmem_shared>> -> memref<10240xf32, #tpu.memory_space<vmem_shared>>
        tpu.wait_indirect_dma semaphore(%run_scoped3A_356 : memref<!tpu.dma_semaphore, #tpu.memory_space<semaphore_mem>>) src(%arg13 : memref<128xf32, #tpu.memory_space<vmem>>) dst(%dma_wait3A_366 : memref<10240xf32, #tpu.memory_space<vmem_shared>>)
        tpu.yield
      }) : () -> ()
      %scan3A_355 = arith.constant 0 : i32
      scf.yield %scan3A_355 : i32
    }
    %scan3A_154 = arith.constant 50 : i32
    %dma_wait3A_155 = arith.constant 152 : i32
    %dma_wait3A_156 = arith.constant 0 : i32
    %dma_wait3A_157 = tpu.memref_slice %arg8[%dma_wait3A_155, %dma_wait3A_156] : memref<157x128xi32, #tpu.memory_space<vmem>> -> memref<1x128xi32, #tpu.memory_space<vmem>>
    %dma_wait3A_158 = tpu.memref_squeeze %dma_wait3A_157 : memref<1x128xi32, #tpu.memory_space<vmem>> -> memref<128xi32, #tpu.memory_space<vmem>>
    %dma_wait3A_159 = arith.constant 0 : i32
    %dma_wait3A_160 = arith.constant 0 : i32
    %dma_wait3A_161 = tpu.memref_slice %arg15[%dma_wait3A_159, %dma_wait3A_160] : memref<10240x64xbf16, #tpu.memory_space<vmem_shared>> -> memref<10240x64xbf16, #tpu.memory_space<vmem_shared>>
    tpu.wait_indirect_dma semaphore(%arg22 : memref<!tpu.dma_semaphore, #tpu.memory_space<semaphore_mem>>) src(%arg11 : memref<128x64xbf16, #tpu.memory_space<vmem>>) dst(%dma_wait3A_161 : memref<10240x64xbf16, #tpu.memory_space<vmem_shared>>)
    %dma_start3A_162 = arith.constant 155 : i32
    %dma_start3A_163 = arith.constant 0 : i32
    %dma_start3A_164 = tpu.memref_slice %arg7[%dma_start3A_162, %dma_start3A_163] : memref<157x128xi32, #tpu.memory_space<vmem>> -> memref<1x128xi32, #tpu.memory_space<vmem>>
    %dma_start3A_165 = tpu.memref_squeeze %dma_start3A_164 : memref<1x128xi32, #tpu.memory_space<vmem>> -> memref<128xi32, #tpu.memory_space<vmem>>
    %dma_start3A_166 = arith.constant 0 : i32
    %dma_start3A_167 = arith.constant 0 : i32
    %dma_start3A_168 = tpu.memref_slice %arg4[%dma_start3A_166, %dma_start3A_167] : memref<20000x64xbf16, #tpu.memory_space<hbm>> -> memref<20000x64xbf16, #tpu.memory_space<hbm>>
    tpu.enqueue_indirect_dma source(%dma_start3A_168 : memref<20000x64xbf16, #tpu.memory_space<hbm>>) target(%arg11 : memref<128x64xbf16, #tpu.memory_space<vmem>>) offsets(%dma_start3A_165 : memref<128xi32, #tpu.memory_space<vmem>>) semaphore(%arg19 : memref<!tpu.dma_semaphore, #tpu.memory_space<semaphore_mem>>)
    %dma_wait3A_169 = arith.constant 153 : i32
    %dma_wait3A_170 = arith.constant 0 : i32
    %dma_wait3A_171 = tpu.memref_slice %arg7[%dma_wait3A_169, %dma_wait3A_170] : memref<157x128xi32, #tpu.memory_space<vmem>> -> memref<1x128xi32, #tpu.memory_space<vmem>>
    %dma_wait3A_172 = tpu.memref_squeeze %dma_wait3A_171 : memref<1x128xi32, #tpu.memory_space<vmem>> -> memref<128xi32, #tpu.memory_space<vmem>>
    %dma_wait3A_173 = arith.constant 0 : i32
    %dma_wait3A_174 = arith.constant 0 : i32
    %dma_wait3A_175 = tpu.memref_slice %arg4[%dma_wait3A_173, %dma_wait3A_174] : memref<20000x64xbf16, #tpu.memory_space<hbm>> -> memref<20000x64xbf16, #tpu.memory_space<hbm>>
    tpu.wait_indirect_dma semaphore(%arg17 : memref<!tpu.dma_semaphore, #tpu.memory_space<semaphore_mem>>) src(%dma_wait3A_175 : memref<20000x64xbf16, #tpu.memory_space<hbm>>) dst(%arg9 : memref<128x64xbf16, #tpu.memory_space<vmem>>)
    %dma_start3A_176 = arith.constant 153 : i32
    %dma_start3A_177 = arith.constant 0 : i32
    %dma_start3A_178 = tpu.memref_slice %arg8[%dma_start3A_176, %dma_start3A_177] : memref<157x128xi32, #tpu.memory_space<vmem>> -> memref<1x128xi32, #tpu.memory_space<vmem>>
    %dma_start3A_179 = tpu.memref_squeeze %dma_start3A_178 : memref<1x128xi32, #tpu.memory_space<vmem>> -> memref<128xi32, #tpu.memory_space<vmem>>
    %dma_start3A_180 = arith.constant 0 : i32
    %dma_start3A_181 = arith.constant 0 : i32
    %dma_start3A_182 = tpu.memref_slice %arg15[%dma_start3A_180, %dma_start3A_181] : memref<10240x64xbf16, #tpu.memory_space<vmem_shared>> -> memref<10240x64xbf16, #tpu.memory_space<vmem_shared>>
    tpu.enqueue_indirect_dma source(%arg9 : memref<128x64xbf16, #tpu.memory_space<vmem>>) target(%dma_start3A_182 : memref<10240x64xbf16, #tpu.memory_space<vmem_shared>>) offsets(%dma_start3A_179 : memref<128xi32, #tpu.memory_space<vmem>>) semaphore(%arg20 : memref<!tpu.dma_semaphore, #tpu.memory_space<semaphore_mem>>) {add = true}
    %run_scoped3A_183 = arith.constant 153 : i32
    "tpu.region"() ({
      %run_scoped3A_265 = tpu.sem_alloc : memref<!tpu.dma_semaphore, #tpu.memory_space<semaphore_mem>>
      %dma_start3A_266 = arith.constant 0 : i32
      %dma_start3A_267 = tpu.memref_slice %arg8[%run_scoped3A_183, %dma_start3A_266] : memref<157x128xi32, #tpu.memory_space<vmem>> -> memref<1x128xi32, #tpu.memory_space<vmem>>
      %dma_start3A_268 = tpu.memref_squeeze %dma_start3A_267 : memref<1x128xi32, #tpu.memory_space<vmem>> -> memref<128xi32, #tpu.memory_space<vmem>>
      %dma_start3A_269 = arith.constant 0 : i32
      %dma_start3A_270 = tpu.memref_slice %arg16[%dma_start3A_269] : memref<10240xf32, #tpu.memory_space<vmem_shared>> -> memref<10240xf32, #tpu.memory_space<vmem_shared>>
      tpu.enqueue_indirect_dma source(%arg13 : memref<128xf32, #tpu.memory_space<vmem>>) target(%dma_start3A_270 : memref<10240xf32, #tpu.memory_space<vmem_shared>>) offsets(%dma_start3A_268 : memref<128xi32, #tpu.memory_space<vmem>>) semaphore(%run_scoped3A_265 : memref<!tpu.dma_semaphore, #tpu.memory_space<semaphore_mem>>) {add = true}
      %dma_wait3A_271 = arith.constant 0 : i32
      %dma_wait3A_272 = tpu.memref_slice %arg8[%run_scoped3A_183, %dma_wait3A_271] : memref<157x128xi32, #tpu.memory_space<vmem>> -> memref<1x128xi32, #tpu.memory_space<vmem>>
      %dma_wait3A_273 = tpu.memref_squeeze %dma_wait3A_272 : memref<1x128xi32, #tpu.memory_space<vmem>> -> memref<128xi32, #tpu.memory_space<vmem>>
      %dma_wait3A_274 = arith.constant 0 : i32
      %dma_wait3A_275 = tpu.memref_slice %arg16[%dma_wait3A_274] : memref<10240xf32, #tpu.memory_space<vmem_shared>> -> memref<10240xf32, #tpu.memory_space<vmem_shared>>
      tpu.wait_indirect_dma semaphore(%run_scoped3A_265 : memref<!tpu.dma_semaphore, #tpu.memory_space<semaphore_mem>>) src(%arg13 : memref<128xf32, #tpu.memory_space<vmem>>) dst(%dma_wait3A_275 : memref<10240xf32, #tpu.memory_space<vmem_shared>>)
      tpu.yield
    }) : () -> ()
    %dma_wait3A_184 = arith.constant 153 : i32
    %dma_wait3A_185 = arith.constant 0 : i32
    %dma_wait3A_186 = tpu.memref_slice %arg8[%dma_wait3A_184, %dma_wait3A_185] : memref<157x128xi32, #tpu.memory_space<vmem>> -> memref<1x128xi32, #tpu.memory_space<vmem>>
    %dma_wait3A_187 = tpu.memref_squeeze %dma_wait3A_186 : memref<1x128xi32, #tpu.memory_space<vmem>> -> memref<128xi32, #tpu.memory_space<vmem>>
    %dma_wait3A_188 = arith.constant 0 : i32
    %dma_wait3A_189 = arith.constant 0 : i32
    %dma_wait3A_190 = tpu.memref_slice %arg15[%dma_wait3A_188, %dma_wait3A_189] : memref<10240x64xbf16, #tpu.memory_space<vmem_shared>> -> memref<10240x64xbf16, #tpu.memory_space<vmem_shared>>
    tpu.wait_indirect_dma semaphore(%arg20 : memref<!tpu.dma_semaphore, #tpu.memory_space<semaphore_mem>>) src(%arg9 : memref<128x64xbf16, #tpu.memory_space<vmem>>) dst(%dma_wait3A_190 : memref<10240x64xbf16, #tpu.memory_space<vmem_shared>>)
    %dma_start3A_191 = arith.constant 156 : i32
    %dma_start3A_192 = arith.constant 0 : i32
    %dma_start3A_193 = tpu.memref_slice %arg7[%dma_start3A_191, %dma_start3A_192] : memref<157x128xi32, #tpu.memory_space<vmem>> -> memref<1x128xi32, #tpu.memory_space<vmem>>
    %dma_start3A_194 = tpu.memref_squeeze %dma_start3A_193 : memref<1x128xi32, #tpu.memory_space<vmem>> -> memref<128xi32, #tpu.memory_space<vmem>>
    %dma_start3A_195 = arith.constant 0 : i32
    %dma_start3A_196 = arith.constant 0 : i32
    %dma_start3A_197 = tpu.memref_slice %arg4[%dma_start3A_195, %dma_start3A_196] : memref<20000x64xbf16, #tpu.memory_space<hbm>> -> memref<20000x64xbf16, #tpu.memory_space<hbm>>
    tpu.enqueue_indirect_dma source(%dma_start3A_197 : memref<20000x64xbf16, #tpu.memory_space<hbm>>) target(%arg9 : memref<128x64xbf16, #tpu.memory_space<vmem>>) offsets(%dma_start3A_194 : memref<128xi32, #tpu.memory_space<vmem>>) semaphore(%arg17 : memref<!tpu.dma_semaphore, #tpu.memory_space<semaphore_mem>>)
    %dma_wait3A_198 = arith.constant 154 : i32
    %dma_wait3A_199 = arith.constant 0 : i32
    %dma_wait3A_200 = tpu.memref_slice %arg7[%dma_wait3A_198, %dma_wait3A_199] : memref<157x128xi32, #tpu.memory_space<vmem>> -> memref<1x128xi32, #tpu.memory_space<vmem>>
    %dma_wait3A_201 = tpu.memref_squeeze %dma_wait3A_200 : memref<1x128xi32, #tpu.memory_space<vmem>> -> memref<128xi32, #tpu.memory_space<vmem>>
    %dma_wait3A_202 = arith.constant 0 : i32
    %dma_wait3A_203 = arith.constant 0 : i32
    %dma_wait3A_204 = tpu.memref_slice %arg4[%dma_wait3A_202, %dma_wait3A_203] : memref<20000x64xbf16, #tpu.memory_space<hbm>> -> memref<20000x64xbf16, #tpu.memory_space<hbm>>
    tpu.wait_indirect_dma semaphore(%arg18 : memref<!tpu.dma_semaphore, #tpu.memory_space<semaphore_mem>>) src(%dma_wait3A_204 : memref<20000x64xbf16, #tpu.memory_space<hbm>>) dst(%arg10 : memref<128x64xbf16, #tpu.memory_space<vmem>>)
    %dma_start3A_205 = arith.constant 154 : i32
    %dma_start3A_206 = arith.constant 0 : i32
    %dma_start3A_207 = tpu.memref_slice %arg8[%dma_start3A_205, %dma_start3A_206] : memref<157x128xi32, #tpu.memory_space<vmem>> -> memref<1x128xi32, #tpu.memory_space<vmem>>
    %dma_start3A_208 = tpu.memref_squeeze %dma_start3A_207 : memref<1x128xi32, #tpu.memory_space<vmem>> -> memref<128xi32, #tpu.memory_space<vmem>>
    %dma_start3A_209 = arith.constant 0 : i32
    %dma_start3A_210 = arith.constant 0 : i32
    %dma_start3A_211 = tpu.memref_slice %arg15[%dma_start3A_209, %dma_start3A_210] : memref<10240x64xbf16, #tpu.memory_space<vmem_shared>> -> memref<10240x64xbf16, #tpu.memory_space<vmem_shared>>
    tpu.enqueue_indirect_dma source(%arg10 : memref<128x64xbf16, #tpu.memory_space<vmem>>) target(%dma_start3A_211 : memref<10240x64xbf16, #tpu.memory_space<vmem_shared>>) offsets(%dma_start3A_208 : memref<128xi32, #tpu.memory_space<vmem>>) semaphore(%arg21 : memref<!tpu.dma_semaphore, #tpu.memory_space<semaphore_mem>>) {add = true}
    %run_scoped3A_212 = arith.constant 154 : i32
    "tpu.region"() ({
      %run_scoped3A_265 = tpu.sem_alloc : memref<!tpu.dma_semaphore, #tpu.memory_space<semaphore_mem>>
      %dma_start3A_266 = arith.constant 0 : i32
      %dma_start3A_267 = tpu.memref_slice %arg8[%run_scoped3A_212, %dma_start3A_266] : memref<157x128xi32, #tpu.memory_space<vmem>> -> memref<1x128xi32, #tpu.memory_space<vmem>>
      %dma_start3A_268 = tpu.memref_squeeze %dma_start3A_267 : memref<1x128xi32, #tpu.memory_space<vmem>> -> memref<128xi32, #tpu.memory_space<vmem>>
      %dma_start3A_269 = arith.constant 0 : i32
      %dma_start3A_270 = tpu.memref_slice %arg16[%dma_start3A_269] : memref<10240xf32, #tpu.memory_space<vmem_shared>> -> memref<10240xf32, #tpu.memory_space<vmem_shared>>
      tpu.enqueue_indirect_dma source(%arg13 : memref<128xf32, #tpu.memory_space<vmem>>) target(%dma_start3A_270 : memref<10240xf32, #tpu.memory_space<vmem_shared>>) offsets(%dma_start3A_268 : memref<128xi32, #tpu.memory_space<vmem>>) semaphore(%run_scoped3A_265 : memref<!tpu.dma_semaphore, #tpu.memory_space<semaphore_mem>>) {add = true}
      %dma_wait3A_271 = arith.constant 0 : i32
      %dma_wait3A_272 = tpu.memref_slice %arg8[%run_scoped3A_212, %dma_wait3A_271] : memref<157x128xi32, #tpu.memory_space<vmem>> -> memref<1x128xi32, #tpu.memory_space<vmem>>
      %dma_wait3A_273 = tpu.memref_squeeze %dma_wait3A_272 : memref<1x128xi32, #tpu.memory_space<vmem>> -> memref<128xi32, #tpu.memory_space<vmem>>
      %dma_wait3A_274 = arith.constant 0 : i32
      %dma_wait3A_275 = tpu.memref_slice %arg16[%dma_wait3A_274] : memref<10240xf32, #tpu.memory_space<vmem_shared>> -> memref<10240xf32, #tpu.memory_space<vmem_shared>>
      tpu.wait_indirect_dma semaphore(%run_scoped3A_265 : memref<!tpu.dma_semaphore, #tpu.memory_space<semaphore_mem>>) src(%arg13 : memref<128xf32, #tpu.memory_space<vmem>>) dst(%dma_wait3A_275 : memref<10240xf32, #tpu.memory_space<vmem_shared>>)
      tpu.yield
    }) : () -> ()
    %dma_wait3A_213 = arith.constant 155 : i32
    %dma_wait3A_214 = arith.constant 0 : i32
    %dma_wait3A_215 = tpu.memref_slice %arg7[%dma_wait3A_213, %dma_wait3A_214] : memref<157x128xi32, #tpu.memory_space<vmem>> -> memref<1x128xi32, #tpu.memory_space<vmem>>
    %dma_wait3A_216 = tpu.memref_squeeze %dma_wait3A_215 : memref<1x128xi32, #tpu.memory_space<vmem>> -> memref<128xi32, #tpu.memory_space<vmem>>
    %dma_wait3A_217 = arith.constant 0 : i32
    %dma_wait3A_218 = arith.constant 0 : i32
    %dma_wait3A_219 = tpu.memref_slice %arg4[%dma_wait3A_217, %dma_wait3A_218] : memref<20000x64xbf16, #tpu.memory_space<hbm>> -> memref<20000x64xbf16, #tpu.memory_space<hbm>>
    tpu.wait_indirect_dma semaphore(%arg19 : memref<!tpu.dma_semaphore, #tpu.memory_space<semaphore_mem>>) src(%dma_wait3A_219 : memref<20000x64xbf16, #tpu.memory_space<hbm>>) dst(%arg11 : memref<128x64xbf16, #tpu.memory_space<vmem>>)
    %dma_start3A_220 = arith.constant 155 : i32
    %dma_start3A_221 = arith.constant 0 : i32
    %dma_start3A_222 = tpu.memref_slice %arg8[%dma_start3A_220, %dma_start3A_221] : memref<157x128xi32, #tpu.memory_space<vmem>> -> memref<1x128xi32, #tpu.memory_space<vmem>>
    %dma_start3A_223 = tpu.memref_squeeze %dma_start3A_222 : memref<1x128xi32, #tpu.memory_space<vmem>> -> memref<128xi32, #tpu.memory_space<vmem>>
    %dma_start3A_224 = arith.constant 0 : i32
    %dma_start3A_225 = arith.constant 0 : i32
    %dma_start3A_226 = tpu.memref_slice %arg15[%dma_start3A_224, %dma_start3A_225] : memref<10240x64xbf16, #tpu.memory_space<vmem_shared>> -> memref<10240x64xbf16, #tpu.memory_space<vmem_shared>>
    tpu.enqueue_indirect_dma source(%arg11 : memref<128x64xbf16, #tpu.memory_space<vmem>>) target(%dma_start3A_226 : memref<10240x64xbf16, #tpu.memory_space<vmem_shared>>) offsets(%dma_start3A_223 : memref<128xi32, #tpu.memory_space<vmem>>) semaphore(%arg22 : memref<!tpu.dma_semaphore, #tpu.memory_space<semaphore_mem>>) {add = true}
    %run_scoped3A_227 = arith.constant 155 : i32
    "tpu.region"() ({
      %run_scoped3A_265 = tpu.sem_alloc : memref<!tpu.dma_semaphore, #tpu.memory_space<semaphore_mem>>
      %dma_start3A_266 = arith.constant 0 : i32
      %dma_start3A_267 = tpu.memref_slice %arg8[%run_scoped3A_227, %dma_start3A_266] : memref<157x128xi32, #tpu.memory_space<vmem>> -> memref<1x128xi32, #tpu.memory_space<vmem>>
      %dma_start3A_268 = tpu.memref_squeeze %dma_start3A_267 : memref<1x128xi32, #tpu.memory_space<vmem>> -> memref<128xi32, #tpu.memory_space<vmem>>
      %dma_start3A_269 = arith.constant 0 : i32
      %dma_start3A_270 = tpu.memref_slice %arg16[%dma_start3A_269] : memref<10240xf32, #tpu.memory_space<vmem_shared>> -> memref<10240xf32, #tpu.memory_space<vmem_shared>>
      tpu.enqueue_indirect_dma source(%arg13 : memref<128xf32, #tpu.memory_space<vmem>>) target(%dma_start3A_270 : memref<10240xf32, #tpu.memory_space<vmem_shared>>) offsets(%dma_start3A_268 : memref<128xi32, #tpu.memory_space<vmem>>) semaphore(%run_scoped3A_265 : memref<!tpu.dma_semaphore, #tpu.memory_space<semaphore_mem>>) {add = true}
      %dma_wait3A_271 = arith.constant 0 : i32
      %dma_wait3A_272 = tpu.memref_slice %arg8[%run_scoped3A_227, %dma_wait3A_271] : memref<157x128xi32, #tpu.memory_space<vmem>> -> memref<1x128xi32, #tpu.memory_space<vmem>>
      %dma_wait3A_273 = tpu.memref_squeeze %dma_wait3A_272 : memref<1x128xi32, #tpu.memory_space<vmem>> -> memref<128xi32, #tpu.memory_space<vmem>>
      %dma_wait3A_274 = arith.constant 0 : i32
      %dma_wait3A_275 = tpu.memref_slice %arg16[%dma_wait3A_274] : memref<10240xf32, #tpu.memory_space<vmem_shared>> -> memref<10240xf32, #tpu.memory_space<vmem_shared>>
      tpu.wait_indirect_dma semaphore(%run_scoped3A_265 : memref<!tpu.dma_semaphore, #tpu.memory_space<semaphore_mem>>) src(%arg13 : memref<128xf32, #tpu.memory_space<vmem>>) dst(%dma_wait3A_275 : memref<10240xf32, #tpu.memory_space<vmem_shared>>)
      tpu.yield
    }) : () -> ()
    %dma_wait3A_228 = arith.constant 156 : i32
    %dma_wait3A_229 = arith.constant 0 : i32
    %dma_wait3A_230 = tpu.memref_slice %arg7[%dma_wait3A_228, %dma_wait3A_229] : memref<157x128xi32, #tpu.memory_space<vmem>> -> memref<1x128xi32, #tpu.memory_space<vmem>>
    %dma_wait3A_231 = tpu.memref_squeeze %dma_wait3A_230 : memref<1x128xi32, #tpu.memory_space<vmem>> -> memref<128xi32, #tpu.memory_space<vmem>>
    %dma_wait3A_232 = arith.constant 0 : i32
    %dma_wait3A_233 = arith.constant 0 : i32
    %dma_wait3A_234 = tpu.memref_slice %arg4[%dma_wait3A_232, %dma_wait3A_233] : memref<20000x64xbf16, #tpu.memory_space<hbm>> -> memref<20000x64xbf16, #tpu.memory_space<hbm>>
    tpu.wait_indirect_dma semaphore(%arg17 : memref<!tpu.dma_semaphore, #tpu.memory_space<semaphore_mem>>) src(%dma_wait3A_234 : memref<20000x64xbf16, #tpu.memory_space<hbm>>) dst(%arg9 : memref<128x64xbf16, #tpu.memory_space<vmem>>)
    %dma_start3A_235 = arith.constant 156 : i32
    %dma_start3A_236 = arith.constant 0 : i32
    %dma_start3A_237 = tpu.memref_slice %arg8[%dma_start3A_235, %dma_start3A_236] : memref<157x128xi32, #tpu.memory_space<vmem>> -> memref<1x128xi32, #tpu.memory_space<vmem>>
    %dma_start3A_238 = tpu.memref_squeeze %dma_start3A_237 : memref<1x128xi32, #tpu.memory_space<vmem>> -> memref<128xi32, #tpu.memory_space<vmem>>
    %dma_start3A_239 = arith.constant 0 : i32
    %dma_start3A_240 = arith.constant 0 : i32
    %dma_start3A_241 = tpu.memref_slice %arg15[%dma_start3A_239, %dma_start3A_240] : memref<10240x64xbf16, #tpu.memory_space<vmem_shared>> -> memref<10240x64xbf16, #tpu.memory_space<vmem_shared>>
    tpu.enqueue_indirect_dma source(%arg9 : memref<128x64xbf16, #tpu.memory_space<vmem>>) target(%dma_start3A_241 : memref<10240x64xbf16, #tpu.memory_space<vmem_shared>>) offsets(%dma_start3A_238 : memref<128xi32, #tpu.memory_space<vmem>>) semaphore(%arg20 : memref<!tpu.dma_semaphore, #tpu.memory_space<semaphore_mem>>) {add = true}
    %run_scoped3A_242 = arith.constant 156 : i32
    "tpu.region"() ({
      %run_scoped3A_265 = tpu.sem_alloc : memref<!tpu.dma_semaphore, #tpu.memory_space<semaphore_mem>>
      %dma_start3A_266 = arith.constant 0 : i32
      %dma_start3A_267 = tpu.memref_slice %arg8[%run_scoped3A_242, %dma_start3A_266] : memref<157x128xi32, #tpu.memory_space<vmem>> -> memref<1x128xi32, #tpu.memory_space<vmem>>
      %dma_start3A_268 = tpu.memref_squeeze %dma_start3A_267 : memref<1x128xi32, #tpu.memory_space<vmem>> -> memref<128xi32, #tpu.memory_space<vmem>>
      %dma_start3A_269 = arith.constant 0 : i32
      %dma_start3A_270 = tpu.memref_slice %arg16[%dma_start3A_269] : memref<10240xf32, #tpu.memory_space<vmem_shared>> -> memref<10240xf32, #tpu.memory_space<vmem_shared>>
      tpu.enqueue_indirect_dma source(%arg13 : memref<128xf32, #tpu.memory_space<vmem>>) target(%dma_start3A_270 : memref<10240xf32, #tpu.memory_space<vmem_shared>>) offsets(%dma_start3A_268 : memref<128xi32, #tpu.memory_space<vmem>>) semaphore(%run_scoped3A_265 : memref<!tpu.dma_semaphore, #tpu.memory_space<semaphore_mem>>) {add = true}
      %dma_wait3A_271 = arith.constant 0 : i32
      %dma_wait3A_272 = tpu.memref_slice %arg8[%run_scoped3A_242, %dma_wait3A_271] : memref<157x128xi32, #tpu.memory_space<vmem>> -> memref<1x128xi32, #tpu.memory_space<vmem>>
      %dma_wait3A_273 = tpu.memref_squeeze %dma_wait3A_272 : memref<1x128xi32, #tpu.memory_space<vmem>> -> memref<128xi32, #tpu.memory_space<vmem>>
      %dma_wait3A_274 = arith.constant 0 : i32
      %dma_wait3A_275 = tpu.memref_slice %arg16[%dma_wait3A_274] : memref<10240xf32, #tpu.memory_space<vmem_shared>> -> memref<10240xf32, #tpu.memory_space<vmem_shared>>
      tpu.wait_indirect_dma semaphore(%run_scoped3A_265 : memref<!tpu.dma_semaphore, #tpu.memory_space<semaphore_mem>>) src(%arg13 : memref<128xf32, #tpu.memory_space<vmem>>) dst(%dma_wait3A_275 : memref<10240xf32, #tpu.memory_space<vmem_shared>>)
      tpu.yield
    }) : () -> ()
    %dma_wait3A_243 = arith.constant 154 : i32
    %dma_wait3A_244 = arith.constant 0 : i32
    %dma_wait3A_245 = tpu.memref_slice %arg8[%dma_wait3A_243, %dma_wait3A_244] : memref<157x128xi32, #tpu.memory_space<vmem>> -> memref<1x128xi32, #tpu.memory_space<vmem>>
    %dma_wait3A_246 = tpu.memref_squeeze %dma_wait3A_245 : memref<1x128xi32, #tpu.memory_space<vmem>> -> memref<128xi32, #tpu.memory_space<vmem>>
    %dma_wait3A_247 = arith.constant 0 : i32
    %dma_wait3A_248 = arith.constant 0 : i32
    %dma_wait3A_249 = tpu.memref_slice %arg15[%dma_wait3A_247, %dma_wait3A_248] : memref<10240x64xbf16, #tpu.memory_space<vmem_shared>> -> memref<10240x64xbf16, #tpu.memory_space<vmem_shared>>
    tpu.wait_indirect_dma semaphore(%arg21 : memref<!tpu.dma_semaphore, #tpu.memory_space<semaphore_mem>>) src(%arg10 : memref<128x64xbf16, #tpu.memory_space<vmem>>) dst(%dma_wait3A_249 : memref<10240x64xbf16, #tpu.memory_space<vmem_shared>>)
    %dma_wait3A_250 = arith.constant 155 : i32
    %dma_wait3A_251 = arith.constant 0 : i32
    %dma_wait3A_252 = tpu.memref_slice %arg8[%dma_wait3A_250, %dma_wait3A_251] : memref<157x128xi32, #tpu.memory_space<vmem>> -> memref<1x128xi32, #tpu.memory_space<vmem>>
    %dma_wait3A_253 = tpu.memref_squeeze %dma_wait3A_252 : memref<1x128xi32, #tpu.memory_space<vmem>> -> memref<128xi32, #tpu.memory_space<vmem>>
    %dma_wait3A_254 = arith.constant 0 : i32
    %dma_wait3A_255 = arith.constant 0 : i32
    %dma_wait3A_256 = tpu.memref_slice %arg15[%dma_wait3A_254, %dma_wait3A_255] : memref<10240x64xbf16, #tpu.memory_space<vmem_shared>> -> memref<10240x64xbf16, #tpu.memory_space<vmem_shared>>
    tpu.wait_indirect_dma semaphore(%arg22 : memref<!tpu.dma_semaphore, #tpu.memory_space<semaphore_mem>>) src(%arg11 : memref<128x64xbf16, #tpu.memory_space<vmem>>) dst(%dma_wait3A_256 : memref<10240x64xbf16, #tpu.memory_space<vmem_shared>>)
    %dma_wait3A_257 = arith.constant 156 : i32
    %dma_wait3A_258 = arith.constant 0 : i32
    %dma_wait3A_259 = tpu.memref_slice %arg8[%dma_wait3A_257, %dma_wait3A_258] : memref<157x128xi32, #tpu.memory_space<vmem>> -> memref<1x128xi32, #tpu.memory_space<vmem>>
    %dma_wait3A_260 = tpu.memref_squeeze %dma_wait3A_259 : memref<1x128xi32, #tpu.memory_space<vmem>> -> memref<128xi32, #tpu.memory_space<vmem>>
    %dma_wait3A_261 = arith.constant 0 : i32
    %dma_wait3A_262 = arith.constant 0 : i32
    %dma_wait3A_263 = tpu.memref_slice %arg15[%dma_wait3A_261, %dma_wait3A_262] : memref<10240x64xbf16, #tpu.memory_space<vmem_shared>> -> memref<10240x64xbf16, #tpu.memory_space<vmem_shared>>
    tpu.wait_indirect_dma semaphore(%arg20 : memref<!tpu.dma_semaphore, #tpu.memory_space<semaphore_mem>>) src(%arg9 : memref<128x64xbf16, #tpu.memory_space<vmem>>) dst(%dma_wait3A_263 : memref<10240x64xbf16, #tpu.memory_space<vmem_shared>>)
    %barrier3A_264 = arith.constant 0 : index
    tpu.barrier barrier_id(%barrier3A_264)
    "tpu.region"() ({
      %run_scoped3A_265 = tpu.sem_alloc : memref<!tpu.dma_semaphore, #tpu.memory_space<semaphore_mem>>
      %dma_start3A_266 = arith.constant 0 : i32
      %dma_start3A_267 = tpu.memref_slice %arg5[%arg0, %mul3A_0, %dma_start3A_266] : memref<2x10240x64xbf16, #tpu.memory_space<hbm>> -> memref<1x640x64xbf16, #tpu.memory_space<hbm>>
      %dma_start3A_268 = tpu.memref_squeeze %dma_start3A_267 : memref<1x640x64xbf16, #tpu.memory_space<hbm>> -> memref<640x64xbf16, #tpu.memory_space<hbm>>
      %dma_start3A_269 = arith.constant 0 : i32
      %dma_start3A_270 = tpu.memref_slice %arg15[%mul3A_0, %dma_start3A_269] : memref<10240x64xbf16, #tpu.memory_space<vmem_shared>> -> memref<640x64xbf16, #tpu.memory_space<vmem_shared>>
      tpu.enqueue_dma source(%dma_start3A_270 : memref<640x64xbf16, #tpu.memory_space<vmem_shared>>) target(%dma_start3A_268 : memref<640x64xbf16, #tpu.memory_space<hbm>>) target_semaphore(%run_scoped3A_265 : memref<!tpu.dma_semaphore, #tpu.memory_space<semaphore_mem>>)
      %dma_wait3A_271 = arith.constant 0 : i32
      %dma_wait3A_272 = tpu.memref_slice %arg5[%arg0, %mul3A_0, %dma_wait3A_271] : memref<2x10240x64xbf16, #tpu.memory_space<hbm>> -> memref<1x640x64xbf16, #tpu.memory_space<hbm>>
      %dma_wait3A_273 = tpu.memref_squeeze %dma_wait3A_272 : memref<1x640x64xbf16, #tpu.memory_space<hbm>> -> memref<640x64xbf16, #tpu.memory_space<hbm>>
      %dma_wait3A_274 = arith.constant 0 : i32
      %dma_wait3A_275 = tpu.memref_slice %arg15[%mul3A_0, %dma_wait3A_274] : memref<10240x64xbf16, #tpu.memory_space<vmem_shared>> -> memref<640x64xbf16, #tpu.memory_space<vmem_shared>>
      tpu.wait_dma2 semaphore(%run_scoped3A_265 : memref<!tpu.dma_semaphore, #tpu.memory_space<semaphore_mem>>) src(%dma_wait3A_275 : memref<640x64xbf16, #tpu.memory_space<vmem_shared>>) dst(%dma_wait3A_273 : memref<640x64xbf16, #tpu.memory_space<hbm>>)
      tpu.yield
    }) : () -> ()
    "tpu.region"() ({
      %run_scoped3A_265 = tpu.sem_alloc : memref<!tpu.dma_semaphore, #tpu.memory_space<semaphore_mem>>
      %dma_start3A_266 = tpu.memref_slice %arg6[%arg0, %mul3A_0] : memref<2x10240xf32, #tpu.memory_space<hbm>> -> memref<1x640xf32, #tpu.memory_space<hbm>>
      %dma_start3A_267 = tpu.memref_squeeze %dma_start3A_266 : memref<1x640xf32, #tpu.memory_space<hbm>> -> memref<640xf32, #tpu.memory_space<hbm>>
      %dma_start3A_268 = tpu.memref_slice %arg16[%mul3A_0] : memref<10240xf32, #tpu.memory_space<vmem_shared>> -> memref<640xf32, #tpu.memory_space<vmem_shared>>
      tpu.enqueue_dma source(%dma_start3A_268 : memref<640xf32, #tpu.memory_space<vmem_shared>>) target(%dma_start3A_267 : memref<640xf32, #tpu.memory_space<hbm>>) target_semaphore(%run_scoped3A_265 : memref<!tpu.dma_semaphore, #tpu.memory_space<semaphore_mem>>)
      %dma_wait3A_269 = tpu.memref_slice %arg6[%arg0, %mul3A_0] : memref<2x10240xf32, #tpu.memory_space<hbm>> -> memref<1x640xf32, #tpu.memory_space<hbm>>
      %dma_wait3A_270 = tpu.memref_squeeze %dma_wait3A_269 : memref<1x640xf32, #tpu.memory_space<hbm>> -> memref<640xf32, #tpu.memory_space<hbm>>
      %dma_wait3A_271 = tpu.memref_slice %arg16[%mul3A_0] : memref<10240xf32, #tpu.memory_space<vmem_shared>> -> memref<640xf32, #tpu.memory_space<vmem_shared>>
      tpu.wait_dma2 semaphore(%run_scoped3A_265 : memref<!tpu.dma_semaphore, #tpu.memory_space<semaphore_mem>>) src(%dma_wait3A_271 : memref<640xf32, #tpu.memory_space<vmem_shared>>) dst(%dma_wait3A_270 : memref<640xf32, #tpu.memory_space<hbm>>)
      tpu.yield
    }) : () -> ()
    return
  }
}

module attributes {stable_mosaic.version = 14 : i64} {
  func.func @_linear_body(%arg0: i32, %arg1: memref<2x1000x64xbf16, #tpu.memory_space<vmem>>, %arg2: memref<2x1000x1xf32, #tpu.memory_space<vmem>>, %arg3: memref<2x1000x64xf32, #tpu.memory_space<vmem>>, %arg4: memref<128x128xf32, #tpu.memory_space<vmem>>, %arg5: memref<128x128xf32, #tpu.memory_space<vmem>>, %arg6: memref<1x128xf32, #tpu.memory_space<vmem>>, %arg7: memref<2x1000x64xf32, #tpu.memory_space<vmem>>, %arg8: memref<2x1000x64xbf16, #tpu.memory_space<vmem>>) attributes {dimension_semantics = [#tpu.dimension_semantics<arbitrary>], iteration_bounds = array<i64: 10>, scalar_prefetch = 0 : i64, scratch_operands = 0 : i64, tpu.core_type = #tpu.core_type<tc>, window_params = [{transform_indices = @transform_0, window_bounds = array<i64: 2, 1000, 64>}, {transform_indices = @transform_1, window_bounds = array<i64: 2, 1000, 1>}, {transform_indices = @transform_2, window_bounds = array<i64: 2, 1000, 64>}, {pipeline_mode = #tpu.pipeline_mode<synchronous>, transform_indices = @transform_3, window_bounds = array<i64: 128, 128>}, {pipeline_mode = #tpu.pipeline_mode<synchronous>, transform_indices = @transform_4, window_bounds = array<i64: 128, 128>}, {pipeline_mode = #tpu.pipeline_mode<synchronous>, transform_indices = @transform_5, window_bounds = array<i64: 1, 128>}, {transform_indices = @transform_6, window_bounds = array<i64: 2, 1000, 64>}, {transform_indices = @transform_7, window_bounds = array<i64: 2, 1000, 64>}]} {
    %get3A = arith.constant 0 : index
    %get3A_0 = arith.constant 0 : index
    %get3A_1 = arith.constant 0 : index
    %get3A_2 = vector.load %arg2[%get3A, %get3A_0, %get3A_1] : memref<2x1000x1xf32, #tpu.memory_space<vmem>>, vector<1x1000x1xf32>
    %get3A_3 = vector.shape_cast %get3A_2 : vector<1x1000x1xf32> to vector<1000x1xf32>
    %jit3A = arith.constant 1.000000e+00 : f32
    %max3A = vector.broadcast %jit3A : f32 to vector<1000x1xf32>
    %max3A_4 = arith.maximumf %max3A, %get3A_3 : vector<1000x1xf32>
    %div3A = arith.constant 1.000000e+00 : f32
    %div3A_5 = vector.broadcast %div3A : f32 to vector<1000x1xf32>
    %div3A_6 = arith.divf %div3A_5, %max3A_4 : vector<1000x1xf32>
    %get3A_7 = arith.constant 0 : index
    %get3A_8 = arith.constant 0 : index
    %get3A_9 = arith.constant 0 : index
    %get3A_10 = vector.load %arg1[%get3A_7, %get3A_8, %get3A_9] : memref<2x1000x64xbf16, #tpu.memory_space<vmem>>, vector<1x1000x64xbf16>
    %get3A_11 = vector.shape_cast %get3A_10 : vector<1x1000x64xbf16> to vector<1000x64xbf16>
    %convert_element_type3A = arith.extf %get3A_11 : vector<1000x64xbf16> to vector<1000x64xf32>
    %mul3A = vector.broadcast %div3A_6 : vector<1000x1xf32> to vector<1000x64xf32>
    %mul3A_12 = arith.mulf %convert_element_type3A, %mul3A : vector<1000x64xf32>
    %get3A_13 = arith.constant 0 : index
    %get3A_14 = arith.constant 0 : index
    %get3A_15 = vector.load %arg4[%get3A_13, %get3A_14] : memref<128x128xf32, #tpu.memory_space<vmem>>, vector<64x128xf32>
    %dot_general3A = arith.constant dense<0.000000e+00> : vector<1000x128xf32>
    %dot_general3A_16 = tpu.matmul %mul3A_12, %get3A_15, %dot_general3A {dimension_numbers = #tpu.dot_dimension_numbers<[1], [0], [0], [1], [0, 0, 1, 1], [], []>, transpose_lhs_hint = false} : vector<1000x64xf32>, vector<64x128xf32>, vector<1000x128xf32> -> vector<1000x128xf32>
    %get3A_17 = arith.constant 1 : index
    %get3A_18 = arith.constant 0 : index
    %get3A_19 = arith.constant 0 : index
    %get3A_20 = vector.load %arg1[%get3A_17, %get3A_18, %get3A_19] : memref<2x1000x64xbf16, #tpu.memory_space<vmem>>, vector<1x1000x64xbf16>
    %get3A_21 = vector.shape_cast %get3A_20 : vector<1x1000x64xbf16> to vector<1000x64xbf16>
    %convert_element_type3A_22 = arith.extf %get3A_21 : vector<1000x64xbf16> to vector<1000x64xf32>
    %mul3A_23 = vector.broadcast %div3A_6 : vector<1000x1xf32> to vector<1000x64xf32>
    %mul3A_24 = arith.mulf %convert_element_type3A_22, %mul3A_23 : vector<1000x64xf32>
    %get3A_25 = arith.constant 64 : index
    %get3A_26 = arith.constant 0 : index
    %get3A_27 = vector.load %arg4[%get3A_25, %get3A_26] : memref<128x128xf32, #tpu.memory_space<vmem>>, vector<64x128xf32>
    %dot_general3A_28 = arith.constant dense<0.000000e+00> : vector<1000x128xf32>
    %dot_general3A_29 = tpu.matmul %mul3A_24, %get3A_27, %dot_general3A_28 {dimension_numbers = #tpu.dot_dimension_numbers<[1], [0], [0], [1], [0, 0, 1, 1], [], []>, transpose_lhs_hint = false} : vector<1000x64xf32>, vector<64x128xf32>, vector<1000x128xf32> -> vector<1000x128xf32>
    %add3A = arith.addf %dot_general3A_16, %dot_general3A_29 : vector<1000x128xf32>
    %get3A_30 = arith.constant 0 : index
    %get3A_31 = arith.constant 0 : index
    %get3A_32 = arith.constant 0 : index
    %get3A_33 = vector.load %arg3[%get3A_30, %get3A_31, %get3A_32] : memref<2x1000x64xf32, #tpu.memory_space<vmem>>, vector<1x1000x64xf32>
    %get3A_34 = vector.shape_cast %get3A_33 : vector<1x1000x64xf32> to vector<1000x64xf32>
    %get3A_35 = arith.constant 0 : index
    %get3A_36 = arith.constant 0 : index
    %get3A_37 = vector.load %arg5[%get3A_35, %get3A_36] : memref<128x128xf32, #tpu.memory_space<vmem>>, vector<64x128xf32>
    %dot_general3A_38 = arith.constant dense<0.000000e+00> : vector<1000x128xf32>
    %dot_general3A_39 = tpu.matmul %get3A_34, %get3A_37, %dot_general3A_38 {dimension_numbers = #tpu.dot_dimension_numbers<[1], [0], [0], [1], [0, 0, 1, 1], [], []>, transpose_lhs_hint = false} : vector<1000x64xf32>, vector<64x128xf32>, vector<1000x128xf32> -> vector<1000x128xf32>
    %add3A_40 = arith.addf %add3A, %dot_general3A_39 : vector<1000x128xf32>
    %get3A_41 = arith.constant 1 : index
    %get3A_42 = arith.constant 0 : index
    %get3A_43 = arith.constant 0 : index
    %get3A_44 = vector.load %arg3[%get3A_41, %get3A_42, %get3A_43] : memref<2x1000x64xf32, #tpu.memory_space<vmem>>, vector<1x1000x64xf32>
    %get3A_45 = vector.shape_cast %get3A_44 : vector<1x1000x64xf32> to vector<1000x64xf32>
    %get3A_46 = arith.constant 64 : index
    %get3A_47 = arith.constant 0 : index
    %get3A_48 = vector.load %arg5[%get3A_46, %get3A_47] : memref<128x128xf32, #tpu.memory_space<vmem>>, vector<64x128xf32>
    %dot_general3A_49 = arith.constant dense<0.000000e+00> : vector<1000x128xf32>
    %dot_general3A_50 = tpu.matmul %get3A_45, %get3A_48, %dot_general3A_49 {dimension_numbers = #tpu.dot_dimension_numbers<[1], [0], [0], [1], [0, 0, 1, 1], [], []>, transpose_lhs_hint = false} : vector<1000x64xf32>, vector<64x128xf32>, vector<1000x128xf32> -> vector<1000x128xf32>
    %add3A_51 = arith.addf %add3A_40, %dot_general3A_50 : vector<1000x128xf32>
    %get3A_52 = arith.constant 0 : index
    %get3A_53 = arith.constant 0 : index
    %get3A_54 = vector.load %arg6[%get3A_52, %get3A_53] : memref<1x128xf32, #tpu.memory_space<vmem>>, vector<1x128xf32>
    %add3A_55 = vector.broadcast %get3A_54 : vector<1x128xf32> to vector<1000x128xf32>
    %add3A_56 = arith.addf %add3A_51, %add3A_55 : vector<1000x128xf32>
    %max3A_57 = arith.constant 0.000000e+00 : f32
    %max3A_58 = vector.broadcast %max3A_57 : f32 to vector<1000x128xf32>
    %max3A_59 = arith.maximumf %add3A_56, %max3A_58 : vector<1000x128xf32>
    %slice3A = vector.extract_strided_slice %max3A_59 {offsets = [0, 0], sizes = [1000, 64], strides = [1, 1]} : vector<1000x128xf32> to vector<1000x64xf32>
    %swap3A = arith.constant 0 : index
    %swap3A_60 = arith.constant 0 : index
    %swap3A_61 = arith.constant 0 : index
    %swap3A_62 = vector.load %arg7[%swap3A, %swap3A_60, %swap3A_61] : memref<2x1000x64xf32, #tpu.memory_space<vmem>>, vector<1x1000x64xf32>
    %swap3A_63 = vector.shape_cast %swap3A_62 : vector<1x1000x64xf32> to vector<1000x64xf32>
    %swap3A_64 = vector.shape_cast %slice3A : vector<1000x64xf32> to vector<1x1000x64xf32>
    tpu.vector_store %arg7[%swap3A, %swap3A_60, %swap3A_61], %swap3A_64 {strides = array<i32>} : memref<2x1000x64xf32, #tpu.memory_space<vmem>>, vector<1x1000x64xf32>,
    %slice3A_65 = vector.extract_strided_slice %max3A_59 {offsets = [0, 64], sizes = [1000, 64], strides = [1, 1]} : vector<1000x128xf32> to vector<1000x64xf32>
    %swap3A_66 = arith.constant 1 : index
    %swap3A_67 = arith.constant 0 : index
    %swap3A_68 = arith.constant 0 : index
    %swap3A_69 = vector.load %arg7[%swap3A_66, %swap3A_67, %swap3A_68] : memref<2x1000x64xf32, #tpu.memory_space<vmem>>, vector<1x1000x64xf32>
    %swap3A_70 = vector.shape_cast %swap3A_69 : vector<1x1000x64xf32> to vector<1000x64xf32>
    %swap3A_71 = vector.shape_cast %slice3A_65 : vector<1000x64xf32> to vector<1x1000x64xf32>
    tpu.vector_store %arg7[%swap3A_66, %swap3A_67, %swap3A_68], %swap3A_71 {strides = array<i32>} : memref<2x1000x64xf32, #tpu.memory_space<vmem>>, vector<1x1000x64xf32>,
    %convert_element_type3A_72 = arith.truncf %max3A_59 : vector<1000x128xf32> to vector<1000x128xbf16>
    %slice3A_73 = vector.extract_strided_slice %convert_element_type3A_72 {offsets = [0, 0], sizes = [1000, 64], strides = [1, 1]} : vector<1000x128xbf16> to vector<1000x64xbf16>
    %swap3A_74 = arith.constant 0 : index
    %swap3A_75 = arith.constant 0 : index
    %swap3A_76 = arith.constant 0 : index
    %swap3A_77 = vector.load %arg8[%swap3A_74, %swap3A_75, %swap3A_76] : memref<2x1000x64xbf16, #tpu.memory_space<vmem>>, vector<1x1000x64xbf16>
    %swap3A_78 = vector.shape_cast %swap3A_77 : vector<1x1000x64xbf16> to vector<1000x64xbf16>
    %swap3A_79 = vector.shape_cast %slice3A_73 : vector<1000x64xbf16> to vector<1x1000x64xbf16>
    tpu.vector_store %arg8[%swap3A_74, %swap3A_75, %swap3A_76], %swap3A_79 {strides = array<i32>} : memref<2x1000x64xbf16, #tpu.memory_space<vmem>>, vector<1x1000x64xbf16>,
    %slice3A_80 = vector.extract_strided_slice %convert_element_type3A_72 {offsets = [0, 64], sizes = [1000, 64], strides = [1, 1]} : vector<1000x128xbf16> to vector<1000x64xbf16>
    %swap3A_81 = arith.constant 1 : index
    %swap3A_82 = arith.constant 0 : index
    %swap3A_83 = arith.constant 0 : index
    %swap3A_84 = vector.load %arg8[%swap3A_81, %swap3A_82, %swap3A_83] : memref<2x1000x64xbf16, #tpu.memory_space<vmem>>, vector<1x1000x64xbf16>
    %swap3A_85 = vector.shape_cast %swap3A_84 : vector<1x1000x64xbf16> to vector<1000x64xbf16>
    %swap3A_86 = vector.shape_cast %slice3A_80 : vector<1000x64xbf16> to vector<1x1000x64xbf16>
    tpu.vector_store %arg8[%swap3A_81, %swap3A_82, %swap3A_83], %swap3A_86 {strides = array<i32>} : memref<2x1000x64xbf16, #tpu.memory_space<vmem>>, vector<1x1000x64xbf16>,
    return
  }
  func.func @transform_0(%arg0: i32) -> (i32, i32, i32) {
    %c0_i32 = arith.constant 0 : i32
    %c0_i32_0 = arith.constant 0 : i32
    %c0_i32_1 = arith.constant 0 : i32
    return %c0_i32, %arg0, %c0_i32_0 : i32, i32, i32
  }
  func.func @transform_1(%arg0: i32) -> (i32, i32, i32) {
    %c0_i32 = arith.constant 0 : i32
    %c0_i32_0 = arith.constant 0 : i32
    %c0_i32_1 = arith.constant 0 : i32
    return %c0_i32, %arg0, %c0_i32_0 : i32, i32, i32
  }
  func.func @transform_2(%arg0: i32) -> (i32, i32, i32) {
    %c0_i32 = arith.constant 0 : i32
    %c0_i32_0 = arith.constant 0 : i32
    %c0_i32_1 = arith.constant 0 : i32
    return %c0_i32, %arg0, %c0_i32_0 : i32, i32, i32
  }
  func.func @transform_3(%arg0: i32) -> (i32, i32) {
    %c0_i32 = arith.constant 0 : i32
    %c0_i32_0 = arith.constant 0 : i32
    %c0_i32_1 = arith.constant 0 : i32
    return %c0_i32, %c0_i32_0 : i32, i32
  }
  func.func @transform_4(%arg0: i32) -> (i32, i32) {
    %c0_i32 = arith.constant 0 : i32
    %c0_i32_0 = arith.constant 0 : i32
    %c0_i32_1 = arith.constant 0 : i32
    return %c0_i32, %c0_i32_0 : i32, i32
  }
  func.func @transform_5(%arg0: i32) -> (i32, i32) {
    %c0_i32 = arith.constant 0 : i32
    %c0_i32_0 = arith.constant 0 : i32
    %c0_i32_1 = arith.constant 0 : i32
    return %c0_i32, %c0_i32_0 : i32, i32
  }
  func.func @transform_6(%arg0: i32) -> (i32, i32, i32) {
    %c0_i32 = arith.constant 0 : i32
    %c0_i32_0 = arith.constant 0 : i32
    %c0_i32_1 = arith.constant 0 : i32
    return %c0_i32, %arg0, %c0_i32_0 : i32, i32, i32
  }
  func.func @transform_7(%arg0: i32) -> (i32, i32, i32) {
    %c0_i32 = arith.constant 0 : i32
    %c0_i32_0 = arith.constant 0 : i32
    %c0_i32_1 = arith.constant 0 : i32
    return %c0_i32, %arg0, %c0_i32_0 : i32, i32, i32
  }
}

module attributes {stable_mosaic.version = 14 : i64} {
  func.func @_linear_body(%arg0: i32, %arg1: memref<2x1000x64xbf16, #tpu.memory_space<vmem>>, %arg2: memref<2x1000x1xf32, #tpu.memory_space<vmem>>, %arg3: memref<2x1000x64xf32, #tpu.memory_space<vmem>>, %arg4: memref<128x128xf32, #tpu.memory_space<vmem>>, %arg5: memref<128x128xf32, #tpu.memory_space<vmem>>, %arg6: memref<1x128xf32, #tpu.memory_space<vmem>>, %arg7: memref<1000x128xf32, #tpu.memory_space<vmem>>) attributes {dimension_semantics = [#tpu.dimension_semantics<arbitrary>], iteration_bounds = array<i64: 10>, scalar_prefetch = 0 : i64, scratch_operands = 0 : i64, tpu.core_type = #tpu.core_type<tc>, window_params = [{transform_indices = @transform_0, window_bounds = array<i64: 2, 1000, 64>}, {transform_indices = @transform_1, window_bounds = array<i64: 2, 1000, 1>}, {transform_indices = @transform_2, window_bounds = array<i64: 2, 1000, 64>}, {pipeline_mode = #tpu.pipeline_mode<synchronous>, transform_indices = @transform_3, window_bounds = array<i64: 128, 128>}, {pipeline_mode = #tpu.pipeline_mode<synchronous>, transform_indices = @transform_4, window_bounds = array<i64: 128, 128>}, {pipeline_mode = #tpu.pipeline_mode<synchronous>, transform_indices = @transform_5, window_bounds = array<i64: 1, 128>}, {transform_indices = @transform_6, window_bounds = array<i64: 1000, 128>}]} {
    %get3A = arith.constant 0 : index
    %get3A_0 = arith.constant 0 : index
    %get3A_1 = arith.constant 0 : index
    %get3A_2 = vector.load %arg2[%get3A, %get3A_0, %get3A_1] : memref<2x1000x1xf32, #tpu.memory_space<vmem>>, vector<1x1000x1xf32>
    %get3A_3 = vector.shape_cast %get3A_2 : vector<1x1000x1xf32> to vector<1000x1xf32>
    %jit3A = arith.constant 1.000000e+00 : f32
    %max3A = vector.broadcast %jit3A : f32 to vector<1000x1xf32>
    %max3A_4 = arith.maximumf %max3A, %get3A_3 : vector<1000x1xf32>
    %div3A = arith.constant 1.000000e+00 : f32
    %div3A_5 = vector.broadcast %div3A : f32 to vector<1000x1xf32>
    %div3A_6 = arith.divf %div3A_5, %max3A_4 : vector<1000x1xf32>
    %get3A_7 = arith.constant 0 : index
    %get3A_8 = arith.constant 0 : index
    %get3A_9 = arith.constant 0 : index
    %get3A_10 = vector.load %arg1[%get3A_7, %get3A_8, %get3A_9] : memref<2x1000x64xbf16, #tpu.memory_space<vmem>>, vector<1x1000x64xbf16>
    %get3A_11 = vector.shape_cast %get3A_10 : vector<1x1000x64xbf16> to vector<1000x64xbf16>
    %convert_element_type3A = arith.extf %get3A_11 : vector<1000x64xbf16> to vector<1000x64xf32>
    %mul3A = vector.broadcast %div3A_6 : vector<1000x1xf32> to vector<1000x64xf32>
    %mul3A_12 = arith.mulf %convert_element_type3A, %mul3A : vector<1000x64xf32>
    %get3A_13 = arith.constant 0 : index
    %get3A_14 = arith.constant 0 : index
    %get3A_15 = vector.load %arg4[%get3A_13, %get3A_14] : memref<128x128xf32, #tpu.memory_space<vmem>>, vector<64x128xf32>
    %dot_general3A = arith.constant dense<0.000000e+00> : vector<1000x128xf32>
    %dot_general3A_16 = tpu.matmul %mul3A_12, %get3A_15, %dot_general3A {dimension_numbers = #tpu.dot_dimension_numbers<[1], [0], [0], [1], [0, 0, 1, 1], [], []>, transpose_lhs_hint = false} : vector<1000x64xf32>, vector<64x128xf32>, vector<1000x128xf32> -> vector<1000x128xf32>
    %get3A_17 = arith.constant 1 : index
    %get3A_18 = arith.constant 0 : index
    %get3A_19 = arith.constant 0 : index
    %get3A_20 = vector.load %arg1[%get3A_17, %get3A_18, %get3A_19] : memref<2x1000x64xbf16, #tpu.memory_space<vmem>>, vector<1x1000x64xbf16>
    %get3A_21 = vector.shape_cast %get3A_20 : vector<1x1000x64xbf16> to vector<1000x64xbf16>
    %convert_element_type3A_22 = arith.extf %get3A_21 : vector<1000x64xbf16> to vector<1000x64xf32>
    %mul3A_23 = vector.broadcast %div3A_6 : vector<1000x1xf32> to vector<1000x64xf32>
    %mul3A_24 = arith.mulf %convert_element_type3A_22, %mul3A_23 : vector<1000x64xf32>
    %get3A_25 = arith.constant 64 : index
    %get3A_26 = arith.constant 0 : index
    %get3A_27 = vector.load %arg4[%get3A_25, %get3A_26] : memref<128x128xf32, #tpu.memory_space<vmem>>, vector<64x128xf32>
    %dot_general3A_28 = arith.constant dense<0.000000e+00> : vector<1000x128xf32>
    %dot_general3A_29 = tpu.matmul %mul3A_24, %get3A_27, %dot_general3A_28 {dimension_numbers = #tpu.dot_dimension_numbers<[1], [0], [0], [1], [0, 0, 1, 1], [], []>, transpose_lhs_hint = false} : vector<1000x64xf32>, vector<64x128xf32>, vector<1000x128xf32> -> vector<1000x128xf32>
    %add3A = arith.addf %dot_general3A_16, %dot_general3A_29 : vector<1000x128xf32>
    %get3A_30 = arith.constant 0 : index
    %get3A_31 = arith.constant 0 : index
    %get3A_32 = arith.constant 0 : index
    %get3A_33 = vector.load %arg3[%get3A_30, %get3A_31, %get3A_32] : memref<2x1000x64xf32, #tpu.memory_space<vmem>>, vector<1x1000x64xf32>
    %get3A_34 = vector.shape_cast %get3A_33 : vector<1x1000x64xf32> to vector<1000x64xf32>
    %get3A_35 = arith.constant 0 : index
    %get3A_36 = arith.constant 0 : index
    %get3A_37 = vector.load %arg5[%get3A_35, %get3A_36] : memref<128x128xf32, #tpu.memory_space<vmem>>, vector<64x128xf32>
    %dot_general3A_38 = arith.constant dense<0.000000e+00> : vector<1000x128xf32>
    %dot_general3A_39 = tpu.matmul %get3A_34, %get3A_37, %dot_general3A_38 {dimension_numbers = #tpu.dot_dimension_numbers<[1], [0], [0], [1], [0, 0, 1, 1], [], []>, transpose_lhs_hint = false} : vector<1000x64xf32>, vector<64x128xf32>, vector<1000x128xf32> -> vector<1000x128xf32>
    %add3A_40 = arith.addf %add3A, %dot_general3A_39 : vector<1000x128xf32>
    %get3A_41 = arith.constant 1 : index
    %get3A_42 = arith.constant 0 : index
    %get3A_43 = arith.constant 0 : index
    %get3A_44 = vector.load %arg3[%get3A_41, %get3A_42, %get3A_43] : memref<2x1000x64xf32, #tpu.memory_space<vmem>>, vector<1x1000x64xf32>
    %get3A_45 = vector.shape_cast %get3A_44 : vector<1x1000x64xf32> to vector<1000x64xf32>
    %get3A_46 = arith.constant 64 : index
    %get3A_47 = arith.constant 0 : index
    %get3A_48 = vector.load %arg5[%get3A_46, %get3A_47] : memref<128x128xf32, #tpu.memory_space<vmem>>, vector<64x128xf32>
    %dot_general3A_49 = arith.constant dense<0.000000e+00> : vector<1000x128xf32>
    %dot_general3A_50 = tpu.matmul %get3A_45, %get3A_48, %dot_general3A_49 {dimension_numbers = #tpu.dot_dimension_numbers<[1], [0], [0], [1], [0, 0, 1, 1], [], []>, transpose_lhs_hint = false} : vector<1000x64xf32>, vector<64x128xf32>, vector<1000x128xf32> -> vector<1000x128xf32>
    %add3A_51 = arith.addf %add3A_40, %dot_general3A_50 : vector<1000x128xf32>
    %get3A_52 = arith.constant 0 : index
    %get3A_53 = arith.constant 0 : index
    %get3A_54 = vector.load %arg6[%get3A_52, %get3A_53] : memref<1x128xf32, #tpu.memory_space<vmem>>, vector<1x128xf32>
    %add3A_55 = vector.broadcast %get3A_54 : vector<1x128xf32> to vector<1000x128xf32>
    %add3A_56 = arith.addf %add3A_51, %add3A_55 : vector<1000x128xf32>
    %swap3A = arith.constant 0 : index
    %swap3A_57 = arith.constant 0 : index
    %swap3A_58 = vector.load %arg7[%swap3A, %swap3A_57] : memref<1000x128xf32, #tpu.memory_space<vmem>>, vector<1000x128xf32>
    tpu.vector_store %arg7[%swap3A, %swap3A_57], %add3A_56 {strides = array<i32>} : memref<1000x128xf32, #tpu.memory_space<vmem>>, vector<1000x128xf32>,
    return
  }
  func.func @transform_0(%arg0: i32) -> (i32, i32, i32) {
    %c0_i32 = arith.constant 0 : i32
    %c0_i32_0 = arith.constant 0 : i32
    %c0_i32_1 = arith.constant 0 : i32
    return %c0_i32, %arg0, %c0_i32_0 : i32, i32, i32
  }
  func.func @transform_1(%arg0: i32) -> (i32, i32, i32) {
    %c0_i32 = arith.constant 0 : i32
    %c0_i32_0 = arith.constant 0 : i32
    %c0_i32_1 = arith.constant 0 : i32
    return %c0_i32, %arg0, %c0_i32_0 : i32, i32, i32
  }
  func.func @transform_2(%arg0: i32) -> (i32, i32, i32) {
    %c0_i32 = arith.constant 0 : i32
    %c0_i32_0 = arith.constant 0 : i32
    %c0_i32_1 = arith.constant 0 : i32
    return %c0_i32, %arg0, %c0_i32_0 : i32, i32, i32
  }
  func.func @transform_3(%arg0: i32) -> (i32, i32) {
    %c0_i32 = arith.constant 0 : i32
    %c0_i32_0 = arith.constant 0 : i32
    %c0_i32_1 = arith.constant 0 : i32
    return %c0_i32, %c0_i32_0 : i32, i32
  }
  func.func @transform_4(%arg0: i32) -> (i32, i32) {
    %c0_i32 = arith.constant 0 : i32
    %c0_i32_0 = arith.constant 0 : i32
    %c0_i32_1 = arith.constant 0 : i32
    return %c0_i32, %c0_i32_0 : i32, i32
  }
  func.func @transform_5(%arg0: i32) -> (i32, i32) {
    %c0_i32 = arith.constant 0 : i32
    %c0_i32_0 = arith.constant 0 : i32
    %c0_i32_1 = arith.constant 0 : i32
    return %c0_i32, %c0_i32_0 : i32, i32
  }
  func.func @transform_6(%arg0: i32) -> (i32, i32) {
    %c0_i32 = arith.constant 0 : i32
    %c0_i32_0 = arith.constant 0 : i32
    return %arg0, %c0_i32 : i32, i32
  }
}

</mosaic_0001>

<sc_bundles>
// kernel: kernel.6.cloned.1.call-start
scs
__scs_entry_jumppad:
0x0: {  	(pc) =	sbr.rel $0x88, $3  }
0x1: {  	(tag) =	ssettag $0x0;
	lr =	simm.s32 $0x1  }
0x2: {  	[smem:$0x3F99] =	sst lr;
	_ =	strace $0xD0000000  }
0x3: {  	_ = 	snop  }
0x4: {  	_ = 	snop  }
0x5: {  	_ = 	snop  }
0x6: {  	_ = 	snop  }
0x7: {  	_ = 	snop  }
__scs_overlays_trampoline_lowered:
0x8: {  	[smem:$0x3FA8] =	sst s0  }
0x9: {  	[smem:$0x3FA9] =	sst s1  }
0xa: {  	[smem:$0x3FAA] =	sst s2  }
0xb: {  	[smem:$0x3FAB] =	sst s3  }
0xc: {  	[smem:$0x3FAC] =	sst s4  }
0xd: {  	[smem:$0x3FAD] =	sst s5  }
0xe: {  	[smem:$0x3FAE] =	sst s6  }
0xf: {  	[smem:$0x3FAF] =	sst s7  }
0x10: {  	[smem:$0x3FB0] =	sst s8  }
0x11: {  	[smem:$0x3FB1] =	sst s9;
	s0 =	simm.s32 @!p0 $0x0  }
0x12: {  	s1 =	sld [smem:$0x3F97];
	s0 =	simm.s32 @p0 $0x1  }
0x13: {  	[smem:$0x3FB2] =	sst s0;
	s0 =	simm.s32 @!p1 $0x0  }
0x14: {  	s2 =	sld [smem:$0x3F96];
	s0 =	simm.s32 @p1 $0x1  }
0x15: {  	[smem:$0x3FB3] =	sst s0;
	s0 =	simm.s32 @!p2 $0x0  }
0x16: {  	s3 =	sld [smem:$0x3FDB];
	s0 =	simm.s32 @p2 $0x1  }
0x17: {  	s4 =	simm.s32 $0x1BF5;
	[smem:$0x3FB5] =	sst s0  }
0x18: {  	s0 =	sld [smem:$0x3F98];
	_ =	swait.ge [sflag:s4], $0x0  }
0x19: {  	s7 =	sld [smem:$0x3F99]  }
0x1a: {  	s8 =	sadd.s32 $0xFFFFE003, lr  }
0x1b: {  	s9 =	sadd.s32 $0xFFFFFEF7, lr;
	s5 =	simm.s32 $0xFFFFFFFF;
	p2 =	slt.u32 s8, $0xFFFFF086  }
0x1c: {  	p1 =	slt.u32 s9, $0xF7A;
	s5 =	simm.s32 @!p2 $0x0  }
0x1d: {  	s5 =	simm.s32 @p1 $0x1;
	p0 =	seq.s32 s7, s2  }
0x1e: {  	s7 =	smul.u32 @!p0 $0xF7A, s2;
	p2 =	seq.s32 @!p0 s5, $0x0  }
0x1f: {  	s9 =	smul.u32 $0xF7A, s1;
	s8 =	simm.s32 @!p0 $0x1BF5;
	p2 =	por !p2, p0  }
0x20: {  	[sflag:s8] =	ssyncset.s32 @!p0 $0xFFFFF086;
	s6 =	sadd.s32 @!p0 s3, s7;
	s7 =	simm.s32 @!p0 $0x108  }
0x21: {  	s3 =	sadd.s32 s3, s9;
	s6 =	sadd.s32 @!p0 $0x88, s6;
	s7 =	simm.s32 @p2 $0x1082  }
0x22: {  	[simem:s7], [sflag:s8] =	dma.local @!p0 [hbm:s6], $0xF7A  }
0x23: {  	s9 =	sor.u32 $0xD0000000, s2;
	s6 =	simm.s32 $0x108;
	_ =	swait.ge @!p0 [sflag:s8], $0x0  }
0x24: {  	s3 =	sadd.s32 $0x88, s3;
	s6 =	simm.s32 @!p1 $0x1082;
	[sflag:s4] =	ssyncset.s32 $0xFFFFF086  }
0x25: {  	[simem:s6], [sflag:s4] =	dma.local [hbm:s3], $0xF7A  }
0x26: {  	[smem:$0x3F99] =	sst s1;
	(tag) =	ssettag s2;
	_ =	strace s9  }
0x27: {  	s1 =	sld [smem:$0x3FA9]  }
0x28: {  	s2 =	sld [smem:$0x3FAA]  }
0x29: {  	s4 =	sld [smem:$0x3FAC]  }
0x2a: {  	p0 =	seq.s32 s5, $0x0;
	s5 =	sld [smem:$0x3FAD]  }
0x2b: {  	s6 =	sld [smem:$0x3FAE]  }
0x2c: {  	s7 =	sld [smem:$0x3FAF]  }
0x2d: {  	s3 =	simm.s32 $0x108;
	s8 =	sld [smem:$0x3FB0]  }
0x2e: {  	s3 =	simm.s32 @!p0 $0x1082;
	s9 =	sld [smem:$0x3FB1]  }
0x2f: {  	lr =	sadd.s32 s0, s3;
	s0 =	sld [smem:$0x3FA8]  }
0x30: {  	s3 =	sld [smem:$0x3FAB]  }
0x31: {  	[smem:$0x3FB4] =	sst s10  }
0x32: {  	s10 =	sld [smem:$0x3FB2];
	_ =	sdelay $0x3  }
0x33: {  	p0 =	seq.s32 s10, $0x1;
	s10 =	sld [smem:$0x3FB4];
	_ =	sdelay $0x3  }
0x34: {  	[smem:$0x3FB4] =	sst s10  }
0x35: {  	s10 =	sld [smem:$0x3FB3];
	_ =	sdelay $0x3  }
0x36: {  	p1 =	seq.s32 s10, $0x1;
	s10 =	sld [smem:$0x3FB4];
	_ =	sdelay $0x3  }
0x37: {  	[smem:$0x3FB4] =	sst s10  }
0x38: {  	s10 =	sld [smem:$0x3FB5]  }
0x39: {  	_ = 	snop;
	(pc) =	sbr.ind lr, $3  }
0x3a: {  	_ = 	snop  }
0x3b: {  	_ = 	snop  }
0x3c: {  	p2 =	seq.s32 s10, $0x1;
	s10 =	sld [smem:$0x3FB4]  }
0x3d: {  	_ =	shalt  }
0x3e: {  	_ =	shalt  }
0x3f: {  	_ =	shalt  }
0x40: {  	_ =	shalt  }
0x41: {  	_ =	shalt  }
0x42: {  	_ =	shalt  }
0x43: {  	_ =	shalt  }
0x44: {  	_ =	shalt  }
0x45: {  	_ =	shalt  }
0x46: {  	_ =	shalt  }
0x47: {  	_ =	shalt  }
0x48: {  	_ =	shalt  }
0x49: {  	_ =	shalt  }
0x4a: {  	_ =	shalt  }
0x4b: {  	_ =	shalt  }
0x4c: {  	_ =	shalt  }
0x4d: {  	_ =	shalt  }
0x4e: {  	_ =	shalt  }
0x4f: {  	_ =	shalt  }
0x50: {  	_ =	shalt  }
0x51: {  	_ =	shalt  }
0x52: {  	_ =	shalt  }
0x53: {  	_ =	shalt  }
0x54: {  	_ =	shalt  }
0x55: {  	_ =	shalt  }
0x56: {  	_ =	shalt  }
0x57: {  	_ =	shalt  }
0x58: {  	_ =	shalt  }
0x59: {  	_ =	shalt  }
0x5a: {  	_ =	shalt  }
0x5b: {  	_ =	shalt  }
0x5c: {  	_ =	shalt  }
0x5d: {  	_ =	shalt  }
0x5e: {  	_ =	shalt  }
0x5f: {  	_ =	shalt  }
0x60: {  	_ =	shalt  }
0x61: {  	_ =	shalt  }
0x62: {  	_ =	shalt  }
0x63: {  	_ =	shalt  }
0x64: {  	_ =	shalt  }
0x65: {  	_ =	shalt  }
0x66: {  	_ =	shalt  }
0x67: {  	_ =	shalt  }
0x68: {  	_ =	shalt  }
0x69: {  	_ =	shalt  }
0x6a: {  	_ =	shalt  }
0x6b: {  	_ =	shalt  }
0x6c: {  	_ =	shalt  }
0x6d: {  	_ =	shalt  }
0x6e: {  	_ =	shalt  }
0x6f: {  	_ =	shalt  }
0x70: {  	_ =	shalt  }
0x71: {  	_ =	shalt  }
0x72: {  	_ =	shalt  }
0x73: {  	_ =	shalt  }
0x74: {  	_ =	shalt  }
0x75: {  	_ =	shalt  }
0x76: {  	_ =	shalt  }
0x77: {  	_ =	shalt  }
0x78: {  	_ =	shalt  }
0x79: {  	_ =	shalt  }
0x7a: {  	_ =	shalt  }
0x7b: {  	_ =	shalt  }
0x7c: {  	_ =	shalt  }
0x7d: {  	_ =	shalt  }
0x7e: {  	_ =	shalt  }
0x7f: {  	_ =	shalt  }
0x80: {  	_ =	shalt  }
0x81: {  	_ =	shalt  }
0x82: {  	_ =	shalt  }
0x83: {  	_ =	shalt  }
0x84: {  	_ =	shalt  }
0x85: {  	_ =	shalt  }
0x86: {  	_ =	shalt  }
0x87: {  	_ =	shalt  }
.Lfunc_end0:
.L_simem_size_0:
called_computation_lowered:
.L_overlay_start_0:
0x88: {  	s2 =	sld [smem:$0x3FD9]  }
0x89: {  	s3 =	sld [smem:$0x3FFE];
	_ =	sdelay $0x1  }
0x8a: {  	s1 =	srdreg.scid  }
0x8b: {  	s0 =	sand.u32 $0x1, s1  }
0x8c: {  	s17 =	sshll.u32 s0, $0xA;
	s2 =	sadd.s32 s3, s2  }
0x8d: {  	s2 =	sadd.s32 s2, s17  }
0x8e: {  	[smem:$0x3FC0] =	sst s2  }
0x8f: {  	_ = 	snop  }
0x90: {  	s2 =	sld [smem:$0x3FD0];
	(tm) =	ssettm $0x1  }
0x91: {  	s18 =	sld [smem:$0x3FFB];
	_ =	sdelay $0x3  }
0x92: {  	_ =	strace s18  }
0x93: {  	s3 =	sld [smem:$0x3FFC];
	_ =	sdelay $0x3  }
0x94: {  	_ =	strace s3  }
0x95: {  	s3 =	sld [smem:$0x3FFD];
	_ =	sdelay $0x3  }
0x96: {  	_ =	strace s3  }
0x97: {  	_ =	strace $0x8FFFFFFF  }
0x98: {  	s19 =	sld [smem:$0x3FDB];
	_ =	sdelay $0x1  }
0x99: {  	s4 =	simm.s32 $_scs_section_size  }
0x9a: {  	s5 =	simm.s32 $_size__tile_overlayer_lowered;
	s6 =	simm.s32 $_tile_overlayer_lowered  }
0x9b: {  	s22 =	simm.s32 $0x1BFF;
	s21 =	sshll.u32 s6, $0x1;
	s3 =	sadd.s32 s4, s19  }
0x9c: {  	s7 =	simm.s32 $0x0;
	s20 =	sshll.u32 s5, $0x1;
	s5 =	sadd.s32 s21, s3  }
0x9d: {  	[timem:s7], [sflag:s22] =	dma.local [hbm:s5], s20  }
0x9e: {  	_ =	swait.ge [sflag:s22], s20  }
0x9f: {  	s4 =	ssub.s32 $0x0, s20;
	[sflag:s22] =	ssyncset.done $0x0  }
0xa0: {  	[sflag:s22] =	ssyncadd.s32 s4;
	_ =	sdelay $0x1  }
0xa1: {  	s23 =	simm.s32 $0x1B8B  }
0xa2: {  	_ =	swait.ge [sflag:s23], $0x1  }
0xa3: {  	[sflag:s23] =	ssyncset.done $0x0  }
0xa4: {  	s25 =	simm.s32 $0x1B8E;
	s24 =	sld [smem:$0x3FFE];
	[sflag:s23] =	ssyncadd.s32 $0xFFFFFFFF  }
0xa5: {  	s26 =	simm.s32 $execute0_lowered;
	[smem:$0x3FD2] =	sst s25  }
0xa6: {  	s5 =	sshll.u32 s26, $0x1;
	_ =	strace $0x80000046;
	[dreg:$0x1] =	wrdreg $0xFFFFFFFF  }
0xa7: {  	s28 =	simm.s32 $_size_execute0_lowered;
	s3 =	sadd.s32 s3, s5;
	[dreg:$0x0] =	wrdreg $0x0  }
0xa8: {  	s5 =	sshll.u32 s28, $0x1;
	[dreg:$0x2] =	wrdreg s3  }
0xa9: {  	[dreg:$0x3] =	wrdreg s5  }
0xaa: {  	[dreg:$0x4] =	wrdreg $0xC0  }
0xab: {  	_ =	task [dreg:s7], $0x5FFFF  }
0xac: {  	[dreg:$0x1] =	wrdreg $0xFFFFFFFF  }
0xad: {  	[dreg:$0x0] =	wrdreg $0x60  }
0xae: {  	[dreg:$0x2] =	wrdreg s24  }
0xaf: {  	[dreg:$0x3] =	wrdreg s2  }
0xb0: {  	[dreg:$0x4] =	wrdreg $0xD4000  }
0xb1: {  	[dreg:$0x5] =	wrdreg $0x124000  }
0xb2: {  	[dreg:$0x6] =	wrdreg $0x9  }
0xb3: {  	_ =	task.clear_ibuf [dreg:s7], $0x7FFFF;
	_ =	strace $0x90000046  }
0xb4: {  	s29 =	simm.s32 $0x9;
	_ =	strace $0x80000048  }
0xb5: {  	_ =	swait.ge [sflag:s29], $0x1  }
0xb6: {  	[sflag:s29] =	ssyncadd.s32 $0xFFFFFFFF  }
0xb7: {  	_ =	strace $0x90000048  }
0xb8: {  	_ =	sfence  }
0xb9: {  	s30 =	sld [smem:$0x0];
	_ =	sdelay $0x2  }
0xba: {  	s31 =	sshll.u32 s1, $0xD;
	s1 =	sshrl.u32 s1, $0x2  }
0xbb: {  	s3 =	sand.u32 $0x4000, s31;
	s1 =	sadd.s32 s1, s30  }
0xbc: {  	s0 =	sor.u32 s3, s0;
	s1 =	sshll.u32 s1, $0x11  }
0xbd: {  	s0 =	sor.u32 s1, s0  }
0xbe: {  	s0 =	sadd.s32 $0x8F2B, s0  }
0xbf: {  	[sflag:s0] =	ssyncadd.remote.s32 $0x1  }
0xc0: {  	_ =	sfence.sel $0xFFFF  }
0xc1: {  	[dreg:$0x0] =	wrdreg $0xFFFFFFFF;
	(pc) =	sbr.abs _section_cstart, $3  }
0xc2: {  	[dreg:$0x1] =	wrdreg $0xFFFFFFFF  }
0xc3: {  	_ =	task.clear_ibuf [dreg:s7], $0x2FFFF;
	_ =	strace $0x9FFFFFFF  }
0xc4: {  	(tm) =	ssettm $0x7FFFFFFF  }
0xc5: {  	_ =	shalt  }
tec
execute0_lowered:
.L_overlay_start_1:
0x0: {  	(tag) =	ssettag $0x1  }
0x1: {  	s14 =	stileid.u32  }
0x2: {  	s0 =	rddreg [dreg:$0x0];
	s5 =	smul.u32 $0x4E80, s14  }
0x3: {  	s3 =	srdreg.scid;
	s8 =	smul.u32 $0x280, s14  }
0x4: {  	s1 =	rddreg [dreg:$0x1];
	s6 =	sand.u32 $0x1, s3;
	s23 =	smul.u32 $0x14000, s14  }
0x5: {  	s2 =	rddreg [dreg:$0x2];
	s7 =	smul.u32 $0x4E800, s6  }
0x6: {  	s4 =	simm.s32 $0x0;
	s3 =	rddreg [dreg:$0x3];
	s9 =	smul.u32 $0x2800, s6  }
0x7: {  	[smem:$0x7FF] =	sst s4;
	s12 =	ssub.s32 $0x2, s6;
	s13 =	smul.u32 $0xA0000, s6  }
0x8: {  	s24 =	sshrl.u32 s12, $0x1;
	s7 =	sadd.s32 s5, s7;
	s5 =	sshrl.u32 s5, $0x3  }
0x9: {  	s22 =	sadd.s32 s8, s9;
	s9 =	sshrl.u32 s23, $0x2;
	s12 =	ssub.s32 s12, s24  }
0xa: {  	s11 =	sadd.s32 s5, s0;
	s6 =	sadd.s32 s9, s2;
	s9 =	smax.u32 s12, $0x1  }
0xb: {  	_ =	strace $0x80000047;
	s30 =	sadd.s32 $0x1E00, s11;
	[dreg:$0x9] =	wrdreg s9  }
0xc: {  	s14 =	smul.u32 $0xA000, s14;
	s11 =	sadd.s32 $0x800, s6;
	[dreg:$0x6] =	wrdreg s30  }
0xd: {  	s28 =	simm.s32 $0x9C80;
	s12 =	sadd.s32 $0xC00, s6;
	[dreg:$0xb] =	wrdreg s11  }
0xe: {  	s26 =	sadd.s32 s14, s13;
	s13 =	sadd.s32 $0x1000, s6;
	[dreg:$0xc] =	wrdreg s12  }
0xf: {  	s31 =	sshrl.u32 s14, $0x1;
	s14 =	sadd.s32 $0x1400, s6;
	[dreg:$0xd] =	wrdreg s13  }
0x10: {  	s29 =	simm.s32 $0x0;
	s15 =	sadd.s32 $0x1800, s6;
	[dreg:$0xe] =	wrdreg s14  }
0x11: {  	s7 =	sshrl.u32 s7, $0x3;
	s16 =	sadd.s32 $0x1C00, s6;
	[dreg:$0xf] =	wrdreg s15  }
0x12: {  	s5 =	sadd.s32 $0x1F600, s0;
	s17 =	sadd.s32 $0x2000, s6;
	[dreg:$0x10] =	wrdreg s16  }
0x13: {  	s10 =	sadd.s32 s7, s0;
	s18 =	sadd.s32 $0x2400, s6;
	[dreg:$0x11] =	wrdreg s17  }
0x14: {  	s7 =	sshrl.u32 s22, $0x3;
	s19 =	sadd.s32 $0x2800, s6;
	[dreg:$0x12] =	wrdreg s18  }
0x15: {  	s20 =	sadd.s32 $0x2C00, s6;
	s21 =	sadd.s32 $0x3000, s6;
	[dreg:$0x13] =	wrdreg s19  }
0x16: {  	s23 =	sadd.s32 $0x3400, s6;
	s24 =	sadd.s32 $0x3800, s6;
	[dreg:$0x14] =	wrdreg s20  }
0x17: {  	s9 =	simm.s32 $0x7;
	s0 =	sadd.s32 s7, s0;
	[dreg:$0x15] =	wrdreg s21  }
0x18: {  	s7 =	sadd.s32 s8, s3;
	s25 =	sadd.s32 $0xBC00, s10;
	[dreg:$0x17] =	wrdreg s23  }
0x19: {  	s8 =	sshrl.u32 s26, $0x4;
	s10 =	sadd.s32 $0x400, s6;
	[dreg:$0x18] =	wrdreg s24  }
0x1a: {  	s26 =	sadd.s32 $0x4000, s6;
	s30 =	sadd.s32 $0x4400, s6;
	s11 =	simm.s32 $0x80  }
0x1b: {  	s12 =	simm.s32 $0x9D00;
	s13 =	simm.s32 $0xAD00;
	s14 =	simm.s32 $0xBD00  }
0x1c: {  	s15 =	simm.s32 $0x1;
	s16 =	simm.s32 $0xD100;
	s17 =	simm.s32 $0x4  }
0x1d: {  	s18 =	simm.s32 $0x2;
	s19 =	simm.s32 $0x4F00;
	[dreg:$0x5] =	wrdreg s25  }
0x1e: {  	s20 =	simm.s32 $0x5;
	s21 =	simm.s32 $0x3;
	[dreg:$0xa] =	wrdreg s10  }
0x1f: {  	s23 =	simm.s32 $0x6;
	s24 =	simm.s32 $0x9B00;
	[dreg:$0x1a] =	wrdreg s26  }
0x20: {  	s1 =	sadd.s32 s1, s8;
	s8 =	sadd.s32 s31, s2;
	[dreg:$0x1b] =	wrdreg s30  }
0x21: {  	s0 =	sadd.s32 $0x33000, s0;
	s25 =	sadd.s32 $0x3C00, s6;
	[dreg:$0x7] =	wrdreg s1  }
0x22: {  	s31 =	sadd.s32 $0x4800, s6;
	s10 =	simm.s32 $0x4E80;
	[dreg:$0x8] =	wrdreg s0  }
0x23: {  	s26 =	simm.s32 $0x9C00;
	s22 =	sshrl.u32 s8, $0x3;
	[dreg:$0x19] =	wrdreg s25  }
0x24: {  	[dreg:$0x1c] =	wrdreg s31;
	s0 =	sadd.s32 $0x4C00, s6;
	s8 =	simm.s32 $0xCD00  }
0x25: {  	v0 =	vimm.bf16 $0.0e+00;
	v1 =	vimm.f32 $0.0e+00;
	v2 =	vimm.f32 $1.000000000e+00;
	s25 =	simm.s32 $0x9B80;
	[dreg:$0x16] =	wrdreg s22;
	s22 =	simm.s32 $0x4F80  }
.LBB2_1:
0x26: {  	[tilespmem:$0xCD00] =	vst v0  }
0x27: {  	[tilespmem:$0xCD10] =	vst v0  }
0x28: {  	[tilespmem:$0xCD20] =	vst v0  }
0x29: {  	[tilespmem:$0xCD30] =	vst v0  }
0x2a: {  	[tilespmem:$0xCD40] =	vst v0  }
0x2b: {  	[tilespmem:$0xCD50] =	vst v0  }
0x2c: {  	[tilespmem:$0xCD60] =	vst v0  }
0x2d: {  	[tilespmem:$0xCD70] =	vst v0  }
0x2e: {  	[tilespmem:$0xCD80] =	vst v0  }
0x2f: {  	[tilespmem:$0xCD90] =	vst v0  }
0x30: {  	[tilespmem:$0xCDA0] =	vst v0  }
0x31: {  	[tilespmem:$0xCDB0] =	vst v0  }
0x32: {  	[tilespmem:$0xCDC0] =	vst v0  }
0x33: {  	[tilespmem:$0xCDD0] =	vst v0  }
0x34: {  	[tilespmem:$0xCDE0] =	vst v0  }
0x35: {  	[tilespmem:$0xCDF0] =	vst v0  }
0x36: {  	[tilespmem:$0xCE00] =	vst v0  }
0x37: {  	[tilespmem:$0xCE10] =	vst v0  }
0x38: {  	[tilespmem:$0xCE20] =	vst v0  }
0x39: {  	[tilespmem:$0xCE30] =	vst v0  }
0x3a: {  	[tilespmem:$0xCE40] =	vst v0  }
0x3b: {  	[tilespmem:$0xCE50] =	vst v0  }
0x3c: {  	[tilespmem:$0xCE60] =	vst v0  }
0x3d: {  	[tilespmem:$0xCE70] =	vst v0  }
0x3e: {  	[tilespmem:$0xCE80] =	vst v0  }
0x3f: {  	[tilespmem:$0xCE90] =	vst v0  }
0x40: {  	[tilespmem:$0xCEA0] =	vst v0  }
0x41: {  	[tilespmem:$0xCEB0] =	vst v0  }
0x42: {  	[tilespmem:$0xCEC0] =	vst v0  }
0x43: {  	[tilespmem:$0xCED0] =	vst v0  }
0x44: {  	[tilespmem:$0xCEE0] =	vst v0  }
0x45: {  	[tilespmem:$0xCEF0] =	vst v0  }
0x46: {  	[tilespmem:$0xCF00] =	vst v0  }
0x47: {  	[tilespmem:$0xCF10] =	vst v0  }
0x48: {  	[tilespmem:$0xCF20] =	vst v0  }
0x49: {  	[tilespmem:$0xCF30] =	vst v0  }
0x4a: {  	[tilespmem:$0xCF40] =	vst v0  }
0x4b: {  	[tilespmem:$0xCF50] =	vst v0  }
0x4c: {  	[tilespmem:$0xCF60] =	vst v0  }
0x4d: {  	[tilespmem:$0xCF70] =	vst v0  }
0x4e: {  	[tilespmem:$0xCF80] =	vst v0  }
0x4f: {  	[tilespmem:$0xCF90] =	vst v0  }
0x50: {  	[tilespmem:$0xCFA0] =	vst v0  }
0x51: {  	[tilespmem:$0xCFB0] =	vst v0  }
0x52: {  	[tilespmem:$0xCFC0] =	vst v0  }
0x53: {  	[tilespmem:$0xCFD0] =	vst v0  }
0x54: {  	[tilespmem:$0xCFE0] =	vst v0  }
0x55: {  	[tilespmem:$0xCFF0] =	vst v0  }
0x56: {  	[tilespmem:$0xD000] =	vst v0  }
0x57: {  	[tilespmem:$0xD010] =	vst v0  }
0x58: {  	[tilespmem:$0xD020] =	vst v0  }
0x59: {  	[tilespmem:$0xD030] =	vst v0  }
0x5a: {  	[tilespmem:$0xD040] =	vst v0  }
0x5b: {  	[tilespmem:$0xD050] =	vst v0  }
0x5c: {  	[tilespmem:$0xD060] =	vst v0  }
0x5d: {  	[tilespmem:$0xD070] =	vst v0  }
0x5e: {  	[tilespmem:$0xD080] =	vst v0  }
0x5f: {  	[tilespmem:$0xD090] =	vst v0  }
0x60: {  	[tilespmem:$0xD0A0] =	vst v0  }
0x61: {  	[tilespmem:$0xD0B0] =	vst v0  }
0x62: {  	[tilespmem:$0xD0C0] =	vst v0  }
0x63: {  	[tilespmem:$0xD0D0] =	vst v0  }
0x64: {  	[tilespmem:$0xD0E0] =	vst v0  }
0x65: {  	[tilespmem:$0xD0F0] =	vst v0  }
0x66: {  	[spmem:s6] =	stream.linear.scatter [tilespmem:s8], [sflag:$0x7], $0x400, $0x38;
	[tilespmem:$0x12680] =	vst v63  }
0x67: {  	_ =	swait.ge [sflag:s9], $0x400  }
0x68: {  	[sflag:s9] =	ssyncset.done $0x0  }
0x69: {  	s1 =	rddreg [dreg:$0xa];
	[sflag:s9] =	ssyncadd.s32 $0xFFFFFC00  }
0x6a: {  	[spmem:s1] =	stream.linear.scatter [tilespmem:s8], [sflag:$0x7], $0x400, $0x38;
	[tilespmem:$0x12680] =	vst v63  }
0x6b: {  	_ =	swait.ge [sflag:s9], $0x400  }
0x6c: {  	[sflag:s9] =	ssyncset.done $0x0  }
0x6d: {  	s31 =	rddreg [dreg:$0xb];
	[sflag:s9] =	ssyncadd.s32 $0xFFFFFC00  }
0x6e: {  	[spmem:s31] =	stream.linear.scatter [tilespmem:s8], [sflag:$0x7], $0x400, $0x38;
	[tilespmem:$0x12680] =	vst v63  }
0x6f: {  	_ =	swait.ge [sflag:s9], $0x400  }
0x70: {  	[sflag:s9] =	ssyncset.done $0x0  }
0x71: {  	s31 =	rddreg [dreg:$0xc];
	[sflag:s9] =	ssyncadd.s32 $0xFFFFFC00  }
0x72: {  	[spmem:s31] =	stream.linear.scatter [tilespmem:s8], [sflag:$0x7], $0x400, $0x38;
	[tilespmem:$0x12680] =	vst v63  }
0x73: {  	_ =	swait.ge [sflag:s9], $0x400  }
0x74: {  	[sflag:s9] =	ssyncset.done $0x0  }
0x75: {  	s31 =	rddreg [dreg:$0xd];
	[sflag:s9] =	ssyncadd.s32 $0xFFFFFC00  }
0x76: {  	[spmem:s31] =	stream.linear.scatter [tilespmem:s8], [sflag:$0x7], $0x400, $0x38;
	[tilespmem:$0x12680] =	vst v63  }
0x77: {  	_ =	swait.ge [sflag:s9], $0x400  }
0x78: {  	[sflag:s9] =	ssyncset.done $0x0  }
0x79: {  	s31 =	rddreg [dreg:$0xe];
	[sflag:s9] =	ssyncadd.s32 $0xFFFFFC00  }
0x7a: {  	[spmem:s31] =	stream.linear.scatter [tilespmem:s8], [sflag:$0x7], $0x400, $0x38;
	[tilespmem:$0x12680] =	vst v63  }
0x7b: {  	_ =	swait.ge [sflag:s9], $0x400  }
0x7c: {  	[sflag:s9] =	ssyncset.done $0x0  }
0x7d: {  	s31 =	rddreg [dreg:$0xf];
	[sflag:s9] =	ssyncadd.s32 $0xFFFFFC00  }
0x7e: {  	[spmem:s31] =	stream.linear.scatter [tilespmem:s8], [sflag:$0x7], $0x400, $0x38;
	[tilespmem:$0x12680] =	vst v63  }
0x7f: {  	_ =	swait.ge [sflag:s9], $0x400  }
0x80: {  	[sflag:s9] =	ssyncset.done $0x0  }
0x81: {  	s31 =	rddreg [dreg:$0x10];
	[sflag:s9] =	ssyncadd.s32 $0xFFFFFC00  }
0x82: {  	[spmem:s31] =	stream.linear.scatter [tilespmem:s8], [sflag:$0x7], $0x400, $0x38;
	[tilespmem:$0x12680] =	vst v63  }
0x83: {  	_ =	swait.ge [sflag:s9], $0x400  }
0x84: {  	[sflag:s9] =	ssyncset.done $0x0  }
0x85: {  	s31 =	rddreg [dreg:$0x11];
	[sflag:s9] =	ssyncadd.s32 $0xFFFFFC00  }
0x86: {  	[spmem:s31] =	stream.linear.scatter [tilespmem:s8], [sflag:$0x7], $0x400, $0x38;
	[tilespmem:$0x12680] =	vst v63  }
0x87: {  	_ =	swait.ge [sflag:s9], $0x400  }
0x88: {  	[sflag:s9] =	ssyncset.done $0x0  }
0x89: {  	s31 =	rddreg [dreg:$0x12];
	[sflag:s9] =	ssyncadd.s32 $0xFFFFFC00  }
0x8a: {  	[spmem:s31] =	stream.linear.scatter [tilespmem:s8], [sflag:$0x7], $0x400, $0x38;
	[tilespmem:$0x12680] =	vst v63  }
0x8b: {  	_ =	swait.ge [sflag:s9], $0x400  }
0x8c: {  	[sflag:s9] =	ssyncset.done $0x0  }
0x8d: {  	s31 =	rddreg [dreg:$0x13];
	[sflag:s9] =	ssyncadd.s32 $0xFFFFFC00  }
0x8e: {  	[spmem:s31] =	stream.linear.scatter [tilespmem:s8], [sflag:$0x7], $0x400, $0x38;
	[tilespmem:$0x12680] =	vst v63  }
0x8f: {  	_ =	swait.ge [sflag:s9], $0x400  }
0x90: {  	[sflag:s9] =	ssyncset.done $0x0  }
0x91: {  	s31 =	rddreg [dreg:$0x14];
	[sflag:s9] =	ssyncadd.s32 $0xFFFFFC00  }
0x92: {  	[spmem:s31] =	stream.linear.scatter [tilespmem:s8], [sflag:$0x7], $0x400, $0x38;
	[tilespmem:$0x12680] =	vst v63  }
0x93: {  	_ =	swait.ge [sflag:s9], $0x400  }
0x94: {  	[sflag:s9] =	ssyncset.done $0x0  }
0x95: {  	s31 =	rddreg [dreg:$0x15];
	[sflag:s9] =	ssyncadd.s32 $0xFFFFFC00  }
0x96: {  	[spmem:s31] =	stream.linear.scatter [tilespmem:s8], [sflag:$0x7], $0x400, $0x38;
	[tilespmem:$0x12680] =	vst v63  }
0x97: {  	_ =	swait.ge [sflag:s9], $0x400  }
0x98: {  	[sflag:s9] =	ssyncset.done $0x0  }
0x99: {  	s31 =	rddreg [dreg:$0x17];
	[sflag:s9] =	ssyncadd.s32 $0xFFFFFC00  }
0x9a: {  	[spmem:s31] =	stream.linear.scatter [tilespmem:s8], [sflag:$0x7], $0x400, $0x38;
	[tilespmem:$0x12680] =	vst v63  }
0x9b: {  	_ =	swait.ge [sflag:s9], $0x400  }
0x9c: {  	[sflag:s9] =	ssyncset.done $0x0  }
0x9d: {  	s31 =	rddreg [dreg:$0x18];
	[sflag:s9] =	ssyncadd.s32 $0xFFFFFC00  }
0x9e: {  	[spmem:s31] =	stream.linear.scatter [tilespmem:s8], [sflag:$0x7], $0x400, $0x38;
	[tilespmem:$0x12680] =	vst v63  }
0x9f: {  	_ =	swait.ge [sflag:s9], $0x400  }
0xa0: {  	[sflag:s9] =	ssyncset.done $0x0  }
0xa1: {  	s31 =	rddreg [dreg:$0x19];
	[sflag:s9] =	ssyncadd.s32 $0xFFFFFC00  }
0xa2: {  	[spmem:s31] =	stream.linear.scatter [tilespmem:s8], [sflag:$0x7], $0x400, $0x38;
	[tilespmem:$0x12680] =	vst v63  }
0xa3: {  	_ =	swait.ge [sflag:s9], $0x400  }
0xa4: {  	[sflag:s9] =	ssyncset.done $0x0  }
0xa5: {  	s31 =	rddreg [dreg:$0x1a];
	[sflag:s9] =	ssyncadd.s32 $0xFFFFFC00  }
0xa6: {  	[spmem:s31] =	stream.linear.scatter [tilespmem:s8], [sflag:$0x7], $0x400, $0x38;
	[tilespmem:$0x12680] =	vst v63  }
0xa7: {  	_ =	swait.ge [sflag:s9], $0x400  }
0xa8: {  	[sflag:s9] =	ssyncset.done $0x0  }
0xa9: {  	s31 =	rddreg [dreg:$0x1b];
	[sflag:s9] =	ssyncadd.s32 $0xFFFFFC00  }
0xaa: {  	[spmem:s31] =	stream.linear.scatter [tilespmem:s8], [sflag:$0x7], $0x400, $0x38;
	[tilespmem:$0x12680] =	vst v63  }
0xab: {  	_ =	swait.ge [sflag:s9], $0x400  }
0xac: {  	[sflag:s9] =	ssyncset.done $0x0  }
0xad: {  	s31 =	rddreg [dreg:$0x1c];
	[sflag:s9] =	ssyncadd.s32 $0xFFFFFC00  }
0xae: {  	[spmem:s31] =	stream.linear.scatter [tilespmem:s8], [sflag:$0x7], $0x400, $0x38;
	[tilespmem:$0x12680] =	vst v63  }
0xaf: {  	_ =	swait.ge [sflag:s9], $0x400  }
0xb0: {  	[sflag:s9] =	ssyncset.done $0x0  }
0xb1: {  	[sflag:s9] =	ssyncadd.s32 $0xFFFFFC00  }
0xb2: {  	[spmem:s0] =	stream.linear.scatter [tilespmem:s8], [sflag:$0x7], $0x400, $0x38;
	[tilespmem:$0x12680] =	vst v63  }
0xb3: {  	_ =	swait.ge [sflag:s9], $0x400  }
0xb4: {  	[sflag:s9] =	ssyncset.done $0x0  }
0xb5: {  	[sflag:s9] =	ssyncadd.s32 $0xFFFFFC00  }
0xb6: {  	[tilespmem:$0xD180] =	vst v1  }
0xb7: {  	[tilespmem:$0xD190] =	vst v1  }
0xb8: {  	[tilespmem:$0xD1A0] =	vst v1  }
0xb9: {  	[tilespmem:$0xD1B0] =	vst v1  }
0xba: {  	[tilespmem:$0xD1C0] =	vst v1  }
0xbb: {  	[tilespmem:$0xD1D0] =	vst v1  }
0xbc: {  	[tilespmem:$0xD1E0] =	vst v1  }
0xbd: {  	[tilespmem:$0xD1F0] =	vst v1  }
0xbe: {  	[tilespmem:$0xD200] =	vst v1  }
0xbf: {  	[tilespmem:$0xD210] =	vst v1  }
0xc0: {  	[tilespmem:$0xD220] =	vst v1  }
0xc1: {  	[tilespmem:$0xD230] =	vst v1  }
0xc2: {  	[tilespmem:$0xD240] =	vst v1  }
0xc3: {  	[tilespmem:$0xD250] =	vst v1  }
0xc4: {  	[tilespmem:$0xD260] =	vst v1  }
0xc5: {  	[tilespmem:$0xD270] =	vst v1  }
0xc6: {  	[tilespmem:$0xD280] =	vst v1  }
0xc7: {  	[tilespmem:$0xD290] =	vst v1  }
0xc8: {  	[tilespmem:$0xD2A0] =	vst v1  }
0xc9: {  	[tilespmem:$0xD2B0] =	vst v1  }
0xca: {  	[tilespmem:$0xD2C0] =	vst v1  }
0xcb: {  	[tilespmem:$0xD2D0] =	vst v1  }
0xcc: {  	[tilespmem:$0xD2E0] =	vst v1  }
0xcd: {  	[tilespmem:$0xD2F0] =	vst v1  }
0xce: {  	[tilespmem:$0xD300] =	vst v1  }
0xcf: {  	[tilespmem:$0xD310] =	vst v1  }
0xd0: {  	[tilespmem:$0xD320] =	vst v1  }
0xd1: {  	[tilespmem:$0xD330] =	vst v1  }
0xd2: {  	[tilespmem:$0xD340] =	vst v1  }
0xd3: {  	[tilespmem:$0xD350] =	vst v1  }
0xd4: {  	[tilespmem:$0xD360] =	vst v1  }
0xd5: {  	[tilespmem:$0xD370] =	vst v1  }
0xd6: {  	[tilespmem:$0xD380] =	vst v1  }
0xd7: {  	[tilespmem:$0xD390] =	vst v1  }
0xd8: {  	[tilespmem:$0xD3A0] =	vst v1  }
0xd9: {  	[tilespmem:$0xD3B0] =	vst v1  }
0xda: {  	[tilespmem:$0xD3C0] =	vst v1  }
0xdb: {  	[tilespmem:$0xD3D0] =	vst v1  }
0xdc: {  	[tilespmem:$0xD3E0] =	vst v1  }
0xdd: {  	s31 =	simm.s32 $0xD180;
	[tilespmem:$0xD3F0] =	vst v1  }
0xde: {  	[spmem:s7] =	stream.linear.scatter [tilespmem:s31], [sflag:$0x7], $0x280, $0x38;
	[tilespmem:$0x12680] =	vst v63  }
0xdf: {  	_ =	swait.ge [sflag:s9], $0x280  }
0xe0: {  	[sflag:s9] =	ssyncset.done $0x0  }
0xe1: {  	[sflag:s9] =	ssyncadd.s32 $0xFFFFFD80  }
0xe2: {  	[tilespmem:$0xD100] =	vst v2  }
0xe3: {  	[tilespmem:$0xD110] =	vst v2  }
0xe4: {  	[tilespmem:$0xD120] =	vst v2  }
0xe5: {  	[tilespmem:$0xD130] =	vst v2  }
0xe6: {  	[tilespmem:$0xD140] =	vst v2  }
0xe7: {  	[tilespmem:$0xD150] =	vst v2  }
0xe8: {  	[tilespmem:$0xD160] =	vst v2  }
0xe9: {  	[tilespmem:$0xD170] =	vst v2  }
0xea: {  	[bflag:$0x0] =	sbarrier.arrive $0xFFFF  }
0xeb: {  	s31 =	rddreg [dreg:$0x5]  }
0xec: {  	[tilespmem:s4], [sflag:$0x7] =	stream.linear.gather [hbm4b:s31+s4], $0x4E80, $0x38;
	[tilespmem:$0x12680] =	vst v63  }
0xed: {  	_ =	swait.ge [sflag:s9], $0x4E80  }
0xee: {  	[sflag:s9] =	ssyncset.done $0x0  }
0xef: {  	s31 =	rddreg [dreg:$0x6];
	[sflag:s9] =	ssyncadd.s32 $0xFFFFB180  }
0xf0: {  	[tilespmem:s10], [sflag:$0x7] =	stream.linear.gather [hbm4b:s31+s4], $0x4E80, $0x38;
	[tilespmem:$0x12680] =	vst v63  }
0xf1: {  	_ =	swait.ge [sflag:s9], $0x4E80  }
0xf2: {  	[sflag:s9] =	ssyncset.done $0x0  }
0xf3: {  	[sflag:s9] =	ssyncadd.s32 $0xFFFFB180  }
0xf4: {  	[tilespmem:s12], [sflag:$0x1] =	stream.indirect.gather [hbm4b:s5+s11], $0x20, s4, s11, $0xb8;
	[tilespmem:$0x12680] =	vst v63  }
0xf5: {  	_ = 	snop  }
0xf6: {  	[tilespmem:s13], [sflag:$0x2] =	stream.indirect.gather [hbm4b:s5+s11], $0x20, s11, s11, $0xb8;
	[tilespmem:$0x12680] =	vst v63  }
0xf7: {  	s31 =	simm.s32 $0x100  }
0xf8: {  	[tilespmem:s14], [sflag:$0x3] =	stream.indirect.gather [hbm4b:s5+s11], $0x20, s31, s11, $0xb8;
	[tilespmem:$0x12680] =	vst v63  }
0xf9: {  	_ =	swait.ge [sflag:s15], $0x1000  }
0xfa: {  	[sflag:s15] =	ssyncset.done $0x0  }
0xfb: {  	[sflag:s15] =	ssyncadd.s32 $0xFFFFF000  }
0xfc: {  	[spmem:s2] =	stream.indirect.scatter.add.bf16 [tilespmem:s12], [sflag:$0x4], $0x20, s10, s11, $0xb8;
	[tilespmem:$0x12680] =	vst v63  }
0xfd: {  	_ = 	snop  }
0xfe: {  	[spmem:s3] =	stream.indirect.scatter.add.f32 [tilespmem:s16], [sflag:$0x7], $0x1, s10, s11, $0xb8;
	[tilespmem:$0x12680] =	vst v63  }
0xff: {  	_ =	swait.ge [sflag:s9], $0x80  }
0x100: {  	[sflag:s9] =	ssyncset.done $0x0  }
0x101: {  	[sflag:s9] =	ssyncadd.s32 $0xFFFFFF80  }
0x102: {  	_ =	swait.ge [sflag:s17], $0x1000  }
0x103: {  	[sflag:s17] =	ssyncset.done $0x0  }
0x104: {  	s31 =	simm.s32 $0x180;
	[sflag:s17] =	ssyncadd.s32 $0xFFFFF000  }
0x105: {  	[tilespmem:s12], [sflag:$0x1] =	stream.indirect.gather [hbm4b:s5+s11], $0x20, s31, s11, $0xb8;
	[tilespmem:$0x12680] =	vst v63  }
0x106: {  	_ =	swait.ge [sflag:s18], $0x1000  }
0x107: {  	[sflag:s18] =	ssyncset.done $0x0  }
0x108: {  	[sflag:s18] =	ssyncadd.s32 $0xFFFFF000  }
0x109: {  	[spmem:s2] =	stream.indirect.scatter.add.bf16 [tilespmem:s13], [sflag:$0x5], $0x20, s19, s11, $0xb8;
	[tilespmem:$0x12680] =	vst v63  }
0x10a: {  	_ = 	snop  }
0x10b: {  	[spmem:s3] =	stream.indirect.scatter.add.f32 [tilespmem:s16], [sflag:$0x7], $0x1, s19, s11, $0xb8;
	[tilespmem:$0x12680] =	vst v63  }
0x10c: {  	_ =	swait.ge [sflag:s9], $0x80  }
0x10d: {  	[sflag:s9] =	ssyncset.done $0x0  }
0x10e: {  	[sflag:s9] =	ssyncadd.s32 $0xFFFFFF80  }
0x10f: {  	_ =	swait.ge [sflag:s20], $0x1000  }
0x110: {  	[sflag:s20] =	ssyncset.done $0x0  }
0x111: {  	s31 =	simm.s32 $0x200;
	[sflag:s20] =	ssyncadd.s32 $0xFFFFF000  }
0x112: {  	[tilespmem:s13], [sflag:$0x2] =	stream.indirect.gather [hbm4b:s5+s11], $0x20, s31, s11, $0xb8;
	[tilespmem:$0x12680] =	vst v63  }
0x113: {  	_ =	swait.ge [sflag:s21], $0x1000  }
0x114: {  	[sflag:s21] =	ssyncset.done $0x0  }
0x115: {  	[sflag:s21] =	ssyncadd.s32 $0xFFFFF000  }
0x116: {  	[spmem:s2] =	stream.indirect.scatter.add.bf16 [tilespmem:s14], [sflag:$0x6], $0x20, s22, s11, $0xb8;
	[tilespmem:$0x12680] =	vst v63  }
0x117: {  	_ = 	snop  }
0x118: {  	[spmem:s3] =	stream.indirect.scatter.add.f32 [tilespmem:s16], [sflag:$0x7], $0x1, s22, s11, $0xb8;
	[tilespmem:$0x12680] =	vst v63  }
0x119: {  	_ =	swait.ge [sflag:s9], $0x80  }
0x11a: {  	[sflag:s9] =	ssyncset.done $0x0  }
0x11b: {  	[sflag:s9] =	ssyncadd.s32 $0xFFFFFF80  }
0x11c: {  	_ =	swait.ge [sflag:s23], $0x1000  }
0x11d: {  	[sflag:s23] =	ssyncset.done $0x0  }
0x11e: {  	s30 =	simm.s32 $0x280;
	[sflag:s23] =	ssyncadd.s32 $0xFFFFF000  }
0x11f: {  	[tilespmem:s14], [sflag:$0x3] =	stream.indirect.gather [hbm4b:s5+s11], $0x20, s30, s11, $0xb8;
	[tilespmem:$0x12680] =	vst v63  }
0x120: {  	_ =	swait.ge [sflag:s15], $0x1000  }
0x121: {  	[sflag:s15] =	ssyncset.done $0x0  }
0x122: {  	s30 =	simm.s32 $0x5000;
	[sflag:s15] =	ssyncadd.s32 $0xFFFFF000  }
0x123: {  	[spmem:s2] =	stream.indirect.scatter.add.bf16 [tilespmem:s12], [sflag:$0x4], $0x20, s30, s11, $0xb8;
	[tilespmem:$0x12680] =	vst v63  }
0x124: {  	_ = 	snop  }
0x125: {  	[spmem:s3] =	stream.indirect.scatter.add.f32 [tilespmem:s16], [sflag:$0x7], $0x1, s30, s11, $0xb8;
	[tilespmem:$0x12680] =	vst v63  }
0x126: {  	_ =	swait.ge [sflag:s9], $0x80  }
0x127: {  	[sflag:s9] =	ssyncset.done $0x0  }
0x128: {  	[sflag:s9] =	ssyncadd.s32 $0xFFFFFF80  }
0x129: {  	_ =	swait.ge [sflag:s17], $0x1000  }
0x12a: {  	[sflag:s17] =	ssyncset.done $0x0  }
0x12b: {  	s30 =	simm.s32 $0x300;
	[sflag:s17] =	ssyncadd.s32 $0xFFFFF000  }
0x12c: {  	[tilespmem:s12], [sflag:$0x1] =	stream.indirect.gather [hbm4b:s5+s11], $0x20, s30, s11, $0xb8;
	[tilespmem:$0x12680] =	vst v63  }
0x12d: {  	_ =	swait.ge [sflag:s18], $0x1000  }
0x12e: {  	[sflag:s18] =	ssyncset.done $0x0  }
0x12f: {  	s30 =	simm.s32 $0x5080;
	[sflag:s18] =	ssyncadd.s32 $0xFFFFF000  }
0x130: {  	[spmem:s2] =	stream.indirect.scatter.add.bf16 [tilespmem:s13], [sflag:$0x5], $0x20, s30, s11, $0xb8;
	[tilespmem:$0x12680] =	vst v63  }
0x131: {  	_ = 	snop  }
0x132: {  	[spmem:s3] =	stream.indirect.scatter.add.f32 [tilespmem:s16], [sflag:$0x7], $0x1, s30, s11, $0xb8;
	[tilespmem:$0x12680] =	vst v63  }
0x133: {  	_ =	swait.ge [sflag:s9], $0x80  }
0x134: {  	[sflag:s9] =	ssyncset.done $0x0  }
0x135: {  	[sflag:s9] =	ssyncadd.s32 $0xFFFFFF80  }
0x136: {  	_ =	swait.ge [sflag:s20], $0x1000  }
0x137: {  	[sflag:s20] =	ssyncset.done $0x0  }
0x138: {  	s30 =	simm.s32 $0x380;
	[sflag:s20] =	ssyncadd.s32 $0xFFFFF000  }
0x139: {  	[tilespmem:s13], [sflag:$0x2] =	stream.indirect.gather [hbm4b:s5+s11], $0x20, s30, s11, $0xb8;
	[tilespmem:$0x12680] =	vst v63  }
0x13a: {  	_ =	swait.ge [sflag:s21], $0x1000  }
0x13b: {  	[sflag:s21] =	ssyncset.done $0x0  }
0x13c: {  	s30 =	simm.s32 $0x5100;
	[sflag:s21] =	ssyncadd.s32 $0xFFFFF000  }
0x13d: {  	[spmem:s2] =	stream.indirect.scatter.add.bf16 [tilespmem:s14], [sflag:$0x6], $0x20, s30, s11, $0xb8;
	[tilespmem:$0x12680] =	vst v63  }
0x13e: {  	_ = 	snop  }
0x13f: {  	[spmem:s3] =	stream.indirect.scatter.add.f32 [tilespmem:s16], [sflag:$0x7], $0x1, s30, s11, $0xb8;
	[tilespmem:$0x12680] =	vst v63  }
0x140: {  	_ =	swait.ge [sflag:s9], $0x80  }
0x141: {  	s30 =	simm.s32 $0x600;
	[sflag:s9] =	ssyncset.done $0x0  }
.LBB2_2:
0x142: {  	p0 =	sne.s32 s30, $0x12600  }
0x143: {  	[sflag:s9] =	ssyncadd.s32 $0xFFFFFF80;
	s31 =	smov.u32 s30;
	s30 =	sadd.s32 $0x600, s30  }
0x144: {  	_ = 	snop  }
0x145: {  	_ =	swait.ge [sflag:s23], $0x1000  }
0x146: {  	s31 =	sshra.s32 s31, $0x2;
	[sflag:s23] =	ssyncset.done $0x0  }
0x147: {  	s1 =	sadd.s32 $0x280, s31;
	[sflag:s23] =	ssyncadd.s32 $0xFFFFF000  }
0x148: {  	[tilespmem:s14], [sflag:$0x3] =	stream.indirect.gather [hbm4b:s5+s11], $0x20, s1, s11, $0xb8;
	[tilespmem:$0x12680] =	vst v63  }
0x149: {  	_ =	swait.ge [sflag:s15], $0x1000  }
0x14a: {  	[sflag:s15] =	ssyncset.done $0x0  }
0x14b: {  	s1 =	sadd.s32 $0x5000, s31;
	[sflag:s15] =	ssyncadd.s32 $0xFFFFF000  }
0x14c: {  	[spmem:s2] =	stream.indirect.scatter.add.bf16 [tilespmem:s12], [sflag:$0x4], $0x20, s1, s11, $0xb8;
	[tilespmem:$0x12680] =	vst v63  }
0x14d: {  	_ = 	snop  }
0x14e: {  	[spmem:s3] =	stream.indirect.scatter.add.f32 [tilespmem:s16], [sflag:$0x7], $0x1, s1, s11, $0xb8;
	[tilespmem:$0x12680] =	vst v63  }
0x14f: {  	_ =	swait.ge [sflag:s9], $0x80  }
0x150: {  	[sflag:s9] =	ssyncset.done $0x0  }
0x151: {  	[sflag:s9] =	ssyncadd.s32 $0xFFFFFF80  }
0x152: {  	_ =	swait.ge [sflag:s17], $0x1000  }
0x153: {  	[sflag:s17] =	ssyncset.done $0x0  }
0x154: {  	s1 =	sadd.s32 $0x300, s31;
	[sflag:s17] =	ssyncadd.s32 $0xFFFFF000  }
0x155: {  	[tilespmem:s12], [sflag:$0x1] =	stream.indirect.gather [hbm4b:s5+s11], $0x20, s1, s11, $0xb8;
	[tilespmem:$0x12680] =	vst v63  }
0x156: {  	_ =	swait.ge [sflag:s18], $0x1000  }
0x157: {  	[sflag:s18] =	ssyncset.done $0x0  }
0x158: {  	s1 =	sadd.s32 $0x5080, s31;
	[sflag:s18] =	ssyncadd.s32 $0xFFFFF000  }
0x159: {  	[spmem:s2] =	stream.indirect.scatter.add.bf16 [tilespmem:s13], [sflag:$0x5], $0x20, s1, s11, $0xb8;
	[tilespmem:$0x12680] =	vst v63  }
0x15a: {  	_ = 	snop  }
0x15b: {  	[spmem:s3] =	stream.indirect.scatter.add.f32 [tilespmem:s16], [sflag:$0x7], $0x1, s1, s11, $0xb8;
	[tilespmem:$0x12680] =	vst v63  }
0x15c: {  	_ =	swait.ge [sflag:s9], $0x80  }
0x15d: {  	[sflag:s9] =	ssyncset.done $0x0  }
0x15e: {  	[sflag:s9] =	ssyncadd.s32 $0xFFFFFF80  }
0x15f: {  	_ =	swait.ge [sflag:s20], $0x1000  }
0x160: {  	[sflag:s20] =	ssyncset.done $0x0  }
0x161: {  	s1 =	sadd.s32 $0x380, s31;
	[sflag:s20] =	ssyncadd.s32 $0xFFFFF000  }
0x162: {  	[tilespmem:s13], [sflag:$0x2] =	stream.indirect.gather [hbm4b:s5+s11], $0x20, s1, s11, $0xb8;
	[tilespmem:$0x12680] =	vst v63  }
0x163: {  	_ =	swait.ge [sflag:s21], $0x1000  }
0x164: {  	[sflag:s21] =	ssyncset.done $0x0  }
0x165: {  	s1 =	sadd.s32 $0x5100, s31;
	[sflag:s21] =	ssyncadd.s32 $0xFFFFF000  }
0x166: {  	[spmem:s2] =	stream.indirect.scatter.add.bf16 [tilespmem:s14], [sflag:$0x6], $0x20, s1, s11, $0xb8;
	[tilespmem:$0x12680] =	vst v63  }
.Ltmp0:
0x167: {  	_ = 	snop;
	(pc) =	sbr.rel @p0 .LBB2_2-.Ltmp0, $4  }
0x168: {  	_ = 	snop  }
0x169: {  	[spmem:s3] =	stream.indirect.scatter.add.f32 [tilespmem:s16], [sflag:$0x7], $0x1, s1, s11, $0xb8;
	[tilespmem:$0x12680] =	vst v63  }
0x16a: {  	_ =	swait.ge [sflag:s9], $0x80  }
0x16b: {  	[sflag:s9] =	ssyncset.done $0x0  }
0x16c: {  	[sflag:s9] =	ssyncadd.s32 $0xFFFFFF80  }
0x16d: {  	_ =	swait.ge [sflag:s23], $0x1000  }
0x16e: {  	[sflag:s23] =	ssyncset.done $0x0  }
0x16f: {  	s1 =	simm.s32 $0x4D80;
	[sflag:s23] =	ssyncadd.s32 $0xFFFFF000  }
0x170: {  	[tilespmem:s14], [sflag:$0x3] =	stream.indirect.gather [hbm4b:s5+s11], $0x20, s1, s11, $0xb8;
	[tilespmem:$0x12680] =	vst v63  }
0x171: {  	_ =	swait.ge [sflag:s15], $0x1000  }
0x172: {  	[sflag:s15] =	ssyncset.done $0x0  }
0x173: {  	[sflag:s15] =	ssyncadd.s32 $0xFFFFF000  }
0x174: {  	[spmem:s2] =	stream.indirect.scatter.add.bf16 [tilespmem:s12], [sflag:$0x4], $0x20, s24, s11, $0xb8;
	[tilespmem:$0x12680] =	vst v63  }
0x175: {  	_ = 	snop  }
0x176: {  	[spmem:s3] =	stream.indirect.scatter.add.f32 [tilespmem:s16], [sflag:$0x7], $0x1, s24, s11, $0xb8;
	[tilespmem:$0x12680] =	vst v63  }
0x177: {  	_ =	swait.ge [sflag:s9], $0x80  }
0x178: {  	[sflag:s9] =	ssyncset.done $0x0  }
0x179: {  	[sflag:s9] =	ssyncadd.s32 $0xFFFFFF80  }
0x17a: {  	_ =	swait.ge [sflag:s17], $0x1000  }
0x17b: {  	[sflag:s17] =	ssyncset.done $0x0  }
0x17c: {  	s31 =	simm.s32 $0x4E00;
	[sflag:s17] =	ssyncadd.s32 $0xFFFFF000  }
0x17d: {  	[tilespmem:s12], [sflag:$0x1] =	stream.indirect.gather [hbm4b:s5+s11], $0x20, s31, s11, $0xb8;
	[tilespmem:$0x12680] =	vst v63  }
0x17e: {  	_ =	swait.ge [sflag:s18], $0x1000  }
0x17f: {  	[sflag:s18] =	ssyncset.done $0x0  }
0x180: {  	[sflag:s18] =	ssyncadd.s32 $0xFFFFF000  }
0x181: {  	[spmem:s2] =	stream.indirect.scatter.add.bf16 [tilespmem:s13], [sflag:$0x5], $0x20, s25, s11, $0xb8;
	[tilespmem:$0x12680] =	vst v63  }
0x182: {  	_ = 	snop  }
0x183: {  	[spmem:s3] =	stream.indirect.scatter.add.f32 [tilespmem:s16], [sflag:$0x7], $0x1, s25, s11, $0xb8;
	[tilespmem:$0x12680] =	vst v63  }
0x184: {  	_ =	swait.ge [sflag:s9], $0x80  }
0x185: {  	[sflag:s9] =	ssyncset.done $0x0  }
0x186: {  	[sflag:s9] =	ssyncadd.s32 $0xFFFFFF80  }
0x187: {  	_ =	swait.ge [sflag:s21], $0x1000  }
0x188: {  	[sflag:s21] =	ssyncset.done $0x0  }
0x189: {  	[sflag:s21] =	ssyncadd.s32 $0xFFFFF000  }
0x18a: {  	[spmem:s2] =	stream.indirect.scatter.add.bf16 [tilespmem:s14], [sflag:$0x6], $0x20, s26, s11, $0xb8;
	[tilespmem:$0x12680] =	vst v63  }
0x18b: {  	_ = 	snop  }
0x18c: {  	[spmem:s3] =	stream.indirect.scatter.add.f32 [tilespmem:s16], [sflag:$0x7], $0x1, s26, s11, $0xb8;
	[tilespmem:$0x12680] =	vst v63  }
0x18d: {  	_ =	swait.ge [sflag:s9], $0x80  }
0x18e: {  	[sflag:s9] =	ssyncset.done $0x0  }
0x18f: {  	[sflag:s9] =	ssyncadd.s32 $0xFFFFFF80  }
0x190: {  	_ =	swait.ge [sflag:s15], $0x1000  }
0x191: {  	[sflag:s15] =	ssyncset.done $0x0  }
0x192: {  	[sflag:s15] =	ssyncadd.s32 $0xFFFFF000  }
0x193: {  	[spmem:s2] =	stream.indirect.scatter.add.bf16 [tilespmem:s12], [sflag:$0x4], $0x20, s28, s11, $0xb8;
	[tilespmem:$0x12680] =	vst v63  }
0x194: {  	_ = 	snop  }
0x195: {  	[spmem:s3] =	stream.indirect.scatter.add.f32 [tilespmem:s16], [sflag:$0x7], $0x1, s28, s11, $0xb8;
	[tilespmem:$0x12680] =	vst v63  }
0x196: {  	_ =	swait.ge [sflag:s9], $0x80  }
0x197: {  	[sflag:s9] =	ssyncset.done $0x0  }
0x198: {  	[sflag:s9] =	ssyncadd.s32 $0xFFFFFF80  }
0x199: {  	_ =	swait.ge [sflag:s20], $0x1000  }
0x19a: {  	[sflag:s20] =	ssyncset.done $0x0  }
0x19b: {  	[sflag:s20] =	ssyncadd.s32 $0xFFFFF000  }
0x19c: {  	_ =	swait.ge [sflag:s23], $0x1000  }
0x19d: {  	[sflag:s23] =	ssyncset.done $0x0  }
0x19e: {  	[sflag:s23] =	ssyncadd.s32 $0xFFFFF000  }
0x19f: {  	_ =	swait.ge [sflag:s17], $0x1000  }
0x1a0: {  	[sflag:s17] =	ssyncset.done $0x0  }
0x1a1: {  	[sflag:s17] =	ssyncadd.s32 $0xFFFFF000  }
0x1a2: {  	s30 =	stileid.u32;
	[bflag:$0x0] =	sbarrier.arrive $0xFFFF  }
0x1a3: {  	s1 =	sshll.u32 s30, $0x6;
	s30 =	rddreg [dreg:$0x7]  }
0x1a4: {  	s1 =	sor.u32 $0x1C07, s1;
	s31 =	rddreg [dreg:$0x16]  }
0x1a5: {  	[hbm:s30], [sflag:s1] =	dma.local [spmem:s31], $0xA00  }
0x1a6: {  	_ =	swait.ge [sflag:s9], $0xA00  }
0x1a7: {  	[sflag:s9] =	ssyncset.done $0x0  }
0x1a8: {  	s30 =	sshrl.u32 s7, $0x3;
	s31 =	rddreg [dreg:$0x8];
	[sflag:s9] =	ssyncadd.s32 $0xFFFFF600  }
0x1a9: {  	[hbm:s31], [sflag:s1] =	dma.local [spmem:s30], $0x50  }
0x1aa: {  	_ =	swait.ge [sflag:s9], $0x50  }
0x1ab: {  	s29 =	sadd.s32 $0x1, s29;
	s31 =	rddreg [dreg:$0x9]  }
0x1ac: {  	p0 =	sne.s32 s29, s31  }
.Ltmp1:
0x1ad: {  	_ = 	snop;
	(pc) =	sbr.rel @p0 .LBB2_1-.Ltmp1, $3  }
0x1ae: {  	_ =	sdelay $0x1  }
0x1af: {  	[sflag:s9] =	ssyncset.done $0x0  }
0x1b0: {  	[sflag:s9] =	ssyncadd.s32 $0xFFFFFFB0  }
0x1b1: {  	_ =	sfence.sel $0x180000  }
0x1b2: {  	[bflag:$0x0] =	sbarrier.arrive $0xFFFF  }
0x1b3: {  	_ =	strace $0x90000047  }
0x1b4: {  	s0 =	stileid.u32;
	[bflag:$0x2] =	sbarrier.arrive $0xFFFF  }
0x1b5: {  	p0 =	sne.s32 s0, $0x0;
	s0 =	rddreg [dreg:$0x4]  }
0x1b6: {  	s0 =	sadd.s32 @!p0 $0x100000, s0  }
0x1b7: {  	[sflag:s0] =	ssyncadd.tile.s32 @!p0 $0x1;
	_ =	shalt  }
.Lfunc_end2:
_tile_overlayer_lowered:
.L_overlay_start_2:
0x1b8: {  	(tag) =	ssettag $0x2  }
0x1b9: {  	s0 =	rddreg [dreg:$0x0];
	s2 =	stileid.u32  }
0x1ba: {  	s1 =	rddreg [dreg:$0x1];
	p0 =	sne.s32 s2, $0x0  }
0x1bb: {  	s3 =	rddreg [dreg:$0x2];
	[bflag:$0x3] =	sbarrier.arrive $0xFFFF;
	s2 =	simm.s32 @!p0 $0x1C07  }
0x1bc: {  	[timem:s3], [sflag:s2] =	dma.local @!p0 [hbm:s0], s1  }
0x1bd: {  	s0 =	simm.s32 @!p0 $0x7  }
0x1be: {  	_ =	swait.ge @!p0 [sflag:s0], s1  }
0x1bf: {  	s1 =	ssub.s32 @!p0 $0x0, s1;
	[sflag:s0] =	ssyncset.done @!p0 $0x0  }
0x1c0: {  	[sflag:s0] =	ssyncadd.s32 @!p0 s1  }
0x1c1: {  	[bflag:$0x3] =	sbarrier.arrive $0xFFFF  }
0x1c2: {  	_ =	shalt  }

// kernel: kernel.9.cloned.1.call-start
scs
__scs_entry_jumppad:
0x0: {  	(pc) =	sbr.rel $0x88, $3  }
0x1: {  	(tag) =	ssettag $0x0;
	lr =	simm.s32 $0x1  }
0x2: {  	[smem:$0x3F99] =	sst lr;
	_ =	strace $0xD0000000  }
0x3: {  	_ = 	snop  }
0x4: {  	_ = 	snop  }
0x5: {  	_ = 	snop  }
0x6: {  	_ = 	snop  }
0x7: {  	_ = 	snop  }
__scs_overlays_trampoline_lowered:
0x8: {  	[smem:$0x3FA8] =	sst s0  }
0x9: {  	[smem:$0x3FA9] =	sst s1  }
0xa: {  	[smem:$0x3FAA] =	sst s2  }
0xb: {  	[smem:$0x3FAB] =	sst s3  }
0xc: {  	[smem:$0x3FAC] =	sst s4  }
0xd: {  	[smem:$0x3FAD] =	sst s5  }
0xe: {  	[smem:$0x3FAE] =	sst s6  }
0xf: {  	[smem:$0x3FAF] =	sst s7  }
0x10: {  	[smem:$0x3FB0] =	sst s8  }
0x11: {  	[smem:$0x3FB1] =	sst s9;
	s0 =	simm.s32 @!p0 $0x0  }
0x12: {  	s1 =	sld [smem:$0x3F97];
	s0 =	simm.s32 @p0 $0x1  }
0x13: {  	[smem:$0x3FB2] =	sst s0;
	s0 =	simm.s32 @!p1 $0x0  }
0x14: {  	s2 =	sld [smem:$0x3F96];
	s0 =	simm.s32 @p1 $0x1  }
0x15: {  	[smem:$0x3FB3] =	sst s0;
	s0 =	simm.s32 @!p2 $0x0  }
0x16: {  	s3 =	sld [smem:$0x3FDB];
	s0 =	simm.s32 @p2 $0x1  }
0x17: {  	s4 =	simm.s32 $0x1BF5;
	[smem:$0x3FB5] =	sst s0  }
0x18: {  	s0 =	sld [smem:$0x3F98];
	_ =	swait.ge [sflag:s4], $0x0  }
0x19: {  	s7 =	sld [smem:$0x3F99]  }
0x1a: {  	s8 =	sadd.s32 $0xFFFFE003, lr  }
0x1b: {  	s9 =	sadd.s32 $0xFFFFFEF7, lr;
	s5 =	simm.s32 $0xFFFFFFFF;
	p2 =	slt.u32 s8, $0xFFFFF086  }
0x1c: {  	p1 =	slt.u32 s9, $0xF7A;
	s5 =	simm.s32 @!p2 $0x0  }
0x1d: {  	s5 =	simm.s32 @p1 $0x1;
	p0 =	seq.s32 s7, s2  }
0x1e: {  	s7 =	smul.u32 @!p0 $0xF7A, s2;
	p2 =	seq.s32 @!p0 s5, $0x0  }
0x1f: {  	s9 =	smul.u32 $0xF7A, s1;
	s8 =	simm.s32 @!p0 $0x1BF5;
	p2 =	por !p2, p0  }
0x20: {  	[sflag:s8] =	ssyncset.s32 @!p0 $0xFFFFF086;
	s6 =	sadd.s32 @!p0 s3, s7;
	s7 =	simm.s32 @!p0 $0x108  }
0x21: {  	s3 =	sadd.s32 s3, s9;
	s6 =	sadd.s32 @!p0 $0x88, s6;
	s7 =	simm.s32 @p2 $0x1082  }
0x22: {  	[simem:s7], [sflag:s8] =	dma.local @!p0 [hbm:s6], $0xF7A  }
0x23: {  	s9 =	sor.u32 $0xD0000000, s2;
	s6 =	simm.s32 $0x108;
	_ =	swait.ge @!p0 [sflag:s8], $0x0  }
0x24: {  	s3 =	sadd.s32 $0x88, s3;
	s6 =	simm.s32 @!p1 $0x1082;
	[sflag:s4] =	ssyncset.s32 $0xFFFFF086  }
0x25: {  	[simem:s6], [sflag:s4] =	dma.local [hbm:s3], $0xF7A  }
0x26: {  	[smem:$0x3F99] =	sst s1;
	(tag) =	ssettag s2;
	_ =	strace s9  }
0x27: {  	s1 =	sld [smem:$0x3FA9]  }
0x28: {  	s2 =	sld [smem:$0x3FAA]  }
0x29: {  	s4 =	sld [smem:$0x3FAC]  }
0x2a: {  	p0 =	seq.s32 s5, $0x0;
	s5 =	sld [smem:$0x3FAD]  }
0x2b: {  	s6 =	sld [smem:$0x3FAE]  }
0x2c: {  	s7 =	sld [smem:$0x3FAF]  }
0x2d: {  	s3 =	simm.s32 $0x108;
	s8 =	sld [smem:$0x3FB0]  }
0x2e: {  	s3 =	simm.s32 @!p0 $0x1082;
	s9 =	sld [smem:$0x3FB1]  }
0x2f: {  	lr =	sadd.s32 s0, s3;
	s0 =	sld [smem:$0x3FA8]  }
0x30: {  	s3 =	sld [smem:$0x3FAB]  }
0x31: {  	[smem:$0x3FB4] =	sst s10  }
0x32: {  	s10 =	sld [smem:$0x3FB2];
	_ =	sdelay $0x3  }
0x33: {  	p0 =	seq.s32 s10, $0x1;
	s10 =	sld [smem:$0x3FB4];
	_ =	sdelay $0x3  }
0x34: {  	[smem:$0x3FB4] =	sst s10  }
0x35: {  	s10 =	sld [smem:$0x3FB3];
	_ =	sdelay $0x3  }
0x36: {  	p1 =	seq.s32 s10, $0x1;
	s10 =	sld [smem:$0x3FB4];
	_ =	sdelay $0x3  }
0x37: {  	[smem:$0x3FB4] =	sst s10  }
0x38: {  	s10 =	sld [smem:$0x3FB5]  }
0x39: {  	_ = 	snop;
	(pc) =	sbr.ind lr, $3  }
0x3a: {  	_ = 	snop  }
0x3b: {  	_ = 	snop  }
0x3c: {  	p2 =	seq.s32 s10, $0x1;
	s10 =	sld [smem:$0x3FB4]  }
0x3d: {  	_ =	shalt  }
0x3e: {  	_ =	shalt  }
0x3f: {  	_ =	shalt  }
0x40: {  	_ =	shalt  }
0x41: {  	_ =	shalt  }
0x42: {  	_ =	shalt  }
0x43: {  	_ =	shalt  }
0x44: {  	_ =	shalt  }
0x45: {  	_ =	shalt  }
0x46: {  	_ =	shalt  }
0x47: {  	_ =	shalt  }
0x48: {  	_ =	shalt  }
0x49: {  	_ =	shalt  }
0x4a: {  	_ =	shalt  }
0x4b: {  	_ =	shalt  }
0x4c: {  	_ =	shalt  }
0x4d: {  	_ =	shalt  }
0x4e: {  	_ =	shalt  }
0x4f: {  	_ =	shalt  }
0x50: {  	_ =	shalt  }
0x51: {  	_ =	shalt  }
0x52: {  	_ =	shalt  }
0x53: {  	_ =	shalt  }
0x54: {  	_ =	shalt  }
0x55: {  	_ =	shalt  }
0x56: {  	_ =	shalt  }
0x57: {  	_ =	shalt  }
0x58: {  	_ =	shalt  }
0x59: {  	_ =	shalt  }
0x5a: {  	_ =	shalt  }
0x5b: {  	_ =	shalt  }
0x5c: {  	_ =	shalt  }
0x5d: {  	_ =	shalt  }
0x5e: {  	_ =	shalt  }
0x5f: {  	_ =	shalt  }
0x60: {  	_ =	shalt  }
0x61: {  	_ =	shalt  }
0x62: {  	_ =	shalt  }
0x63: {  	_ =	shalt  }
0x64: {  	_ =	shalt  }
0x65: {  	_ =	shalt  }
0x66: {  	_ =	shalt  }
0x67: {  	_ =	shalt  }
0x68: {  	_ =	shalt  }
0x69: {  	_ =	shalt  }
0x6a: {  	_ =	shalt  }
0x6b: {  	_ =	shalt  }
0x6c: {  	_ =	shalt  }
0x6d: {  	_ =	shalt  }
0x6e: {  	_ =	shalt  }
0x6f: {  	_ =	shalt  }
0x70: {  	_ =	shalt  }
0x71: {  	_ =	shalt  }
0x72: {  	_ =	shalt  }
0x73: {  	_ =	shalt  }
0x74: {  	_ =	shalt  }
0x75: {  	_ =	shalt  }
0x76: {  	_ =	shalt  }
0x77: {  	_ =	shalt  }
0x78: {  	_ =	shalt  }
0x79: {  	_ =	shalt  }
0x7a: {  	_ =	shalt  }
0x7b: {  	_ =	shalt  }
0x7c: {  	_ =	shalt  }
0x7d: {  	_ =	shalt  }
0x7e: {  	_ =	shalt  }
0x7f: {  	_ =	shalt  }
0x80: {  	_ =	shalt  }
0x81: {  	_ =	shalt  }
0x82: {  	_ =	shalt  }
0x83: {  	_ =	shalt  }
0x84: {  	_ =	shalt  }
0x85: {  	_ =	shalt  }
0x86: {  	_ =	shalt  }
0x87: {  	_ =	shalt  }
.Lfunc_end0:
.L_simem_size_0:
called_computation.1_lowered:
.L_overlay_start_0:
0x88: {  	s2 =	sld [smem:$0x3FD9]  }
0x89: {  	s3 =	sld [smem:$0x3FFE];
	_ =	sdelay $0x1  }
0x8a: {  	s1 =	srdreg.scid  }
0x8b: {  	s0 =	sand.u32 $0x1, s1  }
0x8c: {  	s17 =	sshll.u32 s0, $0xA;
	s2 =	sadd.s32 s3, s2  }
0x8d: {  	s2 =	sadd.s32 s2, s17  }
0x8e: {  	[smem:$0x3FC0] =	sst s2  }
0x8f: {  	_ = 	snop  }
0x90: {  	s2 =	sld [smem:$0x3FD0];
	(tm) =	ssettm $0x1  }
0x91: {  	s18 =	sld [smem:$0x3FFB];
	_ =	sdelay $0x3  }
0x92: {  	_ =	strace s18  }
0x93: {  	s3 =	sld [smem:$0x3FFC];
	_ =	sdelay $0x3  }
0x94: {  	_ =	strace s3  }
0x95: {  	s3 =	sld [smem:$0x3FFD];
	_ =	sdelay $0x3  }
0x96: {  	_ =	strace s3  }
0x97: {  	_ =	strace $0x8FFFFFFF  }
0x98: {  	s19 =	sld [smem:$0x3FDB];
	_ =	sdelay $0x1  }
0x99: {  	s4 =	simm.s32 $_scs_section_size  }
0x9a: {  	s5 =	simm.s32 $_size__tile_overlayer_lowered;
	s6 =	simm.s32 $_tile_overlayer_lowered  }
0x9b: {  	s22 =	simm.s32 $0x1BFF;
	s21 =	sshll.u32 s6, $0x1;
	s3 =	sadd.s32 s4, s19  }
0x9c: {  	s7 =	simm.s32 $0x0;
	s20 =	sshll.u32 s5, $0x1;
	s5 =	sadd.s32 s21, s3  }
0x9d: {  	[timem:s7], [sflag:s22] =	dma.local [hbm:s5], s20  }
0x9e: {  	_ =	swait.ge [sflag:s22], s20  }
0x9f: {  	s4 =	ssub.s32 $0x0, s20;
	[sflag:s22] =	ssyncset.done $0x0  }
0xa0: {  	[sflag:s22] =	ssyncadd.s32 s4;
	_ =	sdelay $0x1  }
0xa1: {  	s23 =	simm.s32 $0x1B8B  }
0xa2: {  	_ =	swait.ge [sflag:s23], $0x1  }
0xa3: {  	[sflag:s23] =	ssyncset.done $0x0  }
0xa4: {  	s25 =	simm.s32 $0x1B8E;
	s24 =	sld [smem:$0x3FFE];
	[sflag:s23] =	ssyncadd.s32 $0xFFFFFFFF  }
0xa5: {  	s26 =	simm.s32 $execute0_lowered;
	[smem:$0x3FD2] =	sst s25  }
0xa6: {  	s5 =	sshll.u32 s26, $0x1;
	_ =	strace $0x80000049;
	[dreg:$0x1] =	wrdreg $0xFFFFFFFF  }
0xa7: {  	s28 =	simm.s32 $_size_execute0_lowered;
	s3 =	sadd.s32 s3, s5;
	[dreg:$0x0] =	wrdreg $0x0  }
0xa8: {  	s5 =	sshll.u32 s28, $0x1;
	[dreg:$0x2] =	wrdreg s3  }
0xa9: {  	[dreg:$0x3] =	wrdreg s5  }
0xaa: {  	[dreg:$0x4] =	wrdreg $0xC0  }
0xab: {  	_ =	task [dreg:s7], $0x5FFFF  }
0xac: {  	[dreg:$0x1] =	wrdreg $0xFFFFFFFF  }
0xad: {  	[dreg:$0x0] =	wrdreg $0x60  }
0xae: {  	[dreg:$0x2] =	wrdreg s24  }
0xaf: {  	[dreg:$0x3] =	wrdreg s2  }
0xb0: {  	[dreg:$0x4] =	wrdreg $0xD1000  }
0xb1: {  	[dreg:$0x5] =	wrdreg $0x9  }
0xb2: {  	_ =	task.clear_ibuf [dreg:s7], $0x6FFFF;
	_ =	strace $0x90000049  }
0xb3: {  	s29 =	simm.s32 $0x9;
	_ =	strace $0x8000004B  }
0xb4: {  	_ =	swait.ge [sflag:s29], $0x1  }
0xb5: {  	[sflag:s29] =	ssyncadd.s32 $0xFFFFFFFF  }
0xb6: {  	_ =	strace $0x9000004B  }
0xb7: {  	_ =	sfence  }
0xb8: {  	s30 =	sld [smem:$0x0];
	_ =	sdelay $0x2  }
0xb9: {  	s31 =	sshll.u32 s1, $0xD;
	s1 =	sshrl.u32 s1, $0x2  }
0xba: {  	s3 =	sand.u32 $0x4000, s31;
	s1 =	sadd.s32 s1, s30  }
0xbb: {  	s0 =	sor.u32 s3, s0;
	s1 =	sshll.u32 s1, $0x11  }
0xbc: {  	s0 =	sor.u32 s1, s0  }
0xbd: {  	s0 =	sadd.s32 $0x8F2B, s0  }
0xbe: {  	[sflag:s0] =	ssyncadd.remote.s32 $0x1  }
0xbf: {  	_ =	sfence.sel $0xFFFF  }
0xc0: {  	[dreg:$0x0] =	wrdreg $0xFFFFFFFF;
	(pc) =	sbr.abs _section_cstart, $3  }
0xc1: {  	[dreg:$0x1] =	wrdreg $0xFFFFFFFF  }
0xc2: {  	_ =	task.clear_ibuf [dreg:s7], $0x2FFFF;
	_ =	strace $0x9FFFFFFF  }
0xc3: {  	(tm) =	ssettm $0x7FFFFFFF  }
tec
execute0_lowered:
.L_overlay_start_1:
0x0: {  	(tag) =	ssettag $0x1  }
0x1: {  	s0 =	srdreg.scid;
	s1 =	rddreg [dreg:$0x0]  }
0x2: {  	s11 =	stileid.u32;
	s6 =	rddreg [dreg:$0x1]  }
0x3: {  	s2 =	rddreg [dreg:$0x2];
	s4 =	smul.u32 $0x4E80, s11  }
0x4: {  	s3 =	simm.s32 $0x0;
	s31 =	simm.s32 $0xCD00;
	s12 =	smul.u32 $0x14000, s11  }
0x5: {  	s0 =	sand.u32 $0x1, s0;
	[smem:$0x7FF] =	sst s3;
	s11 =	smul.u32 $0xA000, s11  }
0x6: {  	s5 =	smul.u32 $0x4E800, s0;
	_ =	strace $0x8000004A;
	s8 =	ssub.s32 $0x2, s0  }
0x7: {  	s0 =	smul.u32 $0xA0000, s0;
	s10 =	sshrl.u32 s8, $0x1;
	s15 =	sshrl.u32 s11, $0x1  }
0x8: {  	s5 =	sadd.s32 s4, s5;
	s4 =	sshrl.u32 s4, $0x3;
	s13 =	ssub.s32 s8, s10  }
0x9: {  	s0 =	sadd.s32 s11, s0;
	s16 =	sadd.s32 s15, s2;
	s8 =	simm.s32 $0xAD00  }
0xa: {  	s10 =	simm.s32 $0x1;
	s11 =	simm.s32 $0x4;
	s15 =	simm.s32 $0x6  }
0xb: {  	s5 =	sshrl.u32 s5, $0x3;
	s9 =	sadd.s32 s4, s1;
	s4 =	sadd.s32 $0x1F600, s1  }
0xc: {  	s0 =	sshrl.u32 s0, $0x4;
	s7 =	sadd.s32 s5, s1;
	s14 =	sadd.s32 $0x1E00, s9  }
0xd: {  	s5 =	sshrl.u32 s12, $0x2;
	s0 =	sadd.s32 s6, s0;
	[dreg:$0x5] =	wrdreg s14  }
0xe: {  	s1 =	smax.u32 s13, $0x1;
	s6 =	simm.s32 $0x80;
	[dreg:$0x6] =	wrdreg s0  }
0xf: {  	s5 =	sadd.s32 s5, s2;
	s7 =	sadd.s32 $0xBC00, s7;
	[dreg:$0x7] =	wrdreg s1  }
0x10: {  	s9 =	simm.s32 $0xBD00;
	[dreg:$0x4] =	wrdreg s7;
	s17 =	sadd.s32 $0x400, s5  }
0x11: {  	s12 =	simm.s32 $0x2;
	s18 =	sadd.s32 $0x800, s5;
	[dreg:$0x8] =	wrdreg s17  }
0x12: {  	s13 =	simm.s32 $0x5;
	s19 =	sadd.s32 $0xC00, s5;
	[dreg:$0x9] =	wrdreg s18  }
0x13: {  	s1 =	simm.s32 $0x7;
	s20 =	sadd.s32 $0x1000, s5;
	[dreg:$0xa] =	wrdreg s19  }
0x14: {  	s0 =	simm.s32 $0x4E80;
	s21 =	sadd.s32 $0x1400, s5;
	[dreg:$0xb] =	wrdreg s20  }
0x15: {  	s14 =	simm.s32 $0x3;
	s22 =	sadd.s32 $0x1800, s5;
	[dreg:$0xc] =	wrdreg s21  }
0x16: {  	s23 =	sadd.s32 $0x1C00, s5;
	s24 =	sadd.s32 $0x2000, s5;
	[dreg:$0xd] =	wrdreg s22  }
0x17: {  	s25 =	sadd.s32 $0x2400, s5;
	s26 =	sadd.s32 $0x2800, s5;
	[dreg:$0xe] =	wrdreg s23  }
0x18: {  	s28 =	sadd.s32 $0x4400, s5;
	s29 =	sadd.s32 $0x4800, s5;
	[dreg:$0xf] =	wrdreg s24  }
0x19: {  	s30 =	sadd.s32 $0x4C00, s5;
	s7 =	simm.s32 $0x9D00;
	[dreg:$0x10] =	wrdreg s25  }
0x1a: {  	[dreg:$0x11] =	wrdreg s26;
	s20 =	sadd.s32 $0x2C00, s5;
	s21 =	sadd.s32 $0x3000, s5  }
0x1b: {  	s22 =	sadd.s32 $0x3400, s5;
	s23 =	sadd.s32 $0x3800, s5;
	s24 =	sadd.s32 $0x3C00, s5  }
0x1c: {  	v0 =	vimm.bf16 $0.0e+00;
	s25 =	sshrl.u32 s16, $0x3;
	s26 =	sadd.s32 $0x4000, s5;
	s16 =	simm.s32 $0x0  }
.LBB2_1:
0x1d: {  	[tilespmem:$0xCD00] =	vst v0  }
0x1e: {  	[tilespmem:$0xCD10] =	vst v0  }
0x1f: {  	[tilespmem:$0xCD20] =	vst v0  }
0x20: {  	[tilespmem:$0xCD30] =	vst v0  }
0x21: {  	[tilespmem:$0xCD40] =	vst v0  }
0x22: {  	[tilespmem:$0xCD50] =	vst v0  }
0x23: {  	[tilespmem:$0xCD60] =	vst v0  }
0x24: {  	[tilespmem:$0xCD70] =	vst v0  }
0x25: {  	[tilespmem:$0xCD80] =	vst v0  }
0x26: {  	[tilespmem:$0xCD90] =	vst v0  }
0x27: {  	[tilespmem:$0xCDA0] =	vst v0  }
0x28: {  	[tilespmem:$0xCDB0] =	vst v0  }
0x29: {  	[tilespmem:$0xCDC0] =	vst v0  }
0x2a: {  	[tilespmem:$0xCDD0] =	vst v0  }
0x2b: {  	[tilespmem:$0xCDE0] =	vst v0  }
0x2c: {  	[tilespmem:$0xCDF0] =	vst v0  }
0x2d: {  	[tilespmem:$0xCE00] =	vst v0  }
0x2e: {  	[tilespmem:$0xCE10] =	vst v0  }
0x2f: {  	[tilespmem:$0xCE20] =	vst v0  }
0x30: {  	[tilespmem:$0xCE30] =	vst v0  }
0x31: {  	[tilespmem:$0xCE40] =	vst v0  }
0x32: {  	[tilespmem:$0xCE50] =	vst v0  }
0x33: {  	[tilespmem:$0xCE60] =	vst v0  }
0x34: {  	[tilespmem:$0xCE70] =	vst v0  }
0x35: {  	[tilespmem:$0xCE80] =	vst v0  }
0x36: {  	[tilespmem:$0xCE90] =	vst v0  }
0x37: {  	[tilespmem:$0xCEA0] =	vst v0  }
0x38: {  	[tilespmem:$0xCEB0] =	vst v0  }
0x39: {  	[tilespmem:$0xCEC0] =	vst v0  }
0x3a: {  	[tilespmem:$0xCED0] =	vst v0  }
0x3b: {  	[tilespmem:$0xCEE0] =	vst v0  }
0x3c: {  	[tilespmem:$0xCEF0] =	vst v0  }
0x3d: {  	[tilespmem:$0xCF00] =	vst v0  }
0x3e: {  	[tilespmem:$0xCF10] =	vst v0  }
0x3f: {  	[tilespmem:$0xCF20] =	vst v0  }
0x40: {  	[tilespmem:$0xCF30] =	vst v0  }
0x41: {  	[tilespmem:$0xCF40] =	vst v0  }
0x42: {  	[tilespmem:$0xCF50] =	vst v0  }
0x43: {  	[tilespmem:$0xCF60] =	vst v0  }
0x44: {  	[tilespmem:$0xCF70] =	vst v0  }
0x45: {  	[tilespmem:$0xCF80] =	vst v0  }
0x46: {  	[tilespmem:$0xCF90] =	vst v0  }
0x47: {  	[tilespmem:$0xCFA0] =	vst v0  }
0x48: {  	[tilespmem:$0xCFB0] =	vst v0  }
0x49: {  	[tilespmem:$0xCFC0] =	vst v0  }
0x4a: {  	[tilespmem:$0xCFD0] =	vst v0  }
0x4b: {  	[tilespmem:$0xCFE0] =	vst v0  }
0x4c: {  	[tilespmem:$0xCFF0] =	vst v0  }
0x4d: {  	[tilespmem:$0xD000] =	vst v0  }
0x4e: {  	[tilespmem:$0xD010] =	vst v0  }
0x4f: {  	[tilespmem:$0xD020] =	vst v0  }
0x50: {  	[tilespmem:$0xD030] =	vst v0  }
0x51: {  	[tilespmem:$0xD040] =	vst v0  }
0x52: {  	[tilespmem:$0xD050] =	vst v0  }
0x53: {  	[tilespmem:$0xD060] =	vst v0  }
0x54: {  	[tilespmem:$0xD070] =	vst v0  }
0x55: {  	[tilespmem:$0xD080] =	vst v0  }
0x56: {  	[tilespmem:$0xD090] =	vst v0  }
0x57: {  	[tilespmem:$0xD0A0] =	vst v0  }
0x58: {  	[tilespmem:$0xD0B0] =	vst v0  }
0x59: {  	[tilespmem:$0xD0C0] =	vst v0  }
0x5a: {  	[tilespmem:$0xD0D0] =	vst v0  }
0x5b: {  	[tilespmem:$0xD0E0] =	vst v0  }
0x5c: {  	[tilespmem:$0xD0F0] =	vst v0  }
0x5d: {  	[spmem:s5] =	stream.linear.scatter [tilespmem:s31], [sflag:$0x7], $0x400, $0x38;
	[tilespmem:$0x12100] =	vst v63  }
0x5e: {  	_ =	swait.ge [sflag:s1], $0x400  }
0x5f: {  	[sflag:s1] =	ssyncset.done $0x0  }
0x60: {  	s17 =	rddreg [dreg:$0x8];
	[sflag:s1] =	ssyncadd.s32 $0xFFFFFC00  }
0x61: {  	[spmem:s17] =	stream.linear.scatter [tilespmem:s31], [sflag:$0x7], $0x400, $0x38;
	[tilespmem:$0x12100] =	vst v63  }
0x62: {  	_ =	swait.ge [sflag:s1], $0x400  }
0x63: {  	[sflag:s1] =	ssyncset.done $0x0  }
0x64: {  	s19 =	rddreg [dreg:$0x9];
	[sflag:s1] =	ssyncadd.s32 $0xFFFFFC00  }
0x65: {  	[spmem:s19] =	stream.linear.scatter [tilespmem:s31], [sflag:$0x7], $0x400, $0x38;
	[tilespmem:$0x12100] =	vst v63  }
0x66: {  	_ =	swait.ge [sflag:s1], $0x400  }
0x67: {  	[sflag:s1] =	ssyncset.done $0x0  }
0x68: {  	s18 =	rddreg [dreg:$0xa];
	[sflag:s1] =	ssyncadd.s32 $0xFFFFFC00  }
0x69: {  	[spmem:s18] =	stream.linear.scatter [tilespmem:s31], [sflag:$0x7], $0x400, $0x38;
	[tilespmem:$0x12100] =	vst v63  }
0x6a: {  	_ =	swait.ge [sflag:s1], $0x400  }
0x6b: {  	[sflag:s1] =	ssyncset.done $0x0  }
0x6c: {  	s19 =	rddreg [dreg:$0xb];
	[sflag:s1] =	ssyncadd.s32 $0xFFFFFC00  }
0x6d: {  	[spmem:s19] =	stream.linear.scatter [tilespmem:s31], [sflag:$0x7], $0x400, $0x38;
	[tilespmem:$0x12100] =	vst v63  }
0x6e: {  	_ =	swait.ge [sflag:s1], $0x400  }
0x6f: {  	[sflag:s1] =	ssyncset.done $0x0  }
0x70: {  	s18 =	rddreg [dreg:$0xc];
	[sflag:s1] =	ssyncadd.s32 $0xFFFFFC00  }
0x71: {  	[spmem:s18] =	stream.linear.scatter [tilespmem:s31], [sflag:$0x7], $0x400, $0x38;
	[tilespmem:$0x12100] =	vst v63  }
0x72: {  	_ =	swait.ge [sflag:s1], $0x400  }
0x73: {  	[sflag:s1] =	ssyncset.done $0x0  }
0x74: {  	s19 =	rddreg [dreg:$0xd];
	[sflag:s1] =	ssyncadd.s32 $0xFFFFFC00  }
0x75: {  	[spmem:s19] =	stream.linear.scatter [tilespmem:s31], [sflag:$0x7], $0x400, $0x38;
	[tilespmem:$0x12100] =	vst v63  }
0x76: {  	_ =	swait.ge [sflag:s1], $0x400  }
0x77: {  	[sflag:s1] =	ssyncset.done $0x0  }
0x78: {  	s18 =	rddreg [dreg:$0xe];
	[sflag:s1] =	ssyncadd.s32 $0xFFFFFC00  }
0x79: {  	[spmem:s18] =	stream.linear.scatter [tilespmem:s31], [sflag:$0x7], $0x400, $0x38;
	[tilespmem:$0x12100] =	vst v63  }
0x7a: {  	_ =	swait.ge [sflag:s1], $0x400  }
0x7b: {  	[sflag:s1] =	ssyncset.done $0x0  }
0x7c: {  	s19 =	rddreg [dreg:$0xf];
	[sflag:s1] =	ssyncadd.s32 $0xFFFFFC00  }
0x7d: {  	[spmem:s19] =	stream.linear.scatter [tilespmem:s31], [sflag:$0x7], $0x400, $0x38;
	[tilespmem:$0x12100] =	vst v63  }
0x7e: {  	_ =	swait.ge [sflag:s1], $0x400  }
0x7f: {  	[sflag:s1] =	ssyncset.done $0x0  }
0x80: {  	s18 =	rddreg [dreg:$0x10];
	[sflag:s1] =	ssyncadd.s32 $0xFFFFFC00  }
0x81: {  	[spmem:s18] =	stream.linear.scatter [tilespmem:s31], [sflag:$0x7], $0x400, $0x38;
	[tilespmem:$0x12100] =	vst v63  }
0x82: {  	_ =	swait.ge [sflag:s1], $0x400  }
0x83: {  	[sflag:s1] =	ssyncset.done $0x0  }
0x84: {  	s19 =	rddreg [dreg:$0x11];
	[sflag:s1] =	ssyncadd.s32 $0xFFFFFC00  }
0x85: {  	[spmem:s19] =	stream.linear.scatter [tilespmem:s31], [sflag:$0x7], $0x400, $0x38;
	[tilespmem:$0x12100] =	vst v63  }
0x86: {  	_ =	swait.ge [sflag:s1], $0x400  }
0x87: {  	[sflag:s1] =	ssyncset.done $0x0  }
0x88: {  	[sflag:s1] =	ssyncadd.s32 $0xFFFFFC00  }
0x89: {  	[spmem:s20] =	stream.linear.scatter [tilespmem:s31], [sflag:$0x7], $0x400, $0x38;
	[tilespmem:$0x12100] =	vst v63  }
0x8a: {  	_ =	swait.ge [sflag:s1], $0x400  }
0x8b: {  	[sflag:s1] =	ssyncset.done $0x0  }
0x8c: {  	[sflag:s1] =	ssyncadd.s32 $0xFFFFFC00  }
0x8d: {  	[spmem:s21] =	stream.linear.scatter [tilespmem:s31], [sflag:$0x7], $0x400, $0x38;
	[tilespmem:$0x12100] =	vst v63  }
0x8e: {  	_ =	swait.ge [sflag:s1], $0x400  }
0x8f: {  	[sflag:s1] =	ssyncset.done $0x0  }
0x90: {  	[sflag:s1] =	ssyncadd.s32 $0xFFFFFC00  }
0x91: {  	[spmem:s22] =	stream.linear.scatter [tilespmem:s31], [sflag:$0x7], $0x400, $0x38;
	[tilespmem:$0x12100] =	vst v63  }
0x92: {  	_ =	swait.ge [sflag:s1], $0x400  }
0x93: {  	[sflag:s1] =	ssyncset.done $0x0  }
0x94: {  	[sflag:s1] =	ssyncadd.s32 $0xFFFFFC00  }
0x95: {  	[spmem:s23] =	stream.linear.scatter [tilespmem:s31], [sflag:$0x7], $0x400, $0x38;
	[tilespmem:$0x12100] =	vst v63  }
0x96: {  	_ =	swait.ge [sflag:s1], $0x400  }
0x97: {  	[sflag:s1] =	ssyncset.done $0x0  }
0x98: {  	[sflag:s1] =	ssyncadd.s32 $0xFFFFFC00  }
0x99: {  	[spmem:s24] =	stream.linear.scatter [tilespmem:s31], [sflag:$0x7], $0x400, $0x38;
	[tilespmem:$0x12100] =	vst v63  }
0x9a: {  	_ =	swait.ge [sflag:s1], $0x400  }
0x9b: {  	[sflag:s1] =	ssyncset.done $0x0  }
0x9c: {  	[sflag:s1] =	ssyncadd.s32 $0xFFFFFC00  }
0x9d: {  	[spmem:s26] =	stream.linear.scatter [tilespmem:s31], [sflag:$0x7], $0x400, $0x38;
	[tilespmem:$0x12100] =	vst v63  }
0x9e: {  	_ =	swait.ge [sflag:s1], $0x400  }
0x9f: {  	[sflag:s1] =	ssyncset.done $0x0  }
0xa0: {  	[sflag:s1] =	ssyncadd.s32 $0xFFFFFC00  }
0xa1: {  	[spmem:s28] =	stream.linear.scatter [tilespmem:s31], [sflag:$0x7], $0x400, $0x38;
	[tilespmem:$0x12100] =	vst v63  }
0xa2: {  	_ =	swait.ge [sflag:s1], $0x400  }
0xa3: {  	[sflag:s1] =	ssyncset.done $0x0  }
0xa4: {  	[sflag:s1] =	ssyncadd.s32 $0xFFFFFC00  }
0xa5: {  	[spmem:s29] =	stream.linear.scatter [tilespmem:s31], [sflag:$0x7], $0x400, $0x38;
	[tilespmem:$0x12100] =	vst v63  }
0xa6: {  	_ =	swait.ge [sflag:s1], $0x400  }
0xa7: {  	[sflag:s1] =	ssyncset.done $0x0  }
0xa8: {  	[sflag:s1] =	ssyncadd.s32 $0xFFFFFC00  }
0xa9: {  	[spmem:s30] =	stream.linear.scatter [tilespmem:s31], [sflag:$0x7], $0x400, $0x38;
	[tilespmem:$0x12100] =	vst v63  }
0xaa: {  	_ =	swait.ge [sflag:s1], $0x400  }
0xab: {  	[sflag:s1] =	ssyncset.done $0x0  }
0xac: {  	[sflag:s1] =	ssyncadd.s32 $0xFFFFFC00  }
0xad: {  	[bflag:$0x0] =	sbarrier.arrive $0xFFFF  }
0xae: {  	s18 =	rddreg [dreg:$0x4]  }
0xaf: {  	[tilespmem:s3], [sflag:$0x7] =	stream.linear.gather [hbm4b:s18+s3], $0x4E80, $0x38;
	[tilespmem:$0x12100] =	vst v63  }
0xb0: {  	_ =	swait.ge [sflag:s1], $0x4E80  }
0xb1: {  	[sflag:s1] =	ssyncset.done $0x0  }
0xb2: {  	s19 =	rddreg [dreg:$0x5];
	[sflag:s1] =	ssyncadd.s32 $0xFFFFB180  }
0xb3: {  	[tilespmem:s0], [sflag:$0x7] =	stream.linear.gather [hbm4b:s19+s3], $0x4E80, $0x38;
	[tilespmem:$0x12100] =	vst v63  }
0xb4: {  	_ =	swait.ge [sflag:s1], $0x4E80  }
0xb5: {  	[sflag:s1] =	ssyncset.done $0x0  }
0xb6: {  	[sflag:s1] =	ssyncadd.s32 $0xFFFFB180  }
0xb7: {  	[tilespmem:s7], [sflag:$0x1] =	stream.indirect.gather [hbm4b:s4+s6], $0x20, s3, s6, $0xb8;
	[tilespmem:$0x12100] =	vst v63  }
0xb8: {  	_ = 	snop  }
0xb9: {  	[tilespmem:s8], [sflag:$0x2] =	stream.indirect.gather [hbm4b:s4+s6], $0x20, s6, s6, $0xb8;
	[tilespmem:$0x12100] =	vst v63  }
0xba: {  	s18 =	simm.s32 $0x100  }
0xbb: {  	[tilespmem:s9], [sflag:$0x3] =	stream.indirect.gather [hbm4b:s4+s6], $0x20, s18, s6, $0xb8;
	[tilespmem:$0x12100] =	vst v63  }
0xbc: {  	_ =	swait.ge [sflag:s10], $0x1000  }
0xbd: {  	[sflag:s10] =	ssyncset.done $0x0  }
0xbe: {  	[sflag:s10] =	ssyncadd.s32 $0xFFFFF000  }
0xbf: {  	[spmem:s2] =	stream.indirect.scatter.add.bf16 [tilespmem:s7], [sflag:$0x4], $0x20, s0, s6, $0xb8;
	[tilespmem:$0x12100] =	vst v63  }
0xc0: {  	_ =	swait.ge [sflag:s11], $0x1000  }
0xc1: {  	[sflag:s11] =	ssyncset.done $0x0  }
0xc2: {  	s19 =	simm.s32 $0x180;
	[sflag:s11] =	ssyncadd.s32 $0xFFFFF000  }
0xc3: {  	[tilespmem:s7], [sflag:$0x1] =	stream.indirect.gather [hbm4b:s4+s6], $0x20, s19, s6, $0xb8;
	[tilespmem:$0x12100] =	vst v63  }
0xc4: {  	_ =	swait.ge [sflag:s12], $0x1000  }
0xc5: {  	[sflag:s12] =	ssyncset.done $0x0  }
0xc6: {  	s18 =	simm.s32 $0x4F00;
	[sflag:s12] =	ssyncadd.s32 $0xFFFFF000  }
0xc7: {  	[spmem:s2] =	stream.indirect.scatter.add.bf16 [tilespmem:s8], [sflag:$0x5], $0x20, s18, s6, $0xb8;
	[tilespmem:$0x12100] =	vst v63  }
0xc8: {  	_ =	swait.ge [sflag:s13], $0x1000  }
0xc9: {  	[sflag:s13] =	ssyncset.done $0x0  }
0xca: {  	s19 =	simm.s32 $0x200;
	[sflag:s13] =	ssyncadd.s32 $0xFFFFF000  }
0xcb: {  	[tilespmem:s8], [sflag:$0x2] =	stream.indirect.gather [hbm4b:s4+s6], $0x20, s19, s6, $0xb8;
	[tilespmem:$0x12100] =	vst v63  }
0xcc: {  	_ =	swait.ge [sflag:s14], $0x1000  }
0xcd: {  	[sflag:s14] =	ssyncset.done $0x0  }
0xce: {  	s18 =	simm.s32 $0x4F80;
	[sflag:s14] =	ssyncadd.s32 $0xFFFFF000  }
0xcf: {  	[spmem:s2] =	stream.indirect.scatter.add.bf16 [tilespmem:s9], [sflag:$0x6], $0x20, s18, s6, $0xb8;
	[tilespmem:$0x12100] =	vst v63  }
0xd0: {  	_ =	swait.ge [sflag:s15], $0x1000  }
0xd1: {  	[sflag:s15] =	ssyncset.done $0x0  }
0xd2: {  	s19 =	simm.s32 $0x280;
	[sflag:s15] =	ssyncadd.s32 $0xFFFFF000  }
0xd3: {  	[tilespmem:s9], [sflag:$0x3] =	stream.indirect.gather [hbm4b:s4+s6], $0x20, s19, s6, $0xb8;
	[tilespmem:$0x12100] =	vst v63  }
0xd4: {  	_ =	swait.ge [sflag:s10], $0x1000  }
0xd5: {  	[sflag:s10] =	ssyncset.done $0x0  }
0xd6: {  	s18 =	simm.s32 $0x5000;
	[sflag:s10] =	ssyncadd.s32 $0xFFFFF000  }
0xd7: {  	[spmem:s2] =	stream.indirect.scatter.add.bf16 [tilespmem:s7], [sflag:$0x4], $0x20, s18, s6, $0xb8;
	[tilespmem:$0x12100] =	vst v63  }
0xd8: {  	_ =	swait.ge [sflag:s11], $0x1000  }
0xd9: {  	[sflag:s11] =	ssyncset.done $0x0  }
0xda: {  	s19 =	simm.s32 $0x300;
	[sflag:s11] =	ssyncadd.s32 $0xFFFFF000  }
0xdb: {  	[tilespmem:s7], [sflag:$0x1] =	stream.indirect.gather [hbm4b:s4+s6], $0x20, s19, s6, $0xb8;
	[tilespmem:$0x12100] =	vst v63  }
0xdc: {  	_ =	swait.ge [sflag:s12], $0x1000  }
0xdd: {  	[sflag:s12] =	ssyncset.done $0x0  }
0xde: {  	s18 =	simm.s32 $0x5080;
	[sflag:s12] =	ssyncadd.s32 $0xFFFFF000  }
0xdf: {  	[spmem:s2] =	stream.indirect.scatter.add.bf16 [tilespmem:s8], [sflag:$0x5], $0x20, s18, s6, $0xb8;
	[tilespmem:$0x12100] =	vst v63  }
0xe0: {  	_ =	swait.ge [sflag:s13], $0x1000  }
0xe1: {  	[sflag:s13] =	ssyncset.done $0x0  }
0xe2: {  	s19 =	simm.s32 $0x380;
	[sflag:s13] =	ssyncadd.s32 $0xFFFFF000  }
0xe3: {  	[tilespmem:s8], [sflag:$0x2] =	stream.indirect.gather [hbm4b:s4+s6], $0x20, s19, s6, $0xb8;
	[tilespmem:$0x12100] =	vst v63  }
0xe4: {  	_ =	swait.ge [sflag:s14], $0x1000  }
0xe5: {  	[sflag:s14] =	ssyncset.done $0x0  }
0xe6: {  	s17 =	simm.s32 $0x600;
	s18 =	simm.s32 $0x5100;
	[sflag:s14] =	ssyncadd.s32 $0xFFFFF000  }
.LBB2_2:
0xe7: {  	[spmem:s2] =	stream.indirect.scatter.add.bf16 [tilespmem:s9], [sflag:$0x6], $0x20, s18, s6, $0xb8;
	[tilespmem:$0x12100] =	vst v63  }
0xe8: {  	s18 =	smov.u32 s17  }
0xe9: {  	p0 =	sne.s32 s17, $0x12600;
	s17 =	sadd.s32 $0x600, s17;
	_ =	swait.ge [sflag:s15], $0x1000  }
0xea: {  	s18 =	sshra.s32 s18, $0x2;
	[sflag:s15] =	ssyncset.done $0x0  }
0xeb: {  	s19 =	sadd.s32 $0x280, s18;
	[sflag:s15] =	ssyncadd.s32 $0xFFFFF000  }
0xec: {  	[tilespmem:s9], [sflag:$0x3] =	stream.indirect.gather [hbm4b:s4+s6], $0x20, s19, s6, $0xb8;
	[tilespmem:$0x12100] =	vst v63  }
0xed: {  	_ =	swait.ge [sflag:s10], $0x1000  }
0xee: {  	[sflag:s10] =	ssyncset.done $0x0  }
0xef: {  	s19 =	sadd.s32 $0x5000, s18;
	[sflag:s10] =	ssyncadd.s32 $0xFFFFF000  }
0xf0: {  	[spmem:s2] =	stream.indirect.scatter.add.bf16 [tilespmem:s7], [sflag:$0x4], $0x20, s19, s6, $0xb8;
	[tilespmem:$0x12100] =	vst v63  }
0xf1: {  	_ =	swait.ge [sflag:s11], $0x1000  }
0xf2: {  	[sflag:s11] =	ssyncset.done $0x0  }
0xf3: {  	s19 =	sadd.s32 $0x300, s18;
	[sflag:s11] =	ssyncadd.s32 $0xFFFFF000  }
0xf4: {  	[tilespmem:s7], [sflag:$0x1] =	stream.indirect.gather [hbm4b:s4+s6], $0x20, s19, s6, $0xb8;
	[tilespmem:$0x12100] =	vst v63  }
0xf5: {  	_ =	swait.ge [sflag:s12], $0x1000  }
0xf6: {  	[sflag:s12] =	ssyncset.done $0x0  }
0xf7: {  	s19 =	sadd.s32 $0x5080, s18;
	[sflag:s12] =	ssyncadd.s32 $0xFFFFF000  }
0xf8: {  	[spmem:s2] =	stream.indirect.scatter.add.bf16 [tilespmem:s8], [sflag:$0x5], $0x20, s19, s6, $0xb8;
	[tilespmem:$0x12100] =	vst v63  }
0xf9: {  	_ =	swait.ge [sflag:s13], $0x1000  }
0xfa: {  	[sflag:s13] =	ssyncset.done $0x0  }
.Ltmp0:
0xfb: {  	s19 =	sadd.s32 $0x380, s18;
	[sflag:s13] =	ssyncadd.s32 $0xFFFFF000;
	(pc) =	sbr.rel @p0 .LBB2_2-.Ltmp0, $4  }
0xfc: {  	[tilespmem:s8], [sflag:$0x2] =	stream.indirect.gather [hbm4b:s4+s6], $0x20, s19, s6, $0xb8;
	[tilespmem:$0x12100] =	vst v63  }
0xfd: {  	_ =	swait.ge [sflag:s14], $0x1000  }
0xfe: {  	[sflag:s14] =	ssyncset.done $0x0  }
0xff: {  	s18 =	sadd.s32 $0x5100, s18;
	[sflag:s14] =	ssyncadd.s32 $0xFFFFF000  }
0x100: {  	[spmem:s2] =	stream.indirect.scatter.add.bf16 [tilespmem:s9], [sflag:$0x6], $0x20, s18, s6, $0xb8;
	[tilespmem:$0x12100] =	vst v63  }
0x101: {  	_ =	swait.ge [sflag:s15], $0x1000  }
0x102: {  	[sflag:s15] =	ssyncset.done $0x0  }
0x103: {  	s17 =	simm.s32 $0x4D80;
	[sflag:s15] =	ssyncadd.s32 $0xFFFFF000  }
0x104: {  	[tilespmem:s9], [sflag:$0x3] =	stream.indirect.gather [hbm4b:s4+s6], $0x20, s17, s6, $0xb8;
	[tilespmem:$0x12100] =	vst v63  }
0x105: {  	_ =	swait.ge [sflag:s10], $0x1000  }
0x106: {  	[sflag:s10] =	ssyncset.done $0x0  }
0x107: {  	s19 =	simm.s32 $0x9B00;
	[sflag:s10] =	ssyncadd.s32 $0xFFFFF000  }
0x108: {  	[spmem:s2] =	stream.indirect.scatter.add.bf16 [tilespmem:s7], [sflag:$0x4], $0x20, s19, s6, $0xb8;
	[tilespmem:$0x12100] =	vst v63  }
0x109: {  	_ =	swait.ge [sflag:s11], $0x1000  }
0x10a: {  	[sflag:s11] =	ssyncset.done $0x0  }
0x10b: {  	s18 =	simm.s32 $0x4E00;
	[sflag:s11] =	ssyncadd.s32 $0xFFFFF000  }
0x10c: {  	[tilespmem:s7], [sflag:$0x1] =	stream.indirect.gather [hbm4b:s4+s6], $0x20, s18, s6, $0xb8;
	[tilespmem:$0x12100] =	vst v63  }
0x10d: {  	_ =	swait.ge [sflag:s12], $0x1000  }
0x10e: {  	[sflag:s12] =	ssyncset.done $0x0  }
0x10f: {  	s19 =	simm.s32 $0x9B80;
	[sflag:s12] =	ssyncadd.s32 $0xFFFFF000  }
0x110: {  	[spmem:s2] =	stream.indirect.scatter.add.bf16 [tilespmem:s8], [sflag:$0x5], $0x20, s19, s6, $0xb8;
	[tilespmem:$0x12100] =	vst v63  }
0x111: {  	_ =	swait.ge [sflag:s14], $0x1000  }
0x112: {  	[sflag:s14] =	ssyncset.done $0x0  }
0x113: {  	s18 =	simm.s32 $0x9C00;
	[sflag:s14] =	ssyncadd.s32 $0xFFFFF000  }
0x114: {  	[spmem:s2] =	stream.indirect.scatter.add.bf16 [tilespmem:s9], [sflag:$0x6], $0x20, s18, s6, $0xb8;
	[tilespmem:$0x12100] =	vst v63  }
0x115: {  	_ =	swait.ge [sflag:s10], $0x1000  }
0x116: {  	[sflag:s10] =	ssyncset.done $0x0  }
0x117: {  	s19 =	simm.s32 $0x9C80;
	[sflag:s10] =	ssyncadd.s32 $0xFFFFF000  }
0x118: {  	[spmem:s2] =	stream.indirect.scatter.add.bf16 [tilespmem:s7], [sflag:$0x4], $0x20, s19, s6, $0xb8;
	[tilespmem:$0x12100] =	vst v63  }
0x119: {  	_ =	swait.ge [sflag:s13], $0x1000  }
0x11a: {  	[sflag:s13] =	ssyncset.done $0x0  }
0x11b: {  	[sflag:s13] =	ssyncadd.s32 $0xFFFFF000  }
0x11c: {  	_ =	swait.ge [sflag:s15], $0x1000  }
0x11d: {  	[sflag:s15] =	ssyncset.done $0x0  }
0x11e: {  	[sflag:s15] =	ssyncadd.s32 $0xFFFFF000  }
0x11f: {  	_ =	swait.ge [sflag:s11], $0x1000  }
0x120: {  	[sflag:s11] =	ssyncset.done $0x0  }
0x121: {  	s18 =	stileid.u32;
	[sflag:s11] =	ssyncadd.s32 $0xFFFFF000  }
0x122: {  	s17 =	sshll.u32 s18, $0x6;
	[bflag:$0x0] =	sbarrier.arrive $0xFFFF  }
0x123: {  	s17 =	sor.u32 $0x1C07, s17;
	s19 =	rddreg [dreg:$0x6]  }
0x124: {  	[hbm:s19], [sflag:s17] =	dma.local [spmem:s25], $0xA00  }
0x125: {  	_ =	swait.ge [sflag:s1], $0xA00  }
0x126: {  	s16 =	sadd.s32 $0x1, s16;
	s19 =	rddreg [dreg:$0x7]  }
0x127: {  	p0 =	sne.s32 s16, s19  }
.Ltmp1:
0x128: {  	_ = 	snop;
	(pc) =	sbr.rel @p0 .LBB2_1-.Ltmp1, $3  }
0x129: {  	_ =	sdelay $0x1  }
0x12a: {  	[sflag:s1] =	ssyncset.done $0x0  }
0x12b: {  	[sflag:s1] =	ssyncadd.s32 $0xFFFFF600  }
0x12c: {  	_ =	sfence.sel $0x180000  }
0x12d: {  	[bflag:$0x0] =	sbarrier.arrive $0xFFFF  }
0x12e: {  	_ =	strace $0x9000004A  }
0x12f: {  	s0 =	stileid.u32;
	[bflag:$0x2] =	sbarrier.arrive $0xFFFF  }
0x130: {  	p0 =	sne.s32 s0, $0x0;
	s0 =	rddreg [dreg:$0x3]  }
0x131: {  	s0 =	sadd.s32 @!p0 $0x100000, s0  }
0x132: {  	[sflag:s0] =	ssyncadd.tile.s32 @!p0 $0x1;
	_ =	shalt  }
.Lfunc_end2:
_tile_overlayer_lowered:
.L_overlay_start_2:
0x133: {  	(tag) =	ssettag $0x2  }
0x134: {  	s0 =	rddreg [dreg:$0x0];
	s2 =	stileid.u32  }
0x135: {  	s1 =	rddreg [dreg:$0x1];
	p0 =	sne.s32 s2, $0x0  }
0x136: {  	s3 =	rddreg [dreg:$0x2];
	[bflag:$0x3] =	sbarrier.arrive $0xFFFF;
	s2 =	simm.s32 @!p0 $0x1C07  }
0x137: {  	[timem:s3], [sflag:s2] =	dma.local @!p0 [hbm:s0], s1  }
0x138: {  	s0 =	simm.s32 @!p0 $0x7  }
0x139: {  	_ =	swait.ge @!p0 [sflag:s0], s1  }
0x13a: {  	s1 =	ssub.s32 @!p0 $0x0, s1;
	[sflag:s0] =	ssyncset.done @!p0 $0x0  }
0x13b: {  	[sflag:s0] =	ssyncadd.s32 @!p0 s1  }
0x13c: {  	[bflag:$0x3] =	sbarrier.arrive $0xFFFF  }
0x13d: {  	_ =	shalt  }

</sc_bundles>
